<compile_context>
chip_gen: v7x
topology: tpu7x:2x2x1
jax: 0.10.2.dev20260603
libtpu: 0.0.44.dev20260713+nightly
codegen_flags: <defaults>
</compile_context>

<pallas_src>
import functools

import jax
import jax.numpy as jnp
from jax import lax
from jax.experimental import pallas as pl
from jax.experimental.pallas import tpu as pltpu
from jax.experimental.pallas import tpu_sc as plsc

N = 10000
E = 320000
D = 128
G = 64
C = 16

NC = 2
NS = 16
NW = NC * NS
EPW = E // NW
K = 40
NCHUNK = EPW // K
NBUF = 5
NPAD = 10240
RPT = NPAD // NS

R = 1000
NBLK = N // R


def _mesh():
  return plsc.VectorSubcoreMesh(
      core_axis_name="c", subcore_axis_name="s", num_cores=NC, num_subcores=NS)


def _sc_edge_pass(feat, src, dst, z128, z1, ones1, with_deg):
  out_type = [jax.ShapeDtypeStruct((NC * NPAD, D), jnp.float32)]
  scratch = [
      pltpu.VMEM((EPW,), jnp.int32),
      [pltpu.VMEM((K,), jnp.int32) for _ in range(NBUF)],
      [pltpu.VMEM((K, D), jnp.float32) for _ in range(NBUF)],
      pltpu.VMEM((K,), jnp.float32),
      pltpu.VMEM_SHARED((NPAD, D), jnp.float32),
      pltpu.VMEM_SHARED((NPAD,), jnp.float32),
      pltpu.SemaphoreType.DMA((NBUF,)),
      pltpu.SemaphoreType.DMA((NBUF,)),
      pltpu.SemaphoreType.DMA((NBUF,)),
  ]
  if with_deg:
    out_type.append(jax.ShapeDtypeStruct((NC * NPAD,), jnp.float32))

  @functools.partial(
      pl.kernel,
      out_type=tuple(out_type) if with_deg else out_type[0],
      mesh=_mesh(),
      scratch_types=scratch,
  )
  def k(feat_h, src_h, dst_h, zf_h, z1_h, ones_h, *rest):
    if with_deg:
      (acc_out, deg_out, src_all, dstb, rows, ones_v, acc_sh, deg_sh,
       gsem, ssem, dsem) = rest
    else:
      (acc_out, src_all, dstb, rows, ones_v, acc_sh, deg_sh,
       gsem, ssem, dsem) = rest
      deg_out = None
    cc = lax.axis_index("c")
    ss = lax.axis_index("s")
    wid = cc * NS + ss
    r0 = ss * RPT
    e0 = wid * EPW
    pltpu.sync_copy(zf_h.at[pl.ds(r0, RPT)], acc_sh.at[pl.ds(r0, RPT)])
    if with_deg:
      pltpu.sync_copy(z1_h.at[pl.ds(r0, RPT)], deg_sh.at[pl.ds(r0, RPT)])
      pltpu.sync_copy(ones_h, ones_v)
    pltpu.sync_copy(src_h.at[pl.ds(e0, EPW)], src_all)
    plsc.subcore_barrier()

    def fire(i, b):
      pltpu.async_copy(dst_h.at[pl.ds(e0 + i * K, K)], dstb[b], gsem.at[b])
      pltpu.async_copy(feat_h.at[src_all.at[pl.ds(i * K, K)]], rows[b],
                       gsem.at[b])

    for b in range(NBUF):
      fire(b, b)

    @pl.loop(0, NCHUNK, step=NBUF)
    def _(t):
      for b in range(NBUF):
        i = t + b
        pltpu.make_async_copy(dst_h.at[pl.ds(e0 + i * K, K)], dstb[b],
                              gsem.at[b]).wait()
        pltpu.make_async_copy(feat_h.at[src_all.at[pl.ds(i * K, K)]],
                              rows[b], gsem.at[b]).wait()
        pltpu.async_copy(rows[b], acc_sh.at[dstb[b]], ssem.at[b], add=True)
        if with_deg:
          pltpu.async_copy(ones_v, deg_sh.at[dstb[b]], dsem.at[b], add=True)

        @pl.when(i + NBUF < NCHUNK)
        def _():
          pltpu.make_async_copy(rows[b], acc_sh.at[dstb[b]],
                                ssem.at[b]).wait()
          if with_deg:
            pltpu.make_async_copy(ones_v, deg_sh.at[dstb[b]],
                                  dsem.at[b]).wait()
          fire(i + NBUF, b)

    for b in range(NBUF):
      pltpu.make_async_copy(rows[b], acc_sh.at[dstb[b]], ssem.at[b]).wait()
      if with_deg:
        pltpu.make_async_copy(ones_v, deg_sh.at[dstb[b]], dsem.at[b]).wait()
    plsc.subcore_barrier()
    pltpu.sync_copy(acc_sh.at[pl.ds(r0, RPT)],
                    acc_out.at[pl.ds(cc * NPAD + r0, RPT)])
    if with_deg:
      pltpu.sync_copy(deg_sh.at[pl.ds(r0, RPT)],
                      deg_out.at[pl.ds(cc * NPAD + r0, RPT)])

  return k(feat, src, dst, z128, z1, ones1)


def _tc1_body(acc0, acc1, deg0, deg1, xb, w1lt, w1rt, b1r, out):
  deg = deg0[0, 0, :] + deg1[0, 0, :]
  deginv = (1.0 / jnp.maximum(deg, 1.0))[:, None]
  agg = (acc0[...] + acc1[...]) * deginv
  h = jnp.dot(agg, w1lt[...], preferred_element_type=jnp.float32)
  h = h + jnp.dot(xb[...], w1rt[...], preferred_element_type=jnp.float32)
  out[...] = jnp.maximum(h + b1r[...], 0.0)


def _tc_layer1(acc0, acc1, deg0, deg1, x, w1lt, w1rt, b1r):
  row_spec = pl.BlockSpec((R, D), lambda i: (i, 0))
  deg_spec = pl.BlockSpec((1, 1, R), lambda i: (i, 0, 0))
  w_spec = pl.BlockSpec((D, D), lambda i: (0, 0))
  b_spec = pl.BlockSpec((1, D), lambda i: (0, 0))
  return pl.pallas_call(
      _tc1_body,
      grid=(NBLK,),
      in_specs=[row_spec, row_spec, deg_spec, deg_spec, row_spec, w_spec,
                w_spec, b_spec],
      out_specs=row_spec,
      out_shape=jax.ShapeDtypeStruct((N, D), jnp.float32),
  )(acc0, acc1, deg0, deg1, x, w1lt, w1rt, b1r)


def _tc2_body(acc0, acc1, deg0, deg1, h1b, batchb, w2lt, w2rt, b2r, wlint,
              blinr, out, s_agg, s_h1, s_cnt):
  i = pl.program_id(0)

  @pl.when(i == 0)
  def _():
    s_agg[...] = jnp.zeros_like(s_agg)
    s_h1[...] = jnp.zeros_like(s_h1)
    s_cnt[...] = jnp.zeros_like(s_cnt)

  deg = deg0[0, 0, :] + deg1[0, 0, :]
  deginv = (1.0 / jnp.maximum(deg, 1.0))[:, None]
  agg = (acc0[...] + acc1[...]) * deginv
  ids = batchb[0, 0, :]
  onehot = (ids[:, None] == lax.broadcasted_iota(jnp.int32, (R, G), 1)
            ).astype(jnp.float32)
  dn = (((0,), (0,)), ((), ()))
  s_agg[...] += lax.dot_general(onehot, agg, dn,
                                preferred_element_type=jnp.float32)
  s_h1[...] += lax.dot_general(onehot, h1b[...], dn,
                               preferred_element_type=jnp.float32)
  s_cnt[...] += lax.dot_general(onehot, jnp.ones((R, D), jnp.float32), dn,
                                preferred_element_type=jnp.float32)

  @pl.when(i == pl.num_programs(0) - 1)
  def _():
    cnt = s_cnt[...]
    pooled = jnp.dot(s_agg[...], w2lt[...], preferred_element_type=jnp.float32)
    pooled += jnp.dot(s_h1[...], w2rt[...], preferred_element_type=jnp.float32)
    pooled = (pooled + cnt * b2r[...]) / jnp.maximum(cnt, 1.0)
    out[...] = jnp.dot(pooled, wlint[...],
                       preferred_element_type=jnp.float32) + blinr[...]


def _tc_layer2(acc0, acc1, deg0, deg1, h1, batch3, w2lt, w2rt, b2r, wlint,
               blinr):
  row_spec = pl.BlockSpec((R, D), lambda i: (i, 0))
  deg_spec = pl.BlockSpec((1, 1, R), lambda i: (i, 0, 0))
  batch_spec = pl.BlockSpec((1, 1, R), lambda i: (i, 0, 0))
  w_spec = pl.BlockSpec((D, D), lambda i: (0, 0))
  b_spec = pl.BlockSpec((1, D), lambda i: (0, 0))
  wlin_spec = pl.BlockSpec((D, C), lambda i: (0, 0))
  blin_spec = pl.BlockSpec((1, C), lambda i: (0, 0))
  out_spec = pl.BlockSpec((G, C), lambda i: (0, 0))
  return pl.pallas_call(
      _tc2_body,
      grid=(NBLK,),
      in_specs=[row_spec, row_spec, deg_spec, deg_spec, row_spec, batch_spec,
                w_spec, w_spec, b_spec, wlin_spec, blin_spec],
      out_specs=out_spec,
      out_shape=jax.ShapeDtypeStruct((G, C), jnp.float32),
      scratch_shapes=[
          pltpu.VMEM((G, D), jnp.float32),
          pltpu.VMEM((G, D), jnp.float32),
          pltpu.VMEM((G, D), jnp.float32),
      ],
  )(acc0, acc1, deg0, deg1, h1, batch3, w2lt, w2rt, b2r, wlint, blinr)


def kernel(x, edge_index, batch, W1l, b1, W1r, W2l, b2, W2r, Wlin, blin):
  src = edge_index[0]
  dst = edge_index[1]
  z128 = jnp.zeros((NPAD, D), jnp.float32)
  z1 = jnp.zeros((NPAD,), jnp.float32)
  ones1 = jnp.ones((K,), jnp.float32)

  acc1, deg = _sc_edge_pass(x, src, dst, z128, z1, ones1, with_deg=True)
  deg0 = deg[:N].reshape(NBLK, 1, R)
  deg1 = deg[NPAD:NPAD + N].reshape(NBLK, 1, R)
  h1 = _tc_layer1(acc1[:N], acc1[NPAD:NPAD + N], deg0, deg1, x,
                  W1l.T, W1r.T, b1.reshape(1, D))
  acc2 = _sc_edge_pass(h1, src, dst, z128, z1, ones1, with_deg=False)
  out = _tc_layer2(acc2[:N], acc2[NPAD:NPAD + N], deg0, deg1, h1,
                   batch.reshape(NBLK, 1, R), W2l.T, W2r.T,
                   b2.reshape(1, D), Wlin.T, blin.reshape(1, C))
  return out

# --- scband reference (transcript-rebuilt; emitter-appended) ---
"""Pipeline reference for scband-gnn-2619930050604 (READ-ONLY COPY).

The authoritative reference and input builder live on the scoring server;
editing this copy changes nothing except your own understanding.
"""

import jax, jax.numpy as jnp
import numpy as np

N = 10000
E = 320000
D = 128
H = 128
C = 16
G = 64


def setup_inputs(seed: int = 0) -> dict:
    key = jax.random.key(seed)
    ks = jax.random.split(key, 12)
    x = jax.random.normal(ks[0], (N, D), dtype=jnp.float32)
    edge_index = jax.random.randint(ks[1], (2, E), 0, N, dtype=jnp.int32)
    batch = jnp.sort(jax.random.randint(ks[2], (N,), 0, G, dtype=jnp.int32))
    s = 1.0 / np.sqrt(D)
    sh = 1.0 / np.sqrt(H)
    W1l = jax.random.uniform(ks[3], (H, D), jnp.float32, -s, s)
    b1 = jax.random.uniform(ks[4], (H,), jnp.float32, -s, s)
    W1r = jax.random.uniform(ks[5], (H, D), jnp.float32, -s, s)
    W2l = jax.random.uniform(ks[6], (H, H), jnp.float32, -sh, sh)
    b2 = jax.random.uniform(ks[7], (H,), jnp.float32, -sh, sh)
    W2r = jax.random.uniform(ks[8], (H, H), jnp.float32, -sh, sh)
    Wlin = jax.random.uniform(ks[9], (C, H), jnp.float32, -sh, sh)
    blin = jax.random.uniform(ks[10], (C,), jnp.float32, -sh, sh)
    return {"x": x, "edge_index": edge_index, "batch": batch,
            "W1l": W1l, "b1": b1, "W1r": W1r,
            "W2l": W2l, "b2": b2, "W2r": W2r,
            "Wlin": Wlin, "blin": blin}


def _sage_conv(x, src, dst, W_l, b, W_r, num_nodes):
    # SAGEConv with mean aggregation: out = lin_l(mean_{j in N(i)} x_j) + lin_r(x_i)
    msg = jnp.take(x, src, axis=0)
    summed = jax.ops.segment_sum(msg, dst, num_segments=num_nodes)
    cnt = jax.ops.segment_sum(jnp.ones((src.shape[0], 1), dtype=x.dtype), dst, num_segments=num_nodes)
    agg = summed / jnp.clip(cnt, 1.0, None)
    return agg @ W_l.T + b + x @ W_r.T


def reference(x, edge_index, batch, W1l, b1, W1r, W2l, b2, W2r, Wlin, blin):
    num_nodes = x.shape[0]
    src = edge_index[0]
    dst = edge_index[1]
    h = _sage_conv(x, src, dst, W1l, b1, W1r, num_nodes)
    h = jax.nn.relu(h)
    h = _sage_conv(h, src, dst, W2l, b2, W2r, num_nodes)
    # global_mean_pool over batch ids
    pooled_sum = jax.ops.segment_sum(h, batch, num_segments=G)
    pooled_cnt = jax.ops.segment_sum(jnp.ones((num_nodes, 1), dtype=h.dtype), batch, num_segments=G)
    pooled = pooled_sum / jnp.clip(pooled_cnt, 1.0, None)
    return pooled @ Wlin.T + blin

if __name__ == "__main__":
    import jax
    _d = setup_inputs()
    print(jax.jit(kernel)(*tuple(_d.values())))

</pallas_src>

<mosaic_0001>
#map = affine_map<(d0, d1) -> (0, 0)>
#map1 = affine_map<(d0, d1) -> (0)>
module attributes {stable_mosaic.version = 14 : i64} {
  func.func @k(%arg0: i32, %arg1: i32, %arg2: memref<10000x128xf32, #tpu.memory_space<hbm>>, %arg3: memref<320000xi32, #tpu.memory_space<hbm>>, %arg4: memref<320000xi32, #tpu.memory_space<hbm>>, %arg5: memref<10240x128xf32, #tpu.memory_space<hbm>>, %arg6: memref<10240xf32, #tpu.memory_space<hbm>>, %arg7: memref<40xf32, #tpu.memory_space<hbm>>, %arg8: memref<20480x128xf32, #tpu.memory_space<hbm>>, %arg9: memref<10000xi32, #tpu.memory_space<vmem>>, %arg10: memref<40xi32, #tpu.memory_space<vmem>>, %arg11: memref<40xi32, #tpu.memory_space<vmem>>, %arg12: memref<40xi32, #tpu.memory_space<vmem>>, %arg13: memref<40xi32, #tpu.memory_space<vmem>>, %arg14: memref<40xi32, #tpu.memory_space<vmem>>, %arg15: memref<40x128xf32, #tpu.memory_space<vmem>>, %arg16: memref<40x128xf32, #tpu.memory_space<vmem>>, %arg17: memref<40x128xf32, #tpu.memory_space<vmem>>, %arg18: memref<40x128xf32, #tpu.memory_space<vmem>>, %arg19: memref<40x128xf32, #tpu.memory_space<vmem>>, %arg20: memref<40xf32, #tpu.memory_space<vmem>>, %arg21: memref<10240x128xf32, #tpu.memory_space<vmem_shared>>, %arg22: memref<10240xf32, #tpu.memory_space<vmem_shared>>, %arg23: memref<5x!tpu.dma_semaphore, #tpu.memory_space<semaphore_mem>>, %arg24: memref<5x!tpu.dma_semaphore, #tpu.memory_space<semaphore_mem>>, %arg25: memref<5x!tpu.dma_semaphore, #tpu.memory_space<semaphore_mem>>) attributes {dimension_semantics = [#tpu.dimension_semantics<core_parallel>, #tpu.dimension_semantics<subcore_parallel>], iteration_bounds = array<i64: 2, 16>, scalar_prefetch = 0 : i64, scratch_operands = 17 : i64, tpu.core_type = #tpu.core_type<sc_vector_subcore>, window_params = [{transform_indices = #map}, {transform_indices = #map1}, {transform_indices = #map1}, {transform_indices = #map}, {transform_indices = #map1}, {transform_indices = #map1}, {transform_indices = #map}]} {
    %mul3A = arith.constant 16 : i32
    %mul3A_0 = arith.muli %arg0, %mul3A : i32
    %add3A = arith.addi %mul3A_0, %arg1 : i32
    %mul3A_1 = arith.constant 640 : i32
    %mul3A_2 = arith.muli %arg1, %mul3A_1 : i32
    %mul3A_3 = arith.constant 10000 : i32
    %mul3A_4 = arith.muli %add3A, %mul3A_3 : i32
    "tpu.region"() ({
      %run_scoped3A = tpu.sem_alloc : memref<!tpu.dma_semaphore, #tpu.memory_space<semaphore_mem>>
      %dma_start3A_116 = arith.constant 0 : i32
      %dma_start3A_117 = tpu.memref_slice %arg21[%mul3A_2, %dma_start3A_116] : memref<10240x128xf32, #tpu.memory_space<vmem_shared>> -> memref<640x128xf32, #tpu.memory_space<vmem_shared>>
      %dma_start3A_118 = arith.constant 0 : i32
      %dma_start3A_119 = tpu.memref_slice %arg5[%mul3A_2, %dma_start3A_118] : memref<10240x128xf32, #tpu.memory_space<hbm>> -> memref<640x128xf32, #tpu.memory_space<hbm>>
      tpu.enqueue_dma source(%dma_start3A_119 : memref<640x128xf32, #tpu.memory_space<hbm>>) target(%dma_start3A_117 : memref<640x128xf32, #tpu.memory_space<vmem_shared>>) target_semaphore(%run_scoped3A : memref<!tpu.dma_semaphore, #tpu.memory_space<semaphore_mem>>)
      %dma_wait3A_120 = arith.constant 0 : i32
      %dma_wait3A_121 = tpu.memref_slice %arg21[%mul3A_2, %dma_wait3A_120] : memref<10240x128xf32, #tpu.memory_space<vmem_shared>> -> memref<640x128xf32, #tpu.memory_space<vmem_shared>>
      %dma_wait3A_122 = arith.constant 0 : i32
      %dma_wait3A_123 = tpu.memref_slice %arg5[%mul3A_2, %dma_wait3A_122] : memref<10240x128xf32, #tpu.memory_space<hbm>> -> memref<640x128xf32, #tpu.memory_space<hbm>>
      tpu.wait_dma2 semaphore(%run_scoped3A : memref<!tpu.dma_semaphore, #tpu.memory_space<semaphore_mem>>) src(%dma_wait3A_123 : memref<640x128xf32, #tpu.memory_space<hbm>>) dst(%dma_wait3A_121 : memref<640x128xf32, #tpu.memory_space<vmem_shared>>)
      tpu.yield
    }) : () -> ()
    "tpu.region"() ({
      %run_scoped3A = tpu.sem_alloc : memref<!tpu.dma_semaphore, #tpu.memory_space<semaphore_mem>>
      %dma_start3A_116 = tpu.memref_slice %arg3[%mul3A_4] : memref<320000xi32, #tpu.memory_space<hbm>> -> memref<10000xi32, #tpu.memory_space<hbm>>
      %dma_start3A_117 = tpu.memref_slice %arg3[%mul3A_4] : memref<320000xi32, #tpu.memory_space<hbm>> -> memref<10000xi32, #tpu.memory_space<hbm>>
      tpu.enqueue_dma source(%dma_start3A_117 : memref<10000xi32, #tpu.memory_space<hbm>>) target(%arg9 : memref<10000xi32, #tpu.memory_space<vmem>>) target_semaphore(%run_scoped3A : memref<!tpu.dma_semaphore, #tpu.memory_space<semaphore_mem>>)
      %dma_wait3A_118 = tpu.memref_slice %arg3[%mul3A_4] : memref<320000xi32, #tpu.memory_space<hbm>> -> memref<10000xi32, #tpu.memory_space<hbm>>
      %dma_wait3A_119 = tpu.memref_slice %arg3[%mul3A_4] : memref<320000xi32, #tpu.memory_space<hbm>> -> memref<10000xi32, #tpu.memory_space<hbm>>
      tpu.wait_dma2 semaphore(%run_scoped3A : memref<!tpu.dma_semaphore, #tpu.memory_space<semaphore_mem>>) src(%dma_wait3A_119 : memref<10000xi32, #tpu.memory_space<hbm>>) dst(%arg9 : memref<10000xi32, #tpu.memory_space<vmem>>)
      tpu.yield
    }) : () -> ()
    %barrier3A = arith.constant 0 : index
    tpu.barrier barrier_id(%barrier3A)
    %add3A_5 = arith.constant 0 : i32
    %add3A_6 = arith.addi %mul3A_4, %add3A_5 : i32
    %dma_start3A = arith.constant 0 : i32
    %dma_start3A_7 = tpu.memref_slice %arg4[%add3A_6] : memref<320000xi32, #tpu.memory_space<hbm>> -> memref<40xi32, #tpu.memory_space<hbm>>
    %dma_start3A_8 = tpu.memref_slice %arg23[%dma_start3A] : memref<5x!tpu.dma_semaphore, #tpu.memory_space<semaphore_mem>> -> memref<1x!tpu.dma_semaphore, #tpu.memory_space<semaphore_mem>>
    %dma_start3A_9 = tpu.memref_squeeze %dma_start3A_8 : memref<1x!tpu.dma_semaphore, #tpu.memory_space<semaphore_mem>> -> memref<!tpu.dma_semaphore, #tpu.memory_space<semaphore_mem>>
    %dma_start3A_10 = tpu.memref_slice %arg4[%add3A_6] : memref<320000xi32, #tpu.memory_space<hbm>> -> memref<40xi32, #tpu.memory_space<hbm>>
    tpu.enqueue_dma source(%dma_start3A_10 : memref<40xi32, #tpu.memory_space<hbm>>) target(%arg10 : memref<40xi32, #tpu.memory_space<vmem>>) target_semaphore(%dma_start3A_9 : memref<!tpu.dma_semaphore, #tpu.memory_space<semaphore_mem>>)
    %dma_start3A_11 = arith.constant 0 : i32
    %dma_start3A_12 = arith.constant 0 : i32
    %dma_start3A_13 = tpu.memref_slice %arg9[%dma_start3A_12] : memref<10000xi32, #tpu.memory_space<vmem>> -> memref<40xi32, #tpu.memory_space<vmem>>
    %dma_start3A_14 = arith.constant 0 : i32
    %dma_start3A_15 = arith.constant 0 : i32
    %dma_start3A_16 = tpu.memref_slice %arg2[%dma_start3A_14, %dma_start3A_15] : memref<10000x128xf32, #tpu.memory_space<hbm>> -> memref<10000x128xf32, #tpu.memory_space<hbm>>
    %dma_start3A_17 = tpu.memref_slice %arg23[%dma_start3A_11] : memref<5x!tpu.dma_semaphore, #tpu.memory_space<semaphore_mem>> -> memref<1x!tpu.dma_semaphore, #tpu.memory_space<semaphore_mem>>
    %dma_start3A_18 = tpu.memref_squeeze %dma_start3A_17 : memref<1x!tpu.dma_semaphore, #tpu.memory_space<semaphore_mem>> -> memref<!tpu.dma_semaphore, #tpu.memory_space<semaphore_mem>>
    tpu.enqueue_indirect_dma source(%dma_start3A_16 : memref<10000x128xf32, #tpu.memory_space<hbm>>) target(%arg15 : memref<40x128xf32, #tpu.memory_space<vmem>>) offsets(%dma_start3A_13 : memref<40xi32, #tpu.memory_space<vmem>>) semaphore(%dma_start3A_18 : memref<!tpu.dma_semaphore, #tpu.memory_space<semaphore_mem>>)
    %add3A_19 = arith.constant 40 : i32
    %add3A_20 = arith.addi %mul3A_4, %add3A_19 : i32
    %dma_start3A_21 = arith.constant 1 : i32
    %dma_start3A_22 = tpu.memref_slice %arg4[%add3A_20] : memref<320000xi32, #tpu.memory_space<hbm>> -> memref<40xi32, #tpu.memory_space<hbm>>
    %dma_start3A_23 = tpu.memref_slice %arg23[%dma_start3A_21] : memref<5x!tpu.dma_semaphore, #tpu.memory_space<semaphore_mem>> -> memref<1x!tpu.dma_semaphore, #tpu.memory_space<semaphore_mem>>
    %dma_start3A_24 = tpu.memref_squeeze %dma_start3A_23 : memref<1x!tpu.dma_semaphore, #tpu.memory_space<semaphore_mem>> -> memref<!tpu.dma_semaphore, #tpu.memory_space<semaphore_mem>>
    %dma_start3A_25 = tpu.memref_slice %arg4[%add3A_20] : memref<320000xi32, #tpu.memory_space<hbm>> -> memref<40xi32, #tpu.memory_space<hbm>>
    tpu.enqueue_dma source(%dma_start3A_25 : memref<40xi32, #tpu.memory_space<hbm>>) target(%arg11 : memref<40xi32, #tpu.memory_space<vmem>>) target_semaphore(%dma_start3A_24 : memref<!tpu.dma_semaphore, #tpu.memory_space<semaphore_mem>>)
    %dma_start3A_26 = arith.constant 1 : i32
    %dma_start3A_27 = arith.constant 40 : i32
    %dma_start3A_28 = tpu.memref_slice %arg9[%dma_start3A_27] : memref<10000xi32, #tpu.memory_space<vmem>> -> memref<40xi32, #tpu.memory_space<vmem>>
    %dma_start3A_29 = arith.constant 0 : i32
    %dma_start3A_30 = arith.constant 0 : i32
    %dma_start3A_31 = tpu.memref_slice %arg2[%dma_start3A_29, %dma_start3A_30] : memref<10000x128xf32, #tpu.memory_space<hbm>> -> memref<10000x128xf32, #tpu.memory_space<hbm>>
    %dma_start3A_32 = tpu.memref_slice %arg23[%dma_start3A_26] : memref<5x!tpu.dma_semaphore, #tpu.memory_space<semaphore_mem>> -> memref<1x!tpu.dma_semaphore, #tpu.memory_space<semaphore_mem>>
    %dma_start3A_33 = tpu.memref_squeeze %dma_start3A_32 : memref<1x!tpu.dma_semaphore, #tpu.memory_space<semaphore_mem>> -> memref<!tpu.dma_semaphore, #tpu.memory_space<semaphore_mem>>
    tpu.enqueue_indirect_dma source(%dma_start3A_31 : memref<10000x128xf32, #tpu.memory_space<hbm>>) target(%arg16 : memref<40x128xf32, #tpu.memory_space<vmem>>) offsets(%dma_start3A_28 : memref<40xi32, #tpu.memory_space<vmem>>) semaphore(%dma_start3A_33 : memref<!tpu.dma_semaphore, #tpu.memory_space<semaphore_mem>>)
    %add3A_34 = arith.constant 80 : i32
    %add3A_35 = arith.addi %mul3A_4, %add3A_34 : i32
    %dma_start3A_36 = arith.constant 2 : i32
    %dma_start3A_37 = tpu.memref_slice %arg4[%add3A_35] : memref<320000xi32, #tpu.memory_space<hbm>> -> memref<40xi32, #tpu.memory_space<hbm>>
    %dma_start3A_38 = tpu.memref_slice %arg23[%dma_start3A_36] : memref<5x!tpu.dma_semaphore, #tpu.memory_space<semaphore_mem>> -> memref<1x!tpu.dma_semaphore, #tpu.memory_space<semaphore_mem>>
    %dma_start3A_39 = tpu.memref_squeeze %dma_start3A_38 : memref<1x!tpu.dma_semaphore, #tpu.memory_space<semaphore_mem>> -> memref<!tpu.dma_semaphore, #tpu.memory_space<semaphore_mem>>
    %dma_start3A_40 = tpu.memref_slice %arg4[%add3A_35] : memref<320000xi32, #tpu.memory_space<hbm>> -> memref<40xi32, #tpu.memory_space<hbm>>
    tpu.enqueue_dma source(%dma_start3A_40 : memref<40xi32, #tpu.memory_space<hbm>>) target(%arg12 : memref<40xi32, #tpu.memory_space<vmem>>) target_semaphore(%dma_start3A_39 : memref<!tpu.dma_semaphore, #tpu.memory_space<semaphore_mem>>)
    %dma_start3A_41 = arith.constant 2 : i32
    %dma_start3A_42 = arith.constant 80 : i32
    %dma_start3A_43 = tpu.memref_slice %arg9[%dma_start3A_42] : memref<10000xi32, #tpu.memory_space<vmem>> -> memref<40xi32, #tpu.memory_space<vmem>>
    %dma_start3A_44 = arith.constant 0 : i32
    %dma_start3A_45 = arith.constant 0 : i32
    %dma_start3A_46 = tpu.memref_slice %arg2[%dma_start3A_44, %dma_start3A_45] : memref<10000x128xf32, #tpu.memory_space<hbm>> -> memref<10000x128xf32, #tpu.memory_space<hbm>>
    %dma_start3A_47 = tpu.memref_slice %arg23[%dma_start3A_41] : memref<5x!tpu.dma_semaphore, #tpu.memory_space<semaphore_mem>> -> memref<1x!tpu.dma_semaphore, #tpu.memory_space<semaphore_mem>>
    %dma_start3A_48 = tpu.memref_squeeze %dma_start3A_47 : memref<1x!tpu.dma_semaphore, #tpu.memory_space<semaphore_mem>> -> memref<!tpu.dma_semaphore, #tpu.memory_space<semaphore_mem>>
    tpu.enqueue_indirect_dma source(%dma_start3A_46 : memref<10000x128xf32, #tpu.memory_space<hbm>>) target(%arg17 : memref<40x128xf32, #tpu.memory_space<vmem>>) offsets(%dma_start3A_43 : memref<40xi32, #tpu.memory_space<vmem>>) semaphore(%dma_start3A_48 : memref<!tpu.dma_semaphore, #tpu.memory_space<semaphore_mem>>)
    %add3A_49 = arith.constant 120 : i32
    %add3A_50 = arith.addi %mul3A_4, %add3A_49 : i32
    %dma_start3A_51 = arith.constant 3 : i32
    %dma_start3A_52 = tpu.memref_slice %arg4[%add3A_50] : memref<320000xi32, #tpu.memory_space<hbm>> -> memref<40xi32, #tpu.memory_space<hbm>>
    %dma_start3A_53 = tpu.memref_slice %arg23[%dma_start3A_51] : memref<5x!tpu.dma_semaphore, #tpu.memory_space<semaphore_mem>> -> memref<1x!tpu.dma_semaphore, #tpu.memory_space<semaphore_mem>>
    %dma_start3A_54 = tpu.memref_squeeze %dma_start3A_53 : memref<1x!tpu.dma_semaphore, #tpu.memory_space<semaphore_mem>> -> memref<!tpu.dma_semaphore, #tpu.memory_space<semaphore_mem>>
    %dma_start3A_55 = tpu.memref_slice %arg4[%add3A_50] : memref<320000xi32, #tpu.memory_space<hbm>> -> memref<40xi32, #tpu.memory_space<hbm>>
    tpu.enqueue_dma source(%dma_start3A_55 : memref<40xi32, #tpu.memory_space<hbm>>) target(%arg13 : memref<40xi32, #tpu.memory_space<vmem>>) target_semaphore(%dma_start3A_54 : memref<!tpu.dma_semaphore, #tpu.memory_space<semaphore_mem>>)
    %dma_start3A_56 = arith.constant 3 : i32
    %dma_start3A_57 = arith.constant 120 : i32
    %dma_start3A_58 = tpu.memref_slice %arg9[%dma_start3A_57] : memref<10000xi32, #tpu.memory_space<vmem>> -> memref<40xi32, #tpu.memory_space<vmem>>
    %dma_start3A_59 = arith.constant 0 : i32
    %dma_start3A_60 = arith.constant 0 : i32
    %dma_start3A_61 = tpu.memref_slice %arg2[%dma_start3A_59, %dma_start3A_60] : memref<10000x128xf32, #tpu.memory_space<hbm>> -> memref<10000x128xf32, #tpu.memory_space<hbm>>
    %dma_start3A_62 = tpu.memref_slice %arg23[%dma_start3A_56] : memref<5x!tpu.dma_semaphore, #tpu.memory_space<semaphore_mem>> -> memref<1x!tpu.dma_semaphore, #tpu.memory_space<semaphore_mem>>
    %dma_start3A_63 = tpu.memref_squeeze %dma_start3A_62 : memref<1x!tpu.dma_semaphore, #tpu.memory_space<semaphore_mem>> -> memref<!tpu.dma_semaphore, #tpu.memory_space<semaphore_mem>>
    tpu.enqueue_indirect_dma source(%dma_start3A_61 : memref<10000x128xf32, #tpu.memory_space<hbm>>) target(%arg18 : memref<40x128xf32, #tpu.memory_space<vmem>>) offsets(%dma_start3A_58 : memref<40xi32, #tpu.memory_space<vmem>>) semaphore(%dma_start3A_63 : memref<!tpu.dma_semaphore, #tpu.memory_space<semaphore_mem>>)
    %add3A_64 = arith.constant 160 : i32
    %add3A_65 = arith.addi %mul3A_4, %add3A_64 : i32
    %dma_start3A_66 = arith.constant 4 : i32
    %dma_start3A_67 = tpu.memref_slice %arg4[%add3A_65] : memref<320000xi32, #tpu.memory_space<hbm>> -> memref<40xi32, #tpu.memory_space<hbm>>
    %dma_start3A_68 = tpu.memref_slice %arg23[%dma_start3A_66] : memref<5x!tpu.dma_semaphore, #tpu.memory_space<semaphore_mem>> -> memref<1x!tpu.dma_semaphore, #tpu.memory_space<semaphore_mem>>
    %dma_start3A_69 = tpu.memref_squeeze %dma_start3A_68 : memref<1x!tpu.dma_semaphore, #tpu.memory_space<semaphore_mem>> -> memref<!tpu.dma_semaphore, #tpu.memory_space<semaphore_mem>>
    %dma_start3A_70 = tpu.memref_slice %arg4[%add3A_65] : memref<320000xi32, #tpu.memory_space<hbm>> -> memref<40xi32, #tpu.memory_space<hbm>>
    tpu.enqueue_dma source(%dma_start3A_70 : memref<40xi32, #tpu.memory_space<hbm>>) target(%arg14 : memref<40xi32, #tpu.memory_space<vmem>>) target_semaphore(%dma_start3A_69 : memref<!tpu.dma_semaphore, #tpu.memory_space<semaphore_mem>>)
    %dma_start3A_71 = arith.constant 4 : i32
    %dma_start3A_72 = arith.constant 160 : i32
    %dma_start3A_73 = tpu.memref_slice %arg9[%dma_start3A_72] : memref<10000xi32, #tpu.memory_space<vmem>> -> memref<40xi32, #tpu.memory_space<vmem>>
    %dma_start3A_74 = arith.constant 0 : i32
    %dma_start3A_75 = arith.constant 0 : i32
    %dma_start3A_76 = tpu.memref_slice %arg2[%dma_start3A_74, %dma_start3A_75] : memref<10000x128xf32, #tpu.memory_space<hbm>> -> memref<10000x128xf32, #tpu.memory_space<hbm>>
    %dma_start3A_77 = tpu.memref_slice %arg23[%dma_start3A_71] : memref<5x!tpu.dma_semaphore, #tpu.memory_space<semaphore_mem>> -> memref<1x!tpu.dma_semaphore, #tpu.memory_space<semaphore_mem>>
    %dma_start3A_78 = tpu.memref_squeeze %dma_start3A_77 : memref<1x!tpu.dma_semaphore, #tpu.memory_space<semaphore_mem>> -> memref<!tpu.dma_semaphore, #tpu.memory_space<semaphore_mem>>
    tpu.enqueue_indirect_dma source(%dma_start3A_76 : memref<10000x128xf32, #tpu.memory_space<hbm>>) target(%arg19 : memref<40x128xf32, #tpu.memory_space<vmem>>) offsets(%dma_start3A_73 : memref<40xi32, #tpu.memory_space<vmem>>) semaphore(%dma_start3A_78 : memref<!tpu.dma_semaphore, #tpu.memory_space<semaphore_mem>>)
    %scan3A = arith.constant 0 : i32
    %scan3A_79 = arith.constant 50 : i32
    %scan3A_80 = arith.addi %scan3A, %scan3A_79 : i32
    %scan3A_81 = arith.constant 1 : i32
    scf.for %scan3A_116 = %scan3A to %scan3A_80 step %scan3A_81  : i32 {
      %mul3A_117 = arith.constant 5 : i32
      %mul3A_118 = arith.muli %scan3A_116, %mul3A_117 : i32
      %add3A_119 = arith.constant 0 : i32
      %add3A_120 = arith.addi %add3A_119, %mul3A_118 : i32
      %add3A_121 = arith.constant 0 : i32
      %add3A_122 = arith.addi %add3A_120, %add3A_121 : i32
      %mul3A_123 = arith.constant 40 : i32
      %mul3A_124 = arith.muli %add3A_122, %mul3A_123 : i32
      %add3A_125 = arith.addi %mul3A_4, %mul3A_124 : i32
      %dma_wait3A_126 = arith.constant 0 : i32
      %dma_wait3A_127 = tpu.memref_slice %arg4[%add3A_125] : memref<320000xi32, #tpu.memory_space<hbm>> -> memref<40xi32, #tpu.memory_space<hbm>>
      %dma_wait3A_128 = tpu.memref_slice %arg23[%dma_wait3A_126] : memref<5x!tpu.dma_semaphore, #tpu.memory_space<semaphore_mem>> -> memref<1x!tpu.dma_semaphore, #tpu.memory_space<semaphore_mem>>
      %dma_wait3A_129 = tpu.memref_squeeze %dma_wait3A_128 : memref<1x!tpu.dma_semaphore, #tpu.memory_space<semaphore_mem>> -> memref<!tpu.dma_semaphore, #tpu.memory_space<semaphore_mem>>
      %dma_wait3A_130 = tpu.memref_slice %arg4[%add3A_125] : memref<320000xi32, #tpu.memory_space<hbm>> -> memref<40xi32, #tpu.memory_space<hbm>>
      tpu.wait_dma2 semaphore(%dma_wait3A_129 : memref<!tpu.dma_semaphore, #tpu.memory_space<semaphore_mem>>) src(%dma_wait3A_130 : memref<40xi32, #tpu.memory_space<hbm>>) dst(%arg10 : memref<40xi32, #tpu.memory_space<vmem>>)
      %mul3A_131 = arith.constant 40 : i32
      %mul3A_132 = arith.muli %add3A_122, %mul3A_131 : i32
      %dma_wait3A_133 = arith.constant 0 : i32
      %dma_wait3A_134 = tpu.memref_slice %arg9[%mul3A_132] : memref<10000xi32, #tpu.memory_space<vmem>> -> memref<40xi32, #tpu.memory_space<vmem>>
      %dma_wait3A_135 = arith.constant 0 : i32
      %dma_wait3A_136 = arith.constant 0 : i32
      %dma_wait3A_137 = tpu.memref_slice %arg2[%dma_wait3A_135, %dma_wait3A_136] : memref<10000x128xf32, #tpu.memory_space<hbm>> -> memref<10000x128xf32, #tpu.memory_space<hbm>>
      %dma_wait3A_138 = tpu.memref_slice %arg23[%dma_wait3A_133] : memref<5x!tpu.dma_semaphore, #tpu.memory_space<semaphore_mem>> -> memref<1x!tpu.dma_semaphore, #tpu.memory_space<semaphore_mem>>
      %dma_wait3A_139 = tpu.memref_squeeze %dma_wait3A_138 : memref<1x!tpu.dma_semaphore, #tpu.memory_space<semaphore_mem>> -> memref<!tpu.dma_semaphore, #tpu.memory_space<semaphore_mem>>
      tpu.wait_indirect_dma semaphore(%dma_wait3A_139 : memref<!tpu.dma_semaphore, #tpu.memory_space<semaphore_mem>>) src(%dma_wait3A_137 : memref<10000x128xf32, #tpu.memory_space<hbm>>) dst(%arg15 : memref<40x128xf32, #tpu.memory_space<vmem>>)
      %dma_start3A_140 = arith.constant 0 : i32
      %dma_start3A_141 = arith.constant 0 : i32
      %dma_start3A_142 = arith.constant 0 : i32
      %dma_start3A_143 = tpu.memref_slice %arg21[%dma_start3A_141, %dma_start3A_142] : memref<10240x128xf32, #tpu.memory_space<vmem_shared>> -> memref<10240x128xf32, #tpu.memory_space<vmem_shared>>
      %dma_start3A_144 = tpu.memref_slice %arg24[%dma_start3A_140] : memref<5x!tpu.dma_semaphore, #tpu.memory_space<semaphore_mem>> -> memref<1x!tpu.dma_semaphore, #tpu.memory_space<semaphore_mem>>
      %dma_start3A_145 = tpu.memref_squeeze %dma_start3A_144 : memref<1x!tpu.dma_semaphore, #tpu.memory_space<semaphore_mem>> -> memref<!tpu.dma_semaphore, #tpu.memory_space<semaphore_mem>>
      tpu.enqueue_indirect_dma source(%arg15 : memref<40x128xf32, #tpu.memory_space<vmem>>) target(%dma_start3A_143 : memref<10240x128xf32, #tpu.memory_space<vmem_shared>>) offsets(%arg10 : memref<40xi32, #tpu.memory_space<vmem>>) semaphore(%dma_start3A_145 : memref<!tpu.dma_semaphore, #tpu.memory_space<semaphore_mem>>) {add = true}
      %add3A_146 = arith.constant 5 : i32
      %add3A_147 = arith.addi %add3A_122, %add3A_146 : i32
      %lt3A = arith.constant 250 : i32
      %lt3A_148 = arith.cmpi slt, %add3A_147, %lt3A : i32
      %convert_element_type3A = arith.extui %lt3A_148 : i1 to i32
      %cond3A = arith.constant 0 : i32
      %cond3A_149 = arith.cmpi ne, %convert_element_type3A, %cond3A : i32
      scf.if %cond3A_149 {
        %dma_wait3A_278 = arith.constant 0 : i32
        %dma_wait3A_279 = arith.constant 0 : i32
        %dma_wait3A_280 = arith.constant 0 : i32
        %dma_wait3A_281 = tpu.memref_slice %arg21[%dma_wait3A_279, %dma_wait3A_280] : memref<10240x128xf32, #tpu.memory_space<vmem_shared>> -> memref<10240x128xf32, #tpu.memory_space<vmem_shared>>
        %dma_wait3A_282 = tpu.memref_slice %arg24[%dma_wait3A_278] : memref<5x!tpu.dma_semaphore, #tpu.memory_space<semaphore_mem>> -> memref<1x!tpu.dma_semaphore, #tpu.memory_space<semaphore_mem>>
        %dma_wait3A_283 = tpu.memref_squeeze %dma_wait3A_282 : memref<1x!tpu.dma_semaphore, #tpu.memory_space<semaphore_mem>> -> memref<!tpu.dma_semaphore, #tpu.memory_space<semaphore_mem>>
        tpu.wait_indirect_dma semaphore(%dma_wait3A_283 : memref<!tpu.dma_semaphore, #tpu.memory_space<semaphore_mem>>) src(%arg15 : memref<40x128xf32, #tpu.memory_space<vmem>>) dst(%dma_wait3A_281 : memref<10240x128xf32, #tpu.memory_space<vmem_shared>>)
        %add3A_284 = arith.constant 5 : i32
        %add3A_285 = arith.addi %add3A_122, %add3A_284 : i32
        %mul3A_286 = arith.constant 40 : i32
        %mul3A_287 = arith.muli %add3A_285, %mul3A_286 : i32
        %add3A_288 = arith.addi %mul3A_4, %mul3A_287 : i32
        %dma_start3A_289 = arith.constant 0 : i32
        %dma_start3A_290 = tpu.memref_slice %arg4[%add3A_288] : memref<320000xi32, #tpu.memory_space<hbm>> -> memref<40xi32, #tpu.memory_space<hbm>>
        %dma_start3A_291 = tpu.memref_slice %arg23[%dma_start3A_289] : memref<5x!tpu.dma_semaphore, #tpu.memory_space<semaphore_mem>> -> memref<1x!tpu.dma_semaphore, #tpu.memory_space<semaphore_mem>>
        %dma_start3A_292 = tpu.memref_squeeze %dma_start3A_291 : memref<1x!tpu.dma_semaphore, #tpu.memory_space<semaphore_mem>> -> memref<!tpu.dma_semaphore, #tpu.memory_space<semaphore_mem>>
        %dma_start3A_293 = tpu.memref_slice %arg4[%add3A_288] : memref<320000xi32, #tpu.memory_space<hbm>> -> memref<40xi32, #tpu.memory_space<hbm>>
        tpu.enqueue_dma source(%dma_start3A_293 : memref<40xi32, #tpu.memory_space<hbm>>) target(%arg10 : memref<40xi32, #tpu.memory_space<vmem>>) target_semaphore(%dma_start3A_292 : memref<!tpu.dma_semaphore, #tpu.memory_space<semaphore_mem>>)
        %mul3A_294 = arith.constant 40 : i32
        %mul3A_295 = arith.muli %add3A_285, %mul3A_294 : i32
        %dma_start3A_296 = arith.constant 0 : i32
        %dma_start3A_297 = tpu.memref_slice %arg9[%mul3A_295] : memref<10000xi32, #tpu.memory_space<vmem>> -> memref<40xi32, #tpu.memory_space<vmem>>
        %dma_start3A_298 = arith.constant 0 : i32
        %dma_start3A_299 = arith.constant 0 : i32
        %dma_start3A_300 = tpu.memref_slice %arg2[%dma_start3A_298, %dma_start3A_299] : memref<10000x128xf32, #tpu.memory_space<hbm>> -> memref<10000x128xf32, #tpu.memory_space<hbm>>
        %dma_start3A_301 = tpu.memref_slice %arg23[%dma_start3A_296] : memref<5x!tpu.dma_semaphore, #tpu.memory_space<semaphore_mem>> -> memref<1x!tpu.dma_semaphore, #tpu.memory_space<semaphore_mem>>
        %dma_start3A_302 = tpu.memref_squeeze %dma_start3A_301 : memref<1x!tpu.dma_semaphore, #tpu.memory_space<semaphore_mem>> -> memref<!tpu.dma_semaphore, #tpu.memory_space<semaphore_mem>>
        tpu.enqueue_indirect_dma source(%dma_start3A_300 : memref<10000x128xf32, #tpu.memory_space<hbm>>) target(%arg15 : memref<40x128xf32, #tpu.memory_space<vmem>>) offsets(%dma_start3A_297 : memref<40xi32, #tpu.memory_space<vmem>>) semaphore(%dma_start3A_302 : memref<!tpu.dma_semaphore, #tpu.memory_space<semaphore_mem>>)
      } else {
      }
      %add3A_150 = arith.constant 1 : i32
      %add3A_151 = arith.addi %add3A_120, %add3A_150 : i32
      %mul3A_152 = arith.constant 40 : i32
      %mul3A_153 = arith.muli %add3A_151, %mul3A_152 : i32
      %add3A_154 = arith.addi %mul3A_4, %mul3A_153 : i32
      %dma_wait3A_155 = arith.constant 1 : i32
      %dma_wait3A_156 = tpu.memref_slice %arg4[%add3A_154] : memref<320000xi32, #tpu.memory_space<hbm>> -> memref<40xi32, #tpu.memory_space<hbm>>
      %dma_wait3A_157 = tpu.memref_slice %arg23[%dma_wait3A_155] : memref<5x!tpu.dma_semaphore, #tpu.memory_space<semaphore_mem>> -> memref<1x!tpu.dma_semaphore, #tpu.memory_space<semaphore_mem>>
      %dma_wait3A_158 = tpu.memref_squeeze %dma_wait3A_157 : memref<1x!tpu.dma_semaphore, #tpu.memory_space<semaphore_mem>> -> memref<!tpu.dma_semaphore, #tpu.memory_space<semaphore_mem>>
      %dma_wait3A_159 = tpu.memref_slice %arg4[%add3A_154] : memref<320000xi32, #tpu.memory_space<hbm>> -> memref<40xi32, #tpu.memory_space<hbm>>
      tpu.wait_dma2 semaphore(%dma_wait3A_158 : memref<!tpu.dma_semaphore, #tpu.memory_space<semaphore_mem>>) src(%dma_wait3A_159 : memref<40xi32, #tpu.memory_space<hbm>>) dst(%arg11 : memref<40xi32, #tpu.memory_space<vmem>>)
      %mul3A_160 = arith.constant 40 : i32
      %mul3A_161 = arith.muli %add3A_151, %mul3A_160 : i32
      %dma_wait3A_162 = arith.constant 1 : i32
      %dma_wait3A_163 = tpu.memref_slice %arg9[%mul3A_161] : memref<10000xi32, #tpu.memory_space<vmem>> -> memref<40xi32, #tpu.memory_space<vmem>>
      %dma_wait3A_164 = arith.constant 0 : i32
      %dma_wait3A_165 = arith.constant 0 : i32
      %dma_wait3A_166 = tpu.memref_slice %arg2[%dma_wait3A_164, %dma_wait3A_165] : memref<10000x128xf32, #tpu.memory_space<hbm>> -> memref<10000x128xf32, #tpu.memory_space<hbm>>
      %dma_wait3A_167 = tpu.memref_slice %arg23[%dma_wait3A_162] : memref<5x!tpu.dma_semaphore, #tpu.memory_space<semaphore_mem>> -> memref<1x!tpu.dma_semaphore, #tpu.memory_space<semaphore_mem>>
      %dma_wait3A_168 = tpu.memref_squeeze %dma_wait3A_167 : memref<1x!tpu.dma_semaphore, #tpu.memory_space<semaphore_mem>> -> memref<!tpu.dma_semaphore, #tpu.memory_space<semaphore_mem>>
      tpu.wait_indirect_dma semaphore(%dma_wait3A_168 : memref<!tpu.dma_semaphore, #tpu.memory_space<semaphore_mem>>) src(%dma_wait3A_166 : memref<10000x128xf32, #tpu.memory_space<hbm>>) dst(%arg16 : memref<40x128xf32, #tpu.memory_space<vmem>>)
      %dma_start3A_169 = arith.constant 1 : i32
      %dma_start3A_170 = arith.constant 0 : i32
      %dma_start3A_171 = arith.constant 0 : i32
      %dma_start3A_172 = tpu.memref_slice %arg21[%dma_start3A_170, %dma_start3A_171] : memref<10240x128xf32, #tpu.memory_space<vmem_shared>> -> memref<10240x128xf32, #tpu.memory_space<vmem_shared>>
      %dma_start3A_173 = tpu.memref_slice %arg24[%dma_start3A_169] : memref<5x!tpu.dma_semaphore, #tpu.memory_space<semaphore_mem>> -> memref<1x!tpu.dma_semaphore, #tpu.memory_space<semaphore_mem>>
      %dma_start3A_174 = tpu.memref_squeeze %dma_start3A_173 : memref<1x!tpu.dma_semaphore, #tpu.memory_space<semaphore_mem>> -> memref<!tpu.dma_semaphore, #tpu.memory_space<semaphore_mem>>
      tpu.enqueue_indirect_dma source(%arg16 : memref<40x128xf32, #tpu.memory_space<vmem>>) target(%dma_start3A_172 : memref<10240x128xf32, #tpu.memory_space<vmem_shared>>) offsets(%arg11 : memref<40xi32, #tpu.memory_space<vmem>>) semaphore(%dma_start3A_174 : memref<!tpu.dma_semaphore, #tpu.memory_space<semaphore_mem>>) {add = true}
      %add3A_175 = arith.constant 5 : i32
      %add3A_176 = arith.addi %add3A_151, %add3A_175 : i32
      %lt3A_177 = arith.constant 250 : i32
      %lt3A_178 = arith.cmpi slt, %add3A_176, %lt3A_177 : i32
      %convert_element_type3A_179 = arith.extui %lt3A_178 : i1 to i32
      %cond3A_180 = arith.constant 0 : i32
      %cond3A_181 = arith.cmpi ne, %convert_element_type3A_179, %cond3A_180 : i32
      scf.if %cond3A_181 {
        %dma_wait3A_278 = arith.constant 1 : i32
        %dma_wait3A_279 = arith.constant 0 : i32
        %dma_wait3A_280 = arith.constant 0 : i32
        %dma_wait3A_281 = tpu.memref_slice %arg21[%dma_wait3A_279, %dma_wait3A_280] : memref<10240x128xf32, #tpu.memory_space<vmem_shared>> -> memref<10240x128xf32, #tpu.memory_space<vmem_shared>>
        %dma_wait3A_282 = tpu.memref_slice %arg24[%dma_wait3A_278] : memref<5x!tpu.dma_semaphore, #tpu.memory_space<semaphore_mem>> -> memref<1x!tpu.dma_semaphore, #tpu.memory_space<semaphore_mem>>
        %dma_wait3A_283 = tpu.memref_squeeze %dma_wait3A_282 : memref<1x!tpu.dma_semaphore, #tpu.memory_space<semaphore_mem>> -> memref<!tpu.dma_semaphore, #tpu.memory_space<semaphore_mem>>
        tpu.wait_indirect_dma semaphore(%dma_wait3A_283 : memref<!tpu.dma_semaphore, #tpu.memory_space<semaphore_mem>>) src(%arg16 : memref<40x128xf32, #tpu.memory_space<vmem>>) dst(%dma_wait3A_281 : memref<10240x128xf32, #tpu.memory_space<vmem_shared>>)
        %add3A_284 = arith.constant 5 : i32
        %add3A_285 = arith.addi %add3A_151, %add3A_284 : i32
        %mul3A_286 = arith.constant 40 : i32
        %mul3A_287 = arith.muli %add3A_285, %mul3A_286 : i32
        %add3A_288 = arith.addi %mul3A_4, %mul3A_287 : i32
        %dma_start3A_289 = arith.constant 1 : i32
        %dma_start3A_290 = tpu.memref_slice %arg4[%add3A_288] : memref<320000xi32, #tpu.memory_space<hbm>> -> memref<40xi32, #tpu.memory_space<hbm>>
        %dma_start3A_291 = tpu.memref_slice %arg23[%dma_start3A_289] : memref<5x!tpu.dma_semaphore, #tpu.memory_space<semaphore_mem>> -> memref<1x!tpu.dma_semaphore, #tpu.memory_space<semaphore_mem>>
        %dma_start3A_292 = tpu.memref_squeeze %dma_start3A_291 : memref<1x!tpu.dma_semaphore, #tpu.memory_space<semaphore_mem>> -> memref<!tpu.dma_semaphore, #tpu.memory_space<semaphore_mem>>
        %dma_start3A_293 = tpu.memref_slice %arg4[%add3A_288] : memref<320000xi32, #tpu.memory_space<hbm>> -> memref<40xi32, #tpu.memory_space<hbm>>
        tpu.enqueue_dma source(%dma_start3A_293 : memref<40xi32, #tpu.memory_space<hbm>>) target(%arg11 : memref<40xi32, #tpu.memory_space<vmem>>) target_semaphore(%dma_start3A_292 : memref<!tpu.dma_semaphore, #tpu.memory_space<semaphore_mem>>)
        %mul3A_294 = arith.constant 40 : i32
        %mul3A_295 = arith.muli %add3A_285, %mul3A_294 : i32
        %dma_start3A_296 = arith.constant 1 : i32
        %dma_start3A_297 = tpu.memref_slice %arg9[%mul3A_295] : memref<10000xi32, #tpu.memory_space<vmem>> -> memref<40xi32, #tpu.memory_space<vmem>>
        %dma_start3A_298 = arith.constant 0 : i32
        %dma_start3A_299 = arith.constant 0 : i32
        %dma_start3A_300 = tpu.memref_slice %arg2[%dma_start3A_298, %dma_start3A_299] : memref<10000x128xf32, #tpu.memory_space<hbm>> -> memref<10000x128xf32, #tpu.memory_space<hbm>>
        %dma_start3A_301 = tpu.memref_slice %arg23[%dma_start3A_296] : memref<5x!tpu.dma_semaphore, #tpu.memory_space<semaphore_mem>> -> memref<1x!tpu.dma_semaphore, #tpu.memory_space<semaphore_mem>>
        %dma_start3A_302 = tpu.memref_squeeze %dma_start3A_301 : memref<1x!tpu.dma_semaphore, #tpu.memory_space<semaphore_mem>> -> memref<!tpu.dma_semaphore, #tpu.memory_space<semaphore_mem>>
        tpu.enqueue_indirect_dma source(%dma_start3A_300 : memref<10000x128xf32, #tpu.memory_space<hbm>>) target(%arg16 : memref<40x128xf32, #tpu.memory_space<vmem>>) offsets(%dma_start3A_297 : memref<40xi32, #tpu.memory_space<vmem>>) semaphore(%dma_start3A_302 : memref<!tpu.dma_semaphore, #tpu.memory_space<semaphore_mem>>)
      } else {
      }
      %add3A_182 = arith.constant 2 : i32
      %add3A_183 = arith.addi %add3A_120, %add3A_182 : i32
      %mul3A_184 = arith.constant 40 : i32
      %mul3A_185 = arith.muli %add3A_183, %mul3A_184 : i32
      %add3A_186 = arith.addi %mul3A_4, %mul3A_185 : i32
      %dma_wait3A_187 = arith.constant 2 : i32
      %dma_wait3A_188 = tpu.memref_slice %arg4[%add3A_186] : memref<320000xi32, #tpu.memory_space<hbm>> -> memref<40xi32, #tpu.memory_space<hbm>>
      %dma_wait3A_189 = tpu.memref_slice %arg23[%dma_wait3A_187] : memref<5x!tpu.dma_semaphore, #tpu.memory_space<semaphore_mem>> -> memref<1x!tpu.dma_semaphore, #tpu.memory_space<semaphore_mem>>
      %dma_wait3A_190 = tpu.memref_squeeze %dma_wait3A_189 : memref<1x!tpu.dma_semaphore, #tpu.memory_space<semaphore_mem>> -> memref<!tpu.dma_semaphore, #tpu.memory_space<semaphore_mem>>
      %dma_wait3A_191 = tpu.memref_slice %arg4[%add3A_186] : memref<320000xi32, #tpu.memory_space<hbm>> -> memref<40xi32, #tpu.memory_space<hbm>>
      tpu.wait_dma2 semaphore(%dma_wait3A_190 : memref<!tpu.dma_semaphore, #tpu.memory_space<semaphore_mem>>) src(%dma_wait3A_191 : memref<40xi32, #tpu.memory_space<hbm>>) dst(%arg12 : memref<40xi32, #tpu.memory_space<vmem>>)
      %mul3A_192 = arith.constant 40 : i32
      %mul3A_193 = arith.muli %add3A_183, %mul3A_192 : i32
      %dma_wait3A_194 = arith.constant 2 : i32
      %dma_wait3A_195 = tpu.memref_slice %arg9[%mul3A_193] : memref<10000xi32, #tpu.memory_space<vmem>> -> memref<40xi32, #tpu.memory_space<vmem>>
      %dma_wait3A_196 = arith.constant 0 : i32
      %dma_wait3A_197 = arith.constant 0 : i32
      %dma_wait3A_198 = tpu.memref_slice %arg2[%dma_wait3A_196, %dma_wait3A_197] : memref<10000x128xf32, #tpu.memory_space<hbm>> -> memref<10000x128xf32, #tpu.memory_space<hbm>>
      %dma_wait3A_199 = tpu.memref_slice %arg23[%dma_wait3A_194] : memref<5x!tpu.dma_semaphore, #tpu.memory_space<semaphore_mem>> -> memref<1x!tpu.dma_semaphore, #tpu.memory_space<semaphore_mem>>
      %dma_wait3A_200 = tpu.memref_squeeze %dma_wait3A_199 : memref<1x!tpu.dma_semaphore, #tpu.memory_space<semaphore_mem>> -> memref<!tpu.dma_semaphore, #tpu.memory_space<semaphore_mem>>
      tpu.wait_indirect_dma semaphore(%dma_wait3A_200 : memref<!tpu.dma_semaphore, #tpu.memory_space<semaphore_mem>>) src(%dma_wait3A_198 : memref<10000x128xf32, #tpu.memory_space<hbm>>) dst(%arg17 : memref<40x128xf32, #tpu.memory_space<vmem>>)
      %dma_start3A_201 = arith.constant 2 : i32
      %dma_start3A_202 = arith.constant 0 : i32
      %dma_start3A_203 = arith.constant 0 : i32
      %dma_start3A_204 = tpu.memref_slice %arg21[%dma_start3A_202, %dma_start3A_203] : memref<10240x128xf32, #tpu.memory_space<vmem_shared>> -> memref<10240x128xf32, #tpu.memory_space<vmem_shared>>
      %dma_start3A_205 = tpu.memref_slice %arg24[%dma_start3A_201] : memref<5x!tpu.dma_semaphore, #tpu.memory_space<semaphore_mem>> -> memref<1x!tpu.dma_semaphore, #tpu.memory_space<semaphore_mem>>
      %dma_start3A_206 = tpu.memref_squeeze %dma_start3A_205 : memref<1x!tpu.dma_semaphore, #tpu.memory_space<semaphore_mem>> -> memref<!tpu.dma_semaphore, #tpu.memory_space<semaphore_mem>>
      tpu.enqueue_indirect_dma source(%arg17 : memref<40x128xf32, #tpu.memory_space<vmem>>) target(%dma_start3A_204 : memref<10240x128xf32, #tpu.memory_space<vmem_shared>>) offsets(%arg12 : memref<40xi32, #tpu.memory_space<vmem>>) semaphore(%dma_start3A_206 : memref<!tpu.dma_semaphore, #tpu.memory_space<semaphore_mem>>) {add = true}
      %add3A_207 = arith.constant 5 : i32
      %add3A_208 = arith.addi %add3A_183, %add3A_207 : i32
      %lt3A_209 = arith.constant 250 : i32
      %lt3A_210 = arith.cmpi slt, %add3A_208, %lt3A_209 : i32
      %convert_element_type3A_211 = arith.extui %lt3A_210 : i1 to i32
      %cond3A_212 = arith.constant 0 : i32
      %cond3A_213 = arith.cmpi ne, %convert_element_type3A_211, %cond3A_212 : i32
      scf.if %cond3A_213 {
        %dma_wait3A_278 = arith.constant 2 : i32
        %dma_wait3A_279 = arith.constant 0 : i32
        %dma_wait3A_280 = arith.constant 0 : i32
        %dma_wait3A_281 = tpu.memref_slice %arg21[%dma_wait3A_279, %dma_wait3A_280] : memref<10240x128xf32, #tpu.memory_space<vmem_shared>> -> memref<10240x128xf32, #tpu.memory_space<vmem_shared>>
        %dma_wait3A_282 = tpu.memref_slice %arg24[%dma_wait3A_278] : memref<5x!tpu.dma_semaphore, #tpu.memory_space<semaphore_mem>> -> memref<1x!tpu.dma_semaphore, #tpu.memory_space<semaphore_mem>>
        %dma_wait3A_283 = tpu.memref_squeeze %dma_wait3A_282 : memref<1x!tpu.dma_semaphore, #tpu.memory_space<semaphore_mem>> -> memref<!tpu.dma_semaphore, #tpu.memory_space<semaphore_mem>>
        tpu.wait_indirect_dma semaphore(%dma_wait3A_283 : memref<!tpu.dma_semaphore, #tpu.memory_space<semaphore_mem>>) src(%arg17 : memref<40x128xf32, #tpu.memory_space<vmem>>) dst(%dma_wait3A_281 : memref<10240x128xf32, #tpu.memory_space<vmem_shared>>)
        %add3A_284 = arith.constant 5 : i32
        %add3A_285 = arith.addi %add3A_183, %add3A_284 : i32
        %mul3A_286 = arith.constant 40 : i32
        %mul3A_287 = arith.muli %add3A_285, %mul3A_286 : i32
        %add3A_288 = arith.addi %mul3A_4, %mul3A_287 : i32
        %dma_start3A_289 = arith.constant 2 : i32
        %dma_start3A_290 = tpu.memref_slice %arg4[%add3A_288] : memref<320000xi32, #tpu.memory_space<hbm>> -> memref<40xi32, #tpu.memory_space<hbm>>
        %dma_start3A_291 = tpu.memref_slice %arg23[%dma_start3A_289] : memref<5x!tpu.dma_semaphore, #tpu.memory_space<semaphore_mem>> -> memref<1x!tpu.dma_semaphore, #tpu.memory_space<semaphore_mem>>
        %dma_start3A_292 = tpu.memref_squeeze %dma_start3A_291 : memref<1x!tpu.dma_semaphore, #tpu.memory_space<semaphore_mem>> -> memref<!tpu.dma_semaphore, #tpu.memory_space<semaphore_mem>>
        %dma_start3A_293 = tpu.memref_slice %arg4[%add3A_288] : memref<320000xi32, #tpu.memory_space<hbm>> -> memref<40xi32, #tpu.memory_space<hbm>>
        tpu.enqueue_dma source(%dma_start3A_293 : memref<40xi32, #tpu.memory_space<hbm>>) target(%arg12 : memref<40xi32, #tpu.memory_space<vmem>>) target_semaphore(%dma_start3A_292 : memref<!tpu.dma_semaphore, #tpu.memory_space<semaphore_mem>>)
        %mul3A_294 = arith.constant 40 : i32
        %mul3A_295 = arith.muli %add3A_285, %mul3A_294 : i32
        %dma_start3A_296 = arith.constant 2 : i32
        %dma_start3A_297 = tpu.memref_slice %arg9[%mul3A_295] : memref<10000xi32, #tpu.memory_space<vmem>> -> memref<40xi32, #tpu.memory_space<vmem>>
        %dma_start3A_298 = arith.constant 0 : i32
        %dma_start3A_299 = arith.constant 0 : i32
        %dma_start3A_300 = tpu.memref_slice %arg2[%dma_start3A_298, %dma_start3A_299] : memref<10000x128xf32, #tpu.memory_space<hbm>> -> memref<10000x128xf32, #tpu.memory_space<hbm>>
        %dma_start3A_301 = tpu.memref_slice %arg23[%dma_start3A_296] : memref<5x!tpu.dma_semaphore, #tpu.memory_space<semaphore_mem>> -> memref<1x!tpu.dma_semaphore, #tpu.memory_space<semaphore_mem>>
        %dma_start3A_302 = tpu.memref_squeeze %dma_start3A_301 : memref<1x!tpu.dma_semaphore, #tpu.memory_space<semaphore_mem>> -> memref<!tpu.dma_semaphore, #tpu.memory_space<semaphore_mem>>
        tpu.enqueue_indirect_dma source(%dma_start3A_300 : memref<10000x128xf32, #tpu.memory_space<hbm>>) target(%arg17 : memref<40x128xf32, #tpu.memory_space<vmem>>) offsets(%dma_start3A_297 : memref<40xi32, #tpu.memory_space<vmem>>) semaphore(%dma_start3A_302 : memref<!tpu.dma_semaphore, #tpu.memory_space<semaphore_mem>>)
      } else {
      }
      %add3A_214 = arith.constant 3 : i32
      %add3A_215 = arith.addi %add3A_120, %add3A_214 : i32
      %mul3A_216 = arith.constant 40 : i32
      %mul3A_217 = arith.muli %add3A_215, %mul3A_216 : i32
      %add3A_218 = arith.addi %mul3A_4, %mul3A_217 : i32
      %dma_wait3A_219 = arith.constant 3 : i32
      %dma_wait3A_220 = tpu.memref_slice %arg4[%add3A_218] : memref<320000xi32, #tpu.memory_space<hbm>> -> memref<40xi32, #tpu.memory_space<hbm>>
      %dma_wait3A_221 = tpu.memref_slice %arg23[%dma_wait3A_219] : memref<5x!tpu.dma_semaphore, #tpu.memory_space<semaphore_mem>> -> memref<1x!tpu.dma_semaphore, #tpu.memory_space<semaphore_mem>>
      %dma_wait3A_222 = tpu.memref_squeeze %dma_wait3A_221 : memref<1x!tpu.dma_semaphore, #tpu.memory_space<semaphore_mem>> -> memref<!tpu.dma_semaphore, #tpu.memory_space<semaphore_mem>>
      %dma_wait3A_223 = tpu.memref_slice %arg4[%add3A_218] : memref<320000xi32, #tpu.memory_space<hbm>> -> memref<40xi32, #tpu.memory_space<hbm>>
      tpu.wait_dma2 semaphore(%dma_wait3A_222 : memref<!tpu.dma_semaphore, #tpu.memory_space<semaphore_mem>>) src(%dma_wait3A_223 : memref<40xi32, #tpu.memory_space<hbm>>) dst(%arg13 : memref<40xi32, #tpu.memory_space<vmem>>)
      %mul3A_224 = arith.constant 40 : i32
      %mul3A_225 = arith.muli %add3A_215, %mul3A_224 : i32
      %dma_wait3A_226 = arith.constant 3 : i32
      %dma_wait3A_227 = tpu.memref_slice %arg9[%mul3A_225] : memref<10000xi32, #tpu.memory_space<vmem>> -> memref<40xi32, #tpu.memory_space<vmem>>
      %dma_wait3A_228 = arith.constant 0 : i32
      %dma_wait3A_229 = arith.constant 0 : i32
      %dma_wait3A_230 = tpu.memref_slice %arg2[%dma_wait3A_228, %dma_wait3A_229] : memref<10000x128xf32, #tpu.memory_space<hbm>> -> memref<10000x128xf32, #tpu.memory_space<hbm>>
      %dma_wait3A_231 = tpu.memref_slice %arg23[%dma_wait3A_226] : memref<5x!tpu.dma_semaphore, #tpu.memory_space<semaphore_mem>> -> memref<1x!tpu.dma_semaphore, #tpu.memory_space<semaphore_mem>>
      %dma_wait3A_232 = tpu.memref_squeeze %dma_wait3A_231 : memref<1x!tpu.dma_semaphore, #tpu.memory_space<semaphore_mem>> -> memref<!tpu.dma_semaphore, #tpu.memory_space<semaphore_mem>>
      tpu.wait_indirect_dma semaphore(%dma_wait3A_232 : memref<!tpu.dma_semaphore, #tpu.memory_space<semaphore_mem>>) src(%dma_wait3A_230 : memref<10000x128xf32, #tpu.memory_space<hbm>>) dst(%arg18 : memref<40x128xf32, #tpu.memory_space<vmem>>)
      %dma_start3A_233 = arith.constant 3 : i32
      %dma_start3A_234 = arith.constant 0 : i32
      %dma_start3A_235 = arith.constant 0 : i32
      %dma_start3A_236 = tpu.memref_slice %arg21[%dma_start3A_234, %dma_start3A_235] : memref<10240x128xf32, #tpu.memory_space<vmem_shared>> -> memref<10240x128xf32, #tpu.memory_space<vmem_shared>>
      %dma_start3A_237 = tpu.memref_slice %arg24[%dma_start3A_233] : memref<5x!tpu.dma_semaphore, #tpu.memory_space<semaphore_mem>> -> memref<1x!tpu.dma_semaphore, #tpu.memory_space<semaphore_mem>>
      %dma_start3A_238 = tpu.memref_squeeze %dma_start3A_237 : memref<1x!tpu.dma_semaphore, #tpu.memory_space<semaphore_mem>> -> memref<!tpu.dma_semaphore, #tpu.memory_space<semaphore_mem>>
      tpu.enqueue_indirect_dma source(%arg18 : memref<40x128xf32, #tpu.memory_space<vmem>>) target(%dma_start3A_236 : memref<10240x128xf32, #tpu.memory_space<vmem_shared>>) offsets(%arg13 : memref<40xi32, #tpu.memory_space<vmem>>) semaphore(%dma_start3A_238 : memref<!tpu.dma_semaphore, #tpu.memory_space<semaphore_mem>>) {add = true}
      %add3A_239 = arith.constant 5 : i32
      %add3A_240 = arith.addi %add3A_215, %add3A_239 : i32
      %lt3A_241 = arith.constant 250 : i32
      %lt3A_242 = arith.cmpi slt, %add3A_240, %lt3A_241 : i32
      %convert_element_type3A_243 = arith.extui %lt3A_242 : i1 to i32
      %cond3A_244 = arith.constant 0 : i32
      %cond3A_245 = arith.cmpi ne, %convert_element_type3A_243, %cond3A_244 : i32
      scf.if %cond3A_245 {
        %dma_wait3A_278 = arith.constant 3 : i32
        %dma_wait3A_279 = arith.constant 0 : i32
        %dma_wait3A_280 = arith.constant 0 : i32
        %dma_wait3A_281 = tpu.memref_slice %arg21[%dma_wait3A_279, %dma_wait3A_280] : memref<10240x128xf32, #tpu.memory_space<vmem_shared>> -> memref<10240x128xf32, #tpu.memory_space<vmem_shared>>
        %dma_wait3A_282 = tpu.memref_slice %arg24[%dma_wait3A_278] : memref<5x!tpu.dma_semaphore, #tpu.memory_space<semaphore_mem>> -> memref<1x!tpu.dma_semaphore, #tpu.memory_space<semaphore_mem>>
        %dma_wait3A_283 = tpu.memref_squeeze %dma_wait3A_282 : memref<1x!tpu.dma_semaphore, #tpu.memory_space<semaphore_mem>> -> memref<!tpu.dma_semaphore, #tpu.memory_space<semaphore_mem>>
        tpu.wait_indirect_dma semaphore(%dma_wait3A_283 : memref<!tpu.dma_semaphore, #tpu.memory_space<semaphore_mem>>) src(%arg18 : memref<40x128xf32, #tpu.memory_space<vmem>>) dst(%dma_wait3A_281 : memref<10240x128xf32, #tpu.memory_space<vmem_shared>>)
        %add3A_284 = arith.constant 5 : i32
        %add3A_285 = arith.addi %add3A_215, %add3A_284 : i32
        %mul3A_286 = arith.constant 40 : i32
        %mul3A_287 = arith.muli %add3A_285, %mul3A_286 : i32
        %add3A_288 = arith.addi %mul3A_4, %mul3A_287 : i32
        %dma_start3A_289 = arith.constant 3 : i32
        %dma_start3A_290 = tpu.memref_slice %arg4[%add3A_288] : memref<320000xi32, #tpu.memory_space<hbm>> -> memref<40xi32, #tpu.memory_space<hbm>>
        %dma_start3A_291 = tpu.memref_slice %arg23[%dma_start3A_289] : memref<5x!tpu.dma_semaphore, #tpu.memory_space<semaphore_mem>> -> memref<1x!tpu.dma_semaphore, #tpu.memory_space<semaphore_mem>>
        %dma_start3A_292 = tpu.memref_squeeze %dma_start3A_291 : memref<1x!tpu.dma_semaphore, #tpu.memory_space<semaphore_mem>> -> memref<!tpu.dma_semaphore, #tpu.memory_space<semaphore_mem>>
        %dma_start3A_293 = tpu.memref_slice %arg4[%add3A_288] : memref<320000xi32, #tpu.memory_space<hbm>> -> memref<40xi32, #tpu.memory_space<hbm>>
        tpu.enqueue_dma source(%dma_start3A_293 : memref<40xi32, #tpu.memory_space<hbm>>) target(%arg13 : memref<40xi32, #tpu.memory_space<vmem>>) target_semaphore(%dma_start3A_292 : memref<!tpu.dma_semaphore, #tpu.memory_space<semaphore_mem>>)
        %mul3A_294 = arith.constant 40 : i32
        %mul3A_295 = arith.muli %add3A_285, %mul3A_294 : i32
        %dma_start3A_296 = arith.constant 3 : i32
        %dma_start3A_297 = tpu.memref_slice %arg9[%mul3A_295] : memref<10000xi32, #tpu.memory_space<vmem>> -> memref<40xi32, #tpu.memory_space<vmem>>
        %dma_start3A_298 = arith.constant 0 : i32
        %dma_start3A_299 = arith.constant 0 : i32
        %dma_start3A_300 = tpu.memref_slice %arg2[%dma_start3A_298, %dma_start3A_299] : memref<10000x128xf32, #tpu.memory_space<hbm>> -> memref<10000x128xf32, #tpu.memory_space<hbm>>
        %dma_start3A_301 = tpu.memref_slice %arg23[%dma_start3A_296] : memref<5x!tpu.dma_semaphore, #tpu.memory_space<semaphore_mem>> -> memref<1x!tpu.dma_semaphore, #tpu.memory_space<semaphore_mem>>
        %dma_start3A_302 = tpu.memref_squeeze %dma_start3A_301 : memref<1x!tpu.dma_semaphore, #tpu.memory_space<semaphore_mem>> -> memref<!tpu.dma_semaphore, #tpu.memory_space<semaphore_mem>>
        tpu.enqueue_indirect_dma source(%dma_start3A_300 : memref<10000x128xf32, #tpu.memory_space<hbm>>) target(%arg18 : memref<40x128xf32, #tpu.memory_space<vmem>>) offsets(%dma_start3A_297 : memref<40xi32, #tpu.memory_space<vmem>>) semaphore(%dma_start3A_302 : memref<!tpu.dma_semaphore, #tpu.memory_space<semaphore_mem>>)
      } else {
      }
      %add3A_246 = arith.constant 4 : i32
      %add3A_247 = arith.addi %add3A_120, %add3A_246 : i32
      %mul3A_248 = arith.constant 40 : i32
      %mul3A_249 = arith.muli %add3A_247, %mul3A_248 : i32
      %add3A_250 = arith.addi %mul3A_4, %mul3A_249 : i32
      %dma_wait3A_251 = arith.constant 4 : i32
      %dma_wait3A_252 = tpu.memref_slice %arg4[%add3A_250] : memref<320000xi32, #tpu.memory_space<hbm>> -> memref<40xi32, #tpu.memory_space<hbm>>
      %dma_wait3A_253 = tpu.memref_slice %arg23[%dma_wait3A_251] : memref<5x!tpu.dma_semaphore, #tpu.memory_space<semaphore_mem>> -> memref<1x!tpu.dma_semaphore, #tpu.memory_space<semaphore_mem>>
      %dma_wait3A_254 = tpu.memref_squeeze %dma_wait3A_253 : memref<1x!tpu.dma_semaphore, #tpu.memory_space<semaphore_mem>> -> memref<!tpu.dma_semaphore, #tpu.memory_space<semaphore_mem>>
      %dma_wait3A_255 = tpu.memref_slice %arg4[%add3A_250] : memref<320000xi32, #tpu.memory_space<hbm>> -> memref<40xi32, #tpu.memory_space<hbm>>
      tpu.wait_dma2 semaphore(%dma_wait3A_254 : memref<!tpu.dma_semaphore, #tpu.memory_space<semaphore_mem>>) src(%dma_wait3A_255 : memref<40xi32, #tpu.memory_space<hbm>>) dst(%arg14 : memref<40xi32, #tpu.memory_space<vmem>>)
      %mul3A_256 = arith.constant 40 : i32
      %mul3A_257 = arith.muli %add3A_247, %mul3A_256 : i32
      %dma_wait3A_258 = arith.constant 4 : i32
      %dma_wait3A_259 = tpu.memref_slice %arg9[%mul3A_257] : memref<10000xi32, #tpu.memory_space<vmem>> -> memref<40xi32, #tpu.memory_space<vmem>>
      %dma_wait3A_260 = arith.constant 0 : i32
      %dma_wait3A_261 = arith.constant 0 : i32
      %dma_wait3A_262 = tpu.memref_slice %arg2[%dma_wait3A_260, %dma_wait3A_261] : memref<10000x128xf32, #tpu.memory_space<hbm>> -> memref<10000x128xf32, #tpu.memory_space<hbm>>
      %dma_wait3A_263 = tpu.memref_slice %arg23[%dma_wait3A_258] : memref<5x!tpu.dma_semaphore, #tpu.memory_space<semaphore_mem>> -> memref<1x!tpu.dma_semaphore, #tpu.memory_space<semaphore_mem>>
      %dma_wait3A_264 = tpu.memref_squeeze %dma_wait3A_263 : memref<1x!tpu.dma_semaphore, #tpu.memory_space<semaphore_mem>> -> memref<!tpu.dma_semaphore, #tpu.memory_space<semaphore_mem>>
      tpu.wait_indirect_dma semaphore(%dma_wait3A_264 : memref<!tpu.dma_semaphore, #tpu.memory_space<semaphore_mem>>) src(%dma_wait3A_262 : memref<10000x128xf32, #tpu.memory_space<hbm>>) dst(%arg19 : memref<40x128xf32, #tpu.memory_space<vmem>>)
      %dma_start3A_265 = arith.constant 4 : i32
      %dma_start3A_266 = arith.constant 0 : i32
      %dma_start3A_267 = arith.constant 0 : i32
      %dma_start3A_268 = tpu.memref_slice %arg21[%dma_start3A_266, %dma_start3A_267] : memref<10240x128xf32, #tpu.memory_space<vmem_shared>> -> memref<10240x128xf32, #tpu.memory_space<vmem_shared>>
      %dma_start3A_269 = tpu.memref_slice %arg24[%dma_start3A_265] : memref<5x!tpu.dma_semaphore, #tpu.memory_space<semaphore_mem>> -> memref<1x!tpu.dma_semaphore, #tpu.memory_space<semaphore_mem>>
      %dma_start3A_270 = tpu.memref_squeeze %dma_start3A_269 : memref<1x!tpu.dma_semaphore, #tpu.memory_space<semaphore_mem>> -> memref<!tpu.dma_semaphore, #tpu.memory_space<semaphore_mem>>
      tpu.enqueue_indirect_dma source(%arg19 : memref<40x128xf32, #tpu.memory_space<vmem>>) target(%dma_start3A_268 : memref<10240x128xf32, #tpu.memory_space<vmem_shared>>) offsets(%arg14 : memref<40xi32, #tpu.memory_space<vmem>>) semaphore(%dma_start3A_270 : memref<!tpu.dma_semaphore, #tpu.memory_space<semaphore_mem>>) {add = true}
      %add3A_271 = arith.constant 5 : i32
      %add3A_272 = arith.addi %add3A_247, %add3A_271 : i32
      %lt3A_273 = arith.constant 250 : i32
      %lt3A_274 = arith.cmpi slt, %add3A_272, %lt3A_273 : i32
      %convert_element_type3A_275 = arith.extui %lt3A_274 : i1 to i32
      %cond3A_276 = arith.constant 0 : i32
      %cond3A_277 = arith.cmpi ne, %convert_element_type3A_275, %cond3A_276 : i32
      scf.if %cond3A_277 {
        %dma_wait3A_278 = arith.constant 4 : i32
        %dma_wait3A_279 = arith.constant 0 : i32
        %dma_wait3A_280 = arith.constant 0 : i32
        %dma_wait3A_281 = tpu.memref_slice %arg21[%dma_wait3A_279, %dma_wait3A_280] : memref<10240x128xf32, #tpu.memory_space<vmem_shared>> -> memref<10240x128xf32, #tpu.memory_space<vmem_shared>>
        %dma_wait3A_282 = tpu.memref_slice %arg24[%dma_wait3A_278] : memref<5x!tpu.dma_semaphore, #tpu.memory_space<semaphore_mem>> -> memref<1x!tpu.dma_semaphore, #tpu.memory_space<semaphore_mem>>
        %dma_wait3A_283 = tpu.memref_squeeze %dma_wait3A_282 : memref<1x!tpu.dma_semaphore, #tpu.memory_space<semaphore_mem>> -> memref<!tpu.dma_semaphore, #tpu.memory_space<semaphore_mem>>
        tpu.wait_indirect_dma semaphore(%dma_wait3A_283 : memref<!tpu.dma_semaphore, #tpu.memory_space<semaphore_mem>>) src(%arg19 : memref<40x128xf32, #tpu.memory_space<vmem>>) dst(%dma_wait3A_281 : memref<10240x128xf32, #tpu.memory_space<vmem_shared>>)
        %add3A_284 = arith.constant 5 : i32
        %add3A_285 = arith.addi %add3A_247, %add3A_284 : i32
        %mul3A_286 = arith.constant 40 : i32
        %mul3A_287 = arith.muli %add3A_285, %mul3A_286 : i32
        %add3A_288 = arith.addi %mul3A_4, %mul3A_287 : i32
        %dma_start3A_289 = arith.constant 4 : i32
        %dma_start3A_290 = tpu.memref_slice %arg4[%add3A_288] : memref<320000xi32, #tpu.memory_space<hbm>> -> memref<40xi32, #tpu.memory_space<hbm>>
        %dma_start3A_291 = tpu.memref_slice %arg23[%dma_start3A_289] : memref<5x!tpu.dma_semaphore, #tpu.memory_space<semaphore_mem>> -> memref<1x!tpu.dma_semaphore, #tpu.memory_space<semaphore_mem>>
        %dma_start3A_292 = tpu.memref_squeeze %dma_start3A_291 : memref<1x!tpu.dma_semaphore, #tpu.memory_space<semaphore_mem>> -> memref<!tpu.dma_semaphore, #tpu.memory_space<semaphore_mem>>
        %dma_start3A_293 = tpu.memref_slice %arg4[%add3A_288] : memref<320000xi32, #tpu.memory_space<hbm>> -> memref<40xi32, #tpu.memory_space<hbm>>
        tpu.enqueue_dma source(%dma_start3A_293 : memref<40xi32, #tpu.memory_space<hbm>>) target(%arg14 : memref<40xi32, #tpu.memory_space<vmem>>) target_semaphore(%dma_start3A_292 : memref<!tpu.dma_semaphore, #tpu.memory_space<semaphore_mem>>)
        %mul3A_294 = arith.constant 40 : i32
        %mul3A_295 = arith.muli %add3A_285, %mul3A_294 : i32
        %dma_start3A_296 = arith.constant 4 : i32
        %dma_start3A_297 = tpu.memref_slice %arg9[%mul3A_295] : memref<10000xi32, #tpu.memory_space<vmem>> -> memref<40xi32, #tpu.memory_space<vmem>>
        %dma_start3A_298 = arith.constant 0 : i32
        %dma_start3A_299 = arith.constant 0 : i32
        %dma_start3A_300 = tpu.memref_slice %arg2[%dma_start3A_298, %dma_start3A_299] : memref<10000x128xf32, #tpu.memory_space<hbm>> -> memref<10000x128xf32, #tpu.memory_space<hbm>>
        %dma_start3A_301 = tpu.memref_slice %arg23[%dma_start3A_296] : memref<5x!tpu.dma_semaphore, #tpu.memory_space<semaphore_mem>> -> memref<1x!tpu.dma_semaphore, #tpu.memory_space<semaphore_mem>>
        %dma_start3A_302 = tpu.memref_squeeze %dma_start3A_301 : memref<1x!tpu.dma_semaphore, #tpu.memory_space<semaphore_mem>> -> memref<!tpu.dma_semaphore, #tpu.memory_space<semaphore_mem>>
        tpu.enqueue_indirect_dma source(%dma_start3A_300 : memref<10000x128xf32, #tpu.memory_space<hbm>>) target(%arg19 : memref<40x128xf32, #tpu.memory_space<vmem>>) offsets(%dma_start3A_297 : memref<40xi32, #tpu.memory_space<vmem>>) semaphore(%dma_start3A_302 : memref<!tpu.dma_semaphore, #tpu.memory_space<semaphore_mem>>)
      } else {
      }
    }
    %scan3A_82 = arith.constant 50 : i32
    %dma_wait3A = arith.constant 0 : i32
    %dma_wait3A_83 = arith.constant 0 : i32
    %dma_wait3A_84 = arith.constant 0 : i32
    %dma_wait3A_85 = tpu.memref_slice %arg21[%dma_wait3A_83, %dma_wait3A_84] : memref<10240x128xf32, #tpu.memory_space<vmem_shared>> -> memref<10240x128xf32, #tpu.memory_space<vmem_shared>>
    %dma_wait3A_86 = tpu.memref_slice %arg24[%dma_wait3A] : memref<5x!tpu.dma_semaphore, #tpu.memory_space<semaphore_mem>> -> memref<1x!tpu.dma_semaphore, #tpu.memory_space<semaphore_mem>>
    %dma_wait3A_87 = tpu.memref_squeeze %dma_wait3A_86 : memref<1x!tpu.dma_semaphore, #tpu.memory_space<semaphore_mem>> -> memref<!tpu.dma_semaphore, #tpu.memory_space<semaphore_mem>>
    tpu.wait_indirect_dma semaphore(%dma_wait3A_87 : memref<!tpu.dma_semaphore, #tpu.memory_space<semaphore_mem>>) src(%arg15 : memref<40x128xf32, #tpu.memory_space<vmem>>) dst(%dma_wait3A_85 : memref<10240x128xf32, #tpu.memory_space<vmem_shared>>)
    %dma_wait3A_88 = arith.constant 1 : i32
    %dma_wait3A_89 = arith.constant 0 : i32
    %dma_wait3A_90 = arith.constant 0 : i32
    %dma_wait3A_91 = tpu.memref_slice %arg21[%dma_wait3A_89, %dma_wait3A_90] : memref<10240x128xf32, #tpu.memory_space<vmem_shared>> -> memref<10240x128xf32, #tpu.memory_space<vmem_shared>>
    %dma_wait3A_92 = tpu.memref_slice %arg24[%dma_wait3A_88] : memref<5x!tpu.dma_semaphore, #tpu.memory_space<semaphore_mem>> -> memref<1x!tpu.dma_semaphore, #tpu.memory_space<semaphore_mem>>
    %dma_wait3A_93 = tpu.memref_squeeze %dma_wait3A_92 : memref<1x!tpu.dma_semaphore, #tpu.memory_space<semaphore_mem>> -> memref<!tpu.dma_semaphore, #tpu.memory_space<semaphore_mem>>
    tpu.wait_indirect_dma semaphore(%dma_wait3A_93 : memref<!tpu.dma_semaphore, #tpu.memory_space<semaphore_mem>>) src(%arg16 : memref<40x128xf32, #tpu.memory_space<vmem>>) dst(%dma_wait3A_91 : memref<10240x128xf32, #tpu.memory_space<vmem_shared>>)
    %dma_wait3A_94 = arith.constant 2 : i32
    %dma_wait3A_95 = arith.constant 0 : i32
    %dma_wait3A_96 = arith.constant 0 : i32
    %dma_wait3A_97 = tpu.memref_slice %arg21[%dma_wait3A_95, %dma_wait3A_96] : memref<10240x128xf32, #tpu.memory_space<vmem_shared>> -> memref<10240x128xf32, #tpu.memory_space<vmem_shared>>
    %dma_wait3A_98 = tpu.memref_slice %arg24[%dma_wait3A_94] : memref<5x!tpu.dma_semaphore, #tpu.memory_space<semaphore_mem>> -> memref<1x!tpu.dma_semaphore, #tpu.memory_space<semaphore_mem>>
    %dma_wait3A_99 = tpu.memref_squeeze %dma_wait3A_98 : memref<1x!tpu.dma_semaphore, #tpu.memory_space<semaphore_mem>> -> memref<!tpu.dma_semaphore, #tpu.memory_space<semaphore_mem>>
    tpu.wait_indirect_dma semaphore(%dma_wait3A_99 : memref<!tpu.dma_semaphore, #tpu.memory_space<semaphore_mem>>) src(%arg17 : memref<40x128xf32, #tpu.memory_space<vmem>>) dst(%dma_wait3A_97 : memref<10240x128xf32, #tpu.memory_space<vmem_shared>>)
    %dma_wait3A_100 = arith.constant 3 : i32
    %dma_wait3A_101 = arith.constant 0 : i32
    %dma_wait3A_102 = arith.constant 0 : i32
    %dma_wait3A_103 = tpu.memref_slice %arg21[%dma_wait3A_101, %dma_wait3A_102] : memref<10240x128xf32, #tpu.memory_space<vmem_shared>> -> memref<10240x128xf32, #tpu.memory_space<vmem_shared>>
    %dma_wait3A_104 = tpu.memref_slice %arg24[%dma_wait3A_100] : memref<5x!tpu.dma_semaphore, #tpu.memory_space<semaphore_mem>> -> memref<1x!tpu.dma_semaphore, #tpu.memory_space<semaphore_mem>>
    %dma_wait3A_105 = tpu.memref_squeeze %dma_wait3A_104 : memref<1x!tpu.dma_semaphore, #tpu.memory_space<semaphore_mem>> -> memref<!tpu.dma_semaphore, #tpu.memory_space<semaphore_mem>>
    tpu.wait_indirect_dma semaphore(%dma_wait3A_105 : memref<!tpu.dma_semaphore, #tpu.memory_space<semaphore_mem>>) src(%arg18 : memref<40x128xf32, #tpu.memory_space<vmem>>) dst(%dma_wait3A_103 : memref<10240x128xf32, #tpu.memory_space<vmem_shared>>)
    %dma_wait3A_106 = arith.constant 4 : i32
    %dma_wait3A_107 = arith.constant 0 : i32
    %dma_wait3A_108 = arith.constant 0 : i32
    %dma_wait3A_109 = tpu.memref_slice %arg21[%dma_wait3A_107, %dma_wait3A_108] : memref<10240x128xf32, #tpu.memory_space<vmem_shared>> -> memref<10240x128xf32, #tpu.memory_space<vmem_shared>>
    %dma_wait3A_110 = tpu.memref_slice %arg24[%dma_wait3A_106] : memref<5x!tpu.dma_semaphore, #tpu.memory_space<semaphore_mem>> -> memref<1x!tpu.dma_semaphore, #tpu.memory_space<semaphore_mem>>
    %dma_wait3A_111 = tpu.memref_squeeze %dma_wait3A_110 : memref<1x!tpu.dma_semaphore, #tpu.memory_space<semaphore_mem>> -> memref<!tpu.dma_semaphore, #tpu.memory_space<semaphore_mem>>
    tpu.wait_indirect_dma semaphore(%dma_wait3A_111 : memref<!tpu.dma_semaphore, #tpu.memory_space<semaphore_mem>>) src(%arg19 : memref<40x128xf32, #tpu.memory_space<vmem>>) dst(%dma_wait3A_109 : memref<10240x128xf32, #tpu.memory_space<vmem_shared>>)
    %barrier3A_112 = arith.constant 0 : index
    tpu.barrier barrier_id(%barrier3A_112)
    %mul3A_113 = arith.constant 10240 : i32
    %mul3A_114 = arith.muli %arg0, %mul3A_113 : i32
    %add3A_115 = arith.addi %mul3A_114, %mul3A_2 : i32
    "tpu.region"() ({
      %run_scoped3A = tpu.sem_alloc : memref<!tpu.dma_semaphore, #tpu.memory_space<semaphore_mem>>
      %dma_start3A_116 = arith.constant 0 : i32
      %dma_start3A_117 = tpu.memref_slice %arg8[%add3A_115, %dma_start3A_116] : memref<20480x128xf32, #tpu.memory_space<hbm>> -> memref<640x128xf32, #tpu.memory_space<hbm>>
      %dma_start3A_118 = arith.constant 0 : i32
      %dma_start3A_119 = tpu.memref_slice %arg21[%mul3A_2, %dma_start3A_118] : memref<10240x128xf32, #tpu.memory_space<vmem_shared>> -> memref<640x128xf32, #tpu.memory_space<vmem_shared>>
      tpu.enqueue_dma source(%dma_start3A_119 : memref<640x128xf32, #tpu.memory_space<vmem_shared>>) target(%dma_start3A_117 : memref<640x128xf32, #tpu.memory_space<hbm>>) target_semaphore(%run_scoped3A : memref<!tpu.dma_semaphore, #tpu.memory_space<semaphore_mem>>)
      %dma_wait3A_120 = arith.constant 0 : i32
      %dma_wait3A_121 = tpu.memref_slice %arg8[%add3A_115, %dma_wait3A_120] : memref<20480x128xf32, #tpu.memory_space<hbm>> -> memref<640x128xf32, #tpu.memory_space<hbm>>
      %dma_wait3A_122 = arith.constant 0 : i32
      %dma_wait3A_123 = tpu.memref_slice %arg21[%mul3A_2, %dma_wait3A_122] : memref<10240x128xf32, #tpu.memory_space<vmem_shared>> -> memref<640x128xf32, #tpu.memory_space<vmem_shared>>
      tpu.wait_dma2 semaphore(%run_scoped3A : memref<!tpu.dma_semaphore, #tpu.memory_space<semaphore_mem>>) src(%dma_wait3A_123 : memref<640x128xf32, #tpu.memory_space<vmem_shared>>) dst(%dma_wait3A_121 : memref<640x128xf32, #tpu.memory_space<hbm>>)
      tpu.yield
    }) : () -> ()
    return
  }
}

#map = affine_map<(d0, d1) -> (0, 0)>
#map1 = affine_map<(d0, d1) -> (0)>
module attributes {stable_mosaic.version = 14 : i64} {
  func.func @k(%arg0: i32, %arg1: i32, %arg2: memref<10000x128xf32, #tpu.memory_space<hbm>>, %arg3: memref<320000xi32, #tpu.memory_space<hbm>>, %arg4: memref<320000xi32, #tpu.memory_space<hbm>>, %arg5: memref<10240x128xf32, #tpu.memory_space<hbm>>, %arg6: memref<10240xf32, #tpu.memory_space<hbm>>, %arg7: memref<40xf32, #tpu.memory_space<hbm>>, %arg8: memref<20480x128xf32, #tpu.memory_space<hbm>>, %arg9: memref<20480xf32, #tpu.memory_space<hbm>>, %arg10: memref<10000xi32, #tpu.memory_space<vmem>>, %arg11: memref<40xi32, #tpu.memory_space<vmem>>, %arg12: memref<40xi32, #tpu.memory_space<vmem>>, %arg13: memref<40xi32, #tpu.memory_space<vmem>>, %arg14: memref<40xi32, #tpu.memory_space<vmem>>, %arg15: memref<40xi32, #tpu.memory_space<vmem>>, %arg16: memref<40x128xf32, #tpu.memory_space<vmem>>, %arg17: memref<40x128xf32, #tpu.memory_space<vmem>>, %arg18: memref<40x128xf32, #tpu.memory_space<vmem>>, %arg19: memref<40x128xf32, #tpu.memory_space<vmem>>, %arg20: memref<40x128xf32, #tpu.memory_space<vmem>>, %arg21: memref<40xf32, #tpu.memory_space<vmem>>, %arg22: memref<10240x128xf32, #tpu.memory_space<vmem_shared>>, %arg23: memref<10240xf32, #tpu.memory_space<vmem_shared>>, %arg24: memref<5x!tpu.dma_semaphore, #tpu.memory_space<semaphore_mem>>, %arg25: memref<5x!tpu.dma_semaphore, #tpu.memory_space<semaphore_mem>>, %arg26: memref<5x!tpu.dma_semaphore, #tpu.memory_space<semaphore_mem>>) attributes {dimension_semantics = [#tpu.dimension_semantics<core_parallel>, #tpu.dimension_semantics<subcore_parallel>], iteration_bounds = array<i64: 2, 16>, scalar_prefetch = 0 : i64, scratch_operands = 17 : i64, tpu.core_type = #tpu.core_type<sc_vector_subcore>, window_params = [{transform_indices = #map}, {transform_indices = #map1}, {transform_indices = #map1}, {transform_indices = #map}, {transform_indices = #map1}, {transform_indices = #map1}, {transform_indices = #map}, {transform_indices = #map1}]} {
    %mul3A = arith.constant 16 : i32
    %mul3A_0 = arith.muli %arg0, %mul3A : i32
    %add3A = arith.addi %mul3A_0, %arg1 : i32
    %mul3A_1 = arith.constant 640 : i32
    %mul3A_2 = arith.muli %arg1, %mul3A_1 : i32
    %mul3A_3 = arith.constant 10000 : i32
    %mul3A_4 = arith.muli %add3A, %mul3A_3 : i32
    "tpu.region"() ({
      %run_scoped3A = tpu.sem_alloc : memref<!tpu.dma_semaphore, #tpu.memory_space<semaphore_mem>>
      %dma_start3A_144 = arith.constant 0 : i32
      %dma_start3A_145 = tpu.memref_slice %arg22[%mul3A_2, %dma_start3A_144] : memref<10240x128xf32, #tpu.memory_space<vmem_shared>> -> memref<640x128xf32, #tpu.memory_space<vmem_shared>>
      %dma_start3A_146 = arith.constant 0 : i32
      %dma_start3A_147 = tpu.memref_slice %arg5[%mul3A_2, %dma_start3A_146] : memref<10240x128xf32, #tpu.memory_space<hbm>> -> memref<640x128xf32, #tpu.memory_space<hbm>>
      tpu.enqueue_dma source(%dma_start3A_147 : memref<640x128xf32, #tpu.memory_space<hbm>>) target(%dma_start3A_145 : memref<640x128xf32, #tpu.memory_space<vmem_shared>>) target_semaphore(%run_scoped3A : memref<!tpu.dma_semaphore, #tpu.memory_space<semaphore_mem>>)
      %dma_wait3A_148 = arith.constant 0 : i32
      %dma_wait3A_149 = tpu.memref_slice %arg22[%mul3A_2, %dma_wait3A_148] : memref<10240x128xf32, #tpu.memory_space<vmem_shared>> -> memref<640x128xf32, #tpu.memory_space<vmem_shared>>
      %dma_wait3A_150 = arith.constant 0 : i32
      %dma_wait3A_151 = tpu.memref_slice %arg5[%mul3A_2, %dma_wait3A_150] : memref<10240x128xf32, #tpu.memory_space<hbm>> -> memref<640x128xf32, #tpu.memory_space<hbm>>
      tpu.wait_dma2 semaphore(%run_scoped3A : memref<!tpu.dma_semaphore, #tpu.memory_space<semaphore_mem>>) src(%dma_wait3A_151 : memref<640x128xf32, #tpu.memory_space<hbm>>) dst(%dma_wait3A_149 : memref<640x128xf32, #tpu.memory_space<vmem_shared>>)
      tpu.yield
    }) : () -> ()
    "tpu.region"() ({
      %run_scoped3A = tpu.sem_alloc : memref<!tpu.dma_semaphore, #tpu.memory_space<semaphore_mem>>
      %dma_start3A_144 = tpu.memref_slice %arg23[%mul3A_2] : memref<10240xf32, #tpu.memory_space<vmem_shared>> -> memref<640xf32, #tpu.memory_space<vmem_shared>>
      %dma_start3A_145 = tpu.memref_slice %arg6[%mul3A_2] : memref<10240xf32, #tpu.memory_space<hbm>> -> memref<640xf32, #tpu.memory_space<hbm>>
      tpu.enqueue_dma source(%dma_start3A_145 : memref<640xf32, #tpu.memory_space<hbm>>) target(%dma_start3A_144 : memref<640xf32, #tpu.memory_space<vmem_shared>>) target_semaphore(%run_scoped3A : memref<!tpu.dma_semaphore, #tpu.memory_space<semaphore_mem>>)
      %dma_wait3A_146 = tpu.memref_slice %arg23[%mul3A_2] : memref<10240xf32, #tpu.memory_space<vmem_shared>> -> memref<640xf32, #tpu.memory_space<vmem_shared>>
      %dma_wait3A_147 = tpu.memref_slice %arg6[%mul3A_2] : memref<10240xf32, #tpu.memory_space<hbm>> -> memref<640xf32, #tpu.memory_space<hbm>>
      tpu.wait_dma2 semaphore(%run_scoped3A : memref<!tpu.dma_semaphore, #tpu.memory_space<semaphore_mem>>) src(%dma_wait3A_147 : memref<640xf32, #tpu.memory_space<hbm>>) dst(%dma_wait3A_146 : memref<640xf32, #tpu.memory_space<vmem_shared>>)
      tpu.yield
    }) : () -> ()
    "tpu.region"() ({
      %run_scoped3A = tpu.sem_alloc : memref<!tpu.dma_semaphore, #tpu.memory_space<semaphore_mem>>
      tpu.enqueue_dma source(%arg7 : memref<40xf32, #tpu.memory_space<hbm>>) target(%arg21 : memref<40xf32, #tpu.memory_space<vmem>>) target_semaphore(%run_scoped3A : memref<!tpu.dma_semaphore, #tpu.memory_space<semaphore_mem>>)
      tpu.wait_dma2 semaphore(%run_scoped3A : memref<!tpu.dma_semaphore, #tpu.memory_space<semaphore_mem>>) src(%arg7 : memref<40xf32, #tpu.memory_space<hbm>>) dst(%arg21 : memref<40xf32, #tpu.memory_space<vmem>>)
      tpu.yield
    }) : () -> ()
    "tpu.region"() ({
      %run_scoped3A = tpu.sem_alloc : memref<!tpu.dma_semaphore, #tpu.memory_space<semaphore_mem>>
      %dma_start3A_144 = tpu.memref_slice %arg3[%mul3A_4] : memref<320000xi32, #tpu.memory_space<hbm>> -> memref<10000xi32, #tpu.memory_space<hbm>>
      %dma_start3A_145 = tpu.memref_slice %arg3[%mul3A_4] : memref<320000xi32, #tpu.memory_space<hbm>> -> memref<10000xi32, #tpu.memory_space<hbm>>
      tpu.enqueue_dma source(%dma_start3A_145 : memref<10000xi32, #tpu.memory_space<hbm>>) target(%arg10 : memref<10000xi32, #tpu.memory_space<vmem>>) target_semaphore(%run_scoped3A : memref<!tpu.dma_semaphore, #tpu.memory_space<semaphore_mem>>)
      %dma_wait3A_146 = tpu.memref_slice %arg3[%mul3A_4] : memref<320000xi32, #tpu.memory_space<hbm>> -> memref<10000xi32, #tpu.memory_space<hbm>>
      %dma_wait3A_147 = tpu.memref_slice %arg3[%mul3A_4] : memref<320000xi32, #tpu.memory_space<hbm>> -> memref<10000xi32, #tpu.memory_space<hbm>>
      tpu.wait_dma2 semaphore(%run_scoped3A : memref<!tpu.dma_semaphore, #tpu.memory_space<semaphore_mem>>) src(%dma_wait3A_147 : memref<10000xi32, #tpu.memory_space<hbm>>) dst(%arg10 : memref<10000xi32, #tpu.memory_space<vmem>>)
      tpu.yield
    }) : () -> ()
    %barrier3A = arith.constant 0 : index
    tpu.barrier barrier_id(%barrier3A)
    %add3A_5 = arith.constant 0 : i32
    %add3A_6 = arith.addi %mul3A_4, %add3A_5 : i32
    %dma_start3A = arith.constant 0 : i32
    %dma_start3A_7 = tpu.memref_slice %arg4[%add3A_6] : memref<320000xi32, #tpu.memory_space<hbm>> -> memref<40xi32, #tpu.memory_space<hbm>>
    %dma_start3A_8 = tpu.memref_slice %arg24[%dma_start3A] : memref<5x!tpu.dma_semaphore, #tpu.memory_space<semaphore_mem>> -> memref<1x!tpu.dma_semaphore, #tpu.memory_space<semaphore_mem>>
    %dma_start3A_9 = tpu.memref_squeeze %dma_start3A_8 : memref<1x!tpu.dma_semaphore, #tpu.memory_space<semaphore_mem>> -> memref<!tpu.dma_semaphore, #tpu.memory_space<semaphore_mem>>
    %dma_start3A_10 = tpu.memref_slice %arg4[%add3A_6] : memref<320000xi32, #tpu.memory_space<hbm>> -> memref<40xi32, #tpu.memory_space<hbm>>
    tpu.enqueue_dma source(%dma_start3A_10 : memref<40xi32, #tpu.memory_space<hbm>>) target(%arg11 : memref<40xi32, #tpu.memory_space<vmem>>) target_semaphore(%dma_start3A_9 : memref<!tpu.dma_semaphore, #tpu.memory_space<semaphore_mem>>)
    %dma_start3A_11 = arith.constant 0 : i32
    %dma_start3A_12 = arith.constant 0 : i32
    %dma_start3A_13 = tpu.memref_slice %arg10[%dma_start3A_12] : memref<10000xi32, #tpu.memory_space<vmem>> -> memref<40xi32, #tpu.memory_space<vmem>>
    %dma_start3A_14 = arith.constant 0 : i32
    %dma_start3A_15 = arith.constant 0 : i32
    %dma_start3A_16 = tpu.memref_slice %arg2[%dma_start3A_14, %dma_start3A_15] : memref<10000x128xf32, #tpu.memory_space<hbm>> -> memref<10000x128xf32, #tpu.memory_space<hbm>>
    %dma_start3A_17 = tpu.memref_slice %arg24[%dma_start3A_11] : memref<5x!tpu.dma_semaphore, #tpu.memory_space<semaphore_mem>> -> memref<1x!tpu.dma_semaphore, #tpu.memory_space<semaphore_mem>>
    %dma_start3A_18 = tpu.memref_squeeze %dma_start3A_17 : memref<1x!tpu.dma_semaphore, #tpu.memory_space<semaphore_mem>> -> memref<!tpu.dma_semaphore, #tpu.memory_space<semaphore_mem>>
    tpu.enqueue_indirect_dma source(%dma_start3A_16 : memref<10000x128xf32, #tpu.memory_space<hbm>>) target(%arg16 : memref<40x128xf32, #tpu.memory_space<vmem>>) offsets(%dma_start3A_13 : memref<40xi32, #tpu.memory_space<vmem>>) semaphore(%dma_start3A_18 : memref<!tpu.dma_semaphore, #tpu.memory_space<semaphore_mem>>)
    %add3A_19 = arith.constant 40 : i32
    %add3A_20 = arith.addi %mul3A_4, %add3A_19 : i32
    %dma_start3A_21 = arith.constant 1 : i32
    %dma_start3A_22 = tpu.memref_slice %arg4[%add3A_20] : memref<320000xi32, #tpu.memory_space<hbm>> -> memref<40xi32, #tpu.memory_space<hbm>>
    %dma_start3A_23 = tpu.memref_slice %arg24[%dma_start3A_21] : memref<5x!tpu.dma_semaphore, #tpu.memory_space<semaphore_mem>> -> memref<1x!tpu.dma_semaphore, #tpu.memory_space<semaphore_mem>>
    %dma_start3A_24 = tpu.memref_squeeze %dma_start3A_23 : memref<1x!tpu.dma_semaphore, #tpu.memory_space<semaphore_mem>> -> memref<!tpu.dma_semaphore, #tpu.memory_space<semaphore_mem>>
    %dma_start3A_25 = tpu.memref_slice %arg4[%add3A_20] : memref<320000xi32, #tpu.memory_space<hbm>> -> memref<40xi32, #tpu.memory_space<hbm>>
    tpu.enqueue_dma source(%dma_start3A_25 : memref<40xi32, #tpu.memory_space<hbm>>) target(%arg12 : memref<40xi32, #tpu.memory_space<vmem>>) target_semaphore(%dma_start3A_24 : memref<!tpu.dma_semaphore, #tpu.memory_space<semaphore_mem>>)
    %dma_start3A_26 = arith.constant 1 : i32
    %dma_start3A_27 = arith.constant 40 : i32
    %dma_start3A_28 = tpu.memref_slice %arg10[%dma_start3A_27] : memref<10000xi32, #tpu.memory_space<vmem>> -> memref<40xi32, #tpu.memory_space<vmem>>
    %dma_start3A_29 = arith.constant 0 : i32
    %dma_start3A_30 = arith.constant 0 : i32
    %dma_start3A_31 = tpu.memref_slice %arg2[%dma_start3A_29, %dma_start3A_30] : memref<10000x128xf32, #tpu.memory_space<hbm>> -> memref<10000x128xf32, #tpu.memory_space<hbm>>
    %dma_start3A_32 = tpu.memref_slice %arg24[%dma_start3A_26] : memref<5x!tpu.dma_semaphore, #tpu.memory_space<semaphore_mem>> -> memref<1x!tpu.dma_semaphore, #tpu.memory_space<semaphore_mem>>
    %dma_start3A_33 = tpu.memref_squeeze %dma_start3A_32 : memref<1x!tpu.dma_semaphore, #tpu.memory_space<semaphore_mem>> -> memref<!tpu.dma_semaphore, #tpu.memory_space<semaphore_mem>>
    tpu.enqueue_indirect_dma source(%dma_start3A_31 : memref<10000x128xf32, #tpu.memory_space<hbm>>) target(%arg17 : memref<40x128xf32, #tpu.memory_space<vmem>>) offsets(%dma_start3A_28 : memref<40xi32, #tpu.memory_space<vmem>>) semaphore(%dma_start3A_33 : memref<!tpu.dma_semaphore, #tpu.memory_space<semaphore_mem>>)
    %add3A_34 = arith.constant 80 : i32
    %add3A_35 = arith.addi %mul3A_4, %add3A_34 : i32
    %dma_start3A_36 = arith.constant 2 : i32
    %dma_start3A_37 = tpu.memref_slice %arg4[%add3A_35] : memref<320000xi32, #tpu.memory_space<hbm>> -> memref<40xi32, #tpu.memory_space<hbm>>
    %dma_start3A_38 = tpu.memref_slice %arg24[%dma_start3A_36] : memref<5x!tpu.dma_semaphore, #tpu.memory_space<semaphore_mem>> -> memref<1x!tpu.dma_semaphore, #tpu.memory_space<semaphore_mem>>
    %dma_start3A_39 = tpu.memref_squeeze %dma_start3A_38 : memref<1x!tpu.dma_semaphore, #tpu.memory_space<semaphore_mem>> -> memref<!tpu.dma_semaphore, #tpu.memory_space<semaphore_mem>>
    %dma_start3A_40 = tpu.memref_slice %arg4[%add3A_35] : memref<320000xi32, #tpu.memory_space<hbm>> -> memref<40xi32, #tpu.memory_space<hbm>>
    tpu.enqueue_dma source(%dma_start3A_40 : memref<40xi32, #tpu.memory_space<hbm>>) target(%arg13 : memref<40xi32, #tpu.memory_space<vmem>>) target_semaphore(%dma_start3A_39 : memref<!tpu.dma_semaphore, #tpu.memory_space<semaphore_mem>>)
    %dma_start3A_41 = arith.constant 2 : i32
    %dma_start3A_42 = arith.constant 80 : i32
    %dma_start3A_43 = tpu.memref_slice %arg10[%dma_start3A_42] : memref<10000xi32, #tpu.memory_space<vmem>> -> memref<40xi32, #tpu.memory_space<vmem>>
    %dma_start3A_44 = arith.constant 0 : i32
    %dma_start3A_45 = arith.constant 0 : i32
    %dma_start3A_46 = tpu.memref_slice %arg2[%dma_start3A_44, %dma_start3A_45] : memref<10000x128xf32, #tpu.memory_space<hbm>> -> memref<10000x128xf32, #tpu.memory_space<hbm>>
    %dma_start3A_47 = tpu.memref_slice %arg24[%dma_start3A_41] : memref<5x!tpu.dma_semaphore, #tpu.memory_space<semaphore_mem>> -> memref<1x!tpu.dma_semaphore, #tpu.memory_space<semaphore_mem>>
    %dma_start3A_48 = tpu.memref_squeeze %dma_start3A_47 : memref<1x!tpu.dma_semaphore, #tpu.memory_space<semaphore_mem>> -> memref<!tpu.dma_semaphore, #tpu.memory_space<semaphore_mem>>
    tpu.enqueue_indirect_dma source(%dma_start3A_46 : memref<10000x128xf32, #tpu.memory_space<hbm>>) target(%arg18 : memref<40x128xf32, #tpu.memory_space<vmem>>) offsets(%dma_start3A_43 : memref<40xi32, #tpu.memory_space<vmem>>) semaphore(%dma_start3A_48 : memref<!tpu.dma_semaphore, #tpu.memory_space<semaphore_mem>>)
    %add3A_49 = arith.constant 120 : i32
    %add3A_50 = arith.addi %mul3A_4, %add3A_49 : i32
    %dma_start3A_51 = arith.constant 3 : i32
    %dma_start3A_52 = tpu.memref_slice %arg4[%add3A_50] : memref<320000xi32, #tpu.memory_space<hbm>> -> memref<40xi32, #tpu.memory_space<hbm>>
    %dma_start3A_53 = tpu.memref_slice %arg24[%dma_start3A_51] : memref<5x!tpu.dma_semaphore, #tpu.memory_space<semaphore_mem>> -> memref<1x!tpu.dma_semaphore, #tpu.memory_space<semaphore_mem>>
    %dma_start3A_54 = tpu.memref_squeeze %dma_start3A_53 : memref<1x!tpu.dma_semaphore, #tpu.memory_space<semaphore_mem>> -> memref<!tpu.dma_semaphore, #tpu.memory_space<semaphore_mem>>
    %dma_start3A_55 = tpu.memref_slice %arg4[%add3A_50] : memref<320000xi32, #tpu.memory_space<hbm>> -> memref<40xi32, #tpu.memory_space<hbm>>
    tpu.enqueue_dma source(%dma_start3A_55 : memref<40xi32, #tpu.memory_space<hbm>>) target(%arg14 : memref<40xi32, #tpu.memory_space<vmem>>) target_semaphore(%dma_start3A_54 : memref<!tpu.dma_semaphore, #tpu.memory_space<semaphore_mem>>)
    %dma_start3A_56 = arith.constant 3 : i32
    %dma_start3A_57 = arith.constant 120 : i32
    %dma_start3A_58 = tpu.memref_slice %arg10[%dma_start3A_57] : memref<10000xi32, #tpu.memory_space<vmem>> -> memref<40xi32, #tpu.memory_space<vmem>>
    %dma_start3A_59 = arith.constant 0 : i32
    %dma_start3A_60 = arith.constant 0 : i32
    %dma_start3A_61 = tpu.memref_slice %arg2[%dma_start3A_59, %dma_start3A_60] : memref<10000x128xf32, #tpu.memory_space<hbm>> -> memref<10000x128xf32, #tpu.memory_space<hbm>>
    %dma_start3A_62 = tpu.memref_slice %arg24[%dma_start3A_56] : memref<5x!tpu.dma_semaphore, #tpu.memory_space<semaphore_mem>> -> memref<1x!tpu.dma_semaphore, #tpu.memory_space<semaphore_mem>>
    %dma_start3A_63 = tpu.memref_squeeze %dma_start3A_62 : memref<1x!tpu.dma_semaphore, #tpu.memory_space<semaphore_mem>> -> memref<!tpu.dma_semaphore, #tpu.memory_space<semaphore_mem>>
    tpu.enqueue_indirect_dma source(%dma_start3A_61 : memref<10000x128xf32, #tpu.memory_space<hbm>>) target(%arg19 : memref<40x128xf32, #tpu.memory_space<vmem>>) offsets(%dma_start3A_58 : memref<40xi32, #tpu.memory_space<vmem>>) semaphore(%dma_start3A_63 : memref<!tpu.dma_semaphore, #tpu.memory_space<semaphore_mem>>)
    %add3A_64 = arith.constant 160 : i32
    %add3A_65 = arith.addi %mul3A_4, %add3A_64 : i32
    %dma_start3A_66 = arith.constant 4 : i32
    %dma_start3A_67 = tpu.memref_slice %arg4[%add3A_65] : memref<320000xi32, #tpu.memory_space<hbm>> -> memref<40xi32, #tpu.memory_space<hbm>>
    %dma_start3A_68 = tpu.memref_slice %arg24[%dma_start3A_66] : memref<5x!tpu.dma_semaphore, #tpu.memory_space<semaphore_mem>> -> memref<1x!tpu.dma_semaphore, #tpu.memory_space<semaphore_mem>>
    %dma_start3A_69 = tpu.memref_squeeze %dma_start3A_68 : memref<1x!tpu.dma_semaphore, #tpu.memory_space<semaphore_mem>> -> memref<!tpu.dma_semaphore, #tpu.memory_space<semaphore_mem>>
    %dma_start3A_70 = tpu.memref_slice %arg4[%add3A_65] : memref<320000xi32, #tpu.memory_space<hbm>> -> memref<40xi32, #tpu.memory_space<hbm>>
    tpu.enqueue_dma source(%dma_start3A_70 : memref<40xi32, #tpu.memory_space<hbm>>) target(%arg15 : memref<40xi32, #tpu.memory_space<vmem>>) target_semaphore(%dma_start3A_69 : memref<!tpu.dma_semaphore, #tpu.memory_space<semaphore_mem>>)
    %dma_start3A_71 = arith.constant 4 : i32
    %dma_start3A_72 = arith.constant 160 : i32
    %dma_start3A_73 = tpu.memref_slice %arg10[%dma_start3A_72] : memref<10000xi32, #tpu.memory_space<vmem>> -> memref<40xi32, #tpu.memory_space<vmem>>
    %dma_start3A_74 = arith.constant 0 : i32
    %dma_start3A_75 = arith.constant 0 : i32
    %dma_start3A_76 = tpu.memref_slice %arg2[%dma_start3A_74, %dma_start3A_75] : memref<10000x128xf32, #tpu.memory_space<hbm>> -> memref<10000x128xf32, #tpu.memory_space<hbm>>
    %dma_start3A_77 = tpu.memref_slice %arg24[%dma_start3A_71] : memref<5x!tpu.dma_semaphore, #tpu.memory_space<semaphore_mem>> -> memref<1x!tpu.dma_semaphore, #tpu.memory_space<semaphore_mem>>
    %dma_start3A_78 = tpu.memref_squeeze %dma_start3A_77 : memref<1x!tpu.dma_semaphore, #tpu.memory_space<semaphore_mem>> -> memref<!tpu.dma_semaphore, #tpu.memory_space<semaphore_mem>>
    tpu.enqueue_indirect_dma source(%dma_start3A_76 : memref<10000x128xf32, #tpu.memory_space<hbm>>) target(%arg20 : memref<40x128xf32, #tpu.memory_space<vmem>>) offsets(%dma_start3A_73 : memref<40xi32, #tpu.memory_space<vmem>>) semaphore(%dma_start3A_78 : memref<!tpu.dma_semaphore, #tpu.memory_space<semaphore_mem>>)
    %scan3A = arith.constant 0 : i32
    %scan3A_79 = arith.constant 50 : i32
    %scan3A_80 = arith.addi %scan3A, %scan3A_79 : i32
    %scan3A_81 = arith.constant 1 : i32
    scf.for %scan3A_144 = %scan3A to %scan3A_80 step %scan3A_81  : i32 {
      %mul3A_145 = arith.constant 5 : i32
      %mul3A_146 = arith.muli %scan3A_144, %mul3A_145 : i32
      %add3A_147 = arith.constant 0 : i32
      %add3A_148 = arith.addi %add3A_147, %mul3A_146 : i32
      %add3A_149 = arith.constant 0 : i32
      %add3A_150 = arith.addi %add3A_148, %add3A_149 : i32
      %mul3A_151 = arith.constant 40 : i32
      %mul3A_152 = arith.muli %add3A_150, %mul3A_151 : i32
      %add3A_153 = arith.addi %mul3A_4, %mul3A_152 : i32
      %dma_wait3A_154 = arith.constant 0 : i32
      %dma_wait3A_155 = tpu.memref_slice %arg4[%add3A_153] : memref<320000xi32, #tpu.memory_space<hbm>> -> memref<40xi32, #tpu.memory_space<hbm>>
      %dma_wait3A_156 = tpu.memref_slice %arg24[%dma_wait3A_154] : memref<5x!tpu.dma_semaphore, #tpu.memory_space<semaphore_mem>> -> memref<1x!tpu.dma_semaphore, #tpu.memory_space<semaphore_mem>>
      %dma_wait3A_157 = tpu.memref_squeeze %dma_wait3A_156 : memref<1x!tpu.dma_semaphore, #tpu.memory_space<semaphore_mem>> -> memref<!tpu.dma_semaphore, #tpu.memory_space<semaphore_mem>>
      %dma_wait3A_158 = tpu.memref_slice %arg4[%add3A_153] : memref<320000xi32, #tpu.memory_space<hbm>> -> memref<40xi32, #tpu.memory_space<hbm>>
      tpu.wait_dma2 semaphore(%dma_wait3A_157 : memref<!tpu.dma_semaphore, #tpu.memory_space<semaphore_mem>>) src(%dma_wait3A_158 : memref<40xi32, #tpu.memory_space<hbm>>) dst(%arg11 : memref<40xi32, #tpu.memory_space<vmem>>)
      %mul3A_159 = arith.constant 40 : i32
      %mul3A_160 = arith.muli %add3A_150, %mul3A_159 : i32
      %dma_wait3A_161 = arith.constant 0 : i32
      %dma_wait3A_162 = tpu.memref_slice %arg10[%mul3A_160] : memref<10000xi32, #tpu.memory_space<vmem>> -> memref<40xi32, #tpu.memory_space<vmem>>
      %dma_wait3A_163 = arith.constant 0 : i32
      %dma_wait3A_164 = arith.constant 0 : i32
      %dma_wait3A_165 = tpu.memref_slice %arg2[%dma_wait3A_163, %dma_wait3A_164] : memref<10000x128xf32, #tpu.memory_space<hbm>> -> memref<10000x128xf32, #tpu.memory_space<hbm>>
      %dma_wait3A_166 = tpu.memref_slice %arg24[%dma_wait3A_161] : memref<5x!tpu.dma_semaphore, #tpu.memory_space<semaphore_mem>> -> memref<1x!tpu.dma_semaphore, #tpu.memory_space<semaphore_mem>>
      %dma_wait3A_167 = tpu.memref_squeeze %dma_wait3A_166 : memref<1x!tpu.dma_semaphore, #tpu.memory_space<semaphore_mem>> -> memref<!tpu.dma_semaphore, #tpu.memory_space<semaphore_mem>>
      tpu.wait_indirect_dma semaphore(%dma_wait3A_167 : memref<!tpu.dma_semaphore, #tpu.memory_space<semaphore_mem>>) src(%dma_wait3A_165 : memref<10000x128xf32, #tpu.memory_space<hbm>>) dst(%arg16 : memref<40x128xf32, #tpu.memory_space<vmem>>)
      %dma_start3A_168 = arith.constant 0 : i32
      %dma_start3A_169 = arith.constant 0 : i32
      %dma_start3A_170 = arith.constant 0 : i32
      %dma_start3A_171 = tpu.memref_slice %arg22[%dma_start3A_169, %dma_start3A_170] : memref<10240x128xf32, #tpu.memory_space<vmem_shared>> -> memref<10240x128xf32, #tpu.memory_space<vmem_shared>>
      %dma_start3A_172 = tpu.memref_slice %arg25[%dma_start3A_168] : memref<5x!tpu.dma_semaphore, #tpu.memory_space<semaphore_mem>> -> memref<1x!tpu.dma_semaphore, #tpu.memory_space<semaphore_mem>>
      %dma_start3A_173 = tpu.memref_squeeze %dma_start3A_172 : memref<1x!tpu.dma_semaphore, #tpu.memory_space<semaphore_mem>> -> memref<!tpu.dma_semaphore, #tpu.memory_space<semaphore_mem>>
      tpu.enqueue_indirect_dma source(%arg16 : memref<40x128xf32, #tpu.memory_space<vmem>>) target(%dma_start3A_171 : memref<10240x128xf32, #tpu.memory_space<vmem_shared>>) offsets(%arg11 : memref<40xi32, #tpu.memory_space<vmem>>) semaphore(%dma_start3A_173 : memref<!tpu.dma_semaphore, #tpu.memory_space<semaphore_mem>>) {add = true}
      %dma_start3A_174 = arith.constant 0 : i32
      %dma_start3A_175 = arith.constant 0 : i32
      %dma_start3A_176 = tpu.memref_slice %arg23[%dma_start3A_175] : memref<10240xf32, #tpu.memory_space<vmem_shared>> -> memref<10240xf32, #tpu.memory_space<vmem_shared>>
      %dma_start3A_177 = tpu.memref_slice %arg26[%dma_start3A_174] : memref<5x!tpu.dma_semaphore, #tpu.memory_space<semaphore_mem>> -> memref<1x!tpu.dma_semaphore, #tpu.memory_space<semaphore_mem>>
      %dma_start3A_178 = tpu.memref_squeeze %dma_start3A_177 : memref<1x!tpu.dma_semaphore, #tpu.memory_space<semaphore_mem>> -> memref<!tpu.dma_semaphore, #tpu.memory_space<semaphore_mem>>
      tpu.enqueue_indirect_dma source(%arg21 : memref<40xf32, #tpu.memory_space<vmem>>) target(%dma_start3A_176 : memref<10240xf32, #tpu.memory_space<vmem_shared>>) offsets(%arg11 : memref<40xi32, #tpu.memory_space<vmem>>) semaphore(%dma_start3A_178 : memref<!tpu.dma_semaphore, #tpu.memory_space<semaphore_mem>>) {add = true}
      %add3A_179 = arith.constant 5 : i32
      %add3A_180 = arith.addi %add3A_150, %add3A_179 : i32
      %lt3A = arith.constant 250 : i32
      %lt3A_181 = arith.cmpi slt, %add3A_180, %lt3A : i32
      %convert_element_type3A = arith.extui %lt3A_181 : i1 to i32
      %cond3A = arith.constant 0 : i32
      %cond3A_182 = arith.cmpi ne, %convert_element_type3A, %cond3A : i32
      scf.if %cond3A_182 {
        %dma_wait3A_331 = arith.constant 0 : i32
        %dma_wait3A_332 = arith.constant 0 : i32
        %dma_wait3A_333 = arith.constant 0 : i32
        %dma_wait3A_334 = tpu.memref_slice %arg22[%dma_wait3A_332, %dma_wait3A_333] : memref<10240x128xf32, #tpu.memory_space<vmem_shared>> -> memref<10240x128xf32, #tpu.memory_space<vmem_shared>>
        %dma_wait3A_335 = tpu.memref_slice %arg25[%dma_wait3A_331] : memref<5x!tpu.dma_semaphore, #tpu.memory_space<semaphore_mem>> -> memref<1x!tpu.dma_semaphore, #tpu.memory_space<semaphore_mem>>
        %dma_wait3A_336 = tpu.memref_squeeze %dma_wait3A_335 : memref<1x!tpu.dma_semaphore, #tpu.memory_space<semaphore_mem>> -> memref<!tpu.dma_semaphore, #tpu.memory_space<semaphore_mem>>
        tpu.wait_indirect_dma semaphore(%dma_wait3A_336 : memref<!tpu.dma_semaphore, #tpu.memory_space<semaphore_mem>>) src(%arg16 : memref<40x128xf32, #tpu.memory_space<vmem>>) dst(%dma_wait3A_334 : memref<10240x128xf32, #tpu.memory_space<vmem_shared>>)
        %dma_wait3A_337 = arith.constant 0 : i32
        %dma_wait3A_338 = arith.constant 0 : i32
        %dma_wait3A_339 = tpu.memref_slice %arg23[%dma_wait3A_338] : memref<10240xf32, #tpu.memory_space<vmem_shared>> -> memref<10240xf32, #tpu.memory_space<vmem_shared>>
        %dma_wait3A_340 = tpu.memref_slice %arg26[%dma_wait3A_337] : memref<5x!tpu.dma_semaphore, #tpu.memory_space<semaphore_mem>> -> memref<1x!tpu.dma_semaphore, #tpu.memory_space<semaphore_mem>>
        %dma_wait3A_341 = tpu.memref_squeeze %dma_wait3A_340 : memref<1x!tpu.dma_semaphore, #tpu.memory_space<semaphore_mem>> -> memref<!tpu.dma_semaphore, #tpu.memory_space<semaphore_mem>>
        tpu.wait_indirect_dma semaphore(%dma_wait3A_341 : memref<!tpu.dma_semaphore, #tpu.memory_space<semaphore_mem>>) src(%arg21 : memref<40xf32, #tpu.memory_space<vmem>>) dst(%dma_wait3A_339 : memref<10240xf32, #tpu.memory_space<vmem_shared>>)
        %add3A_342 = arith.constant 5 : i32
        %add3A_343 = arith.addi %add3A_150, %add3A_342 : i32
        %mul3A_344 = arith.constant 40 : i32
        %mul3A_345 = arith.muli %add3A_343, %mul3A_344 : i32
        %add3A_346 = arith.addi %mul3A_4, %mul3A_345 : i32
        %dma_start3A_347 = arith.constant 0 : i32
        %dma_start3A_348 = tpu.memref_slice %arg4[%add3A_346] : memref<320000xi32, #tpu.memory_space<hbm>> -> memref<40xi32, #tpu.memory_space<hbm>>
        %dma_start3A_349 = tpu.memref_slice %arg24[%dma_start3A_347] : memref<5x!tpu.dma_semaphore, #tpu.memory_space<semaphore_mem>> -> memref<1x!tpu.dma_semaphore, #tpu.memory_space<semaphore_mem>>
        %dma_start3A_350 = tpu.memref_squeeze %dma_start3A_349 : memref<1x!tpu.dma_semaphore, #tpu.memory_space<semaphore_mem>> -> memref<!tpu.dma_semaphore, #tpu.memory_space<semaphore_mem>>
        %dma_start3A_351 = tpu.memref_slice %arg4[%add3A_346] : memref<320000xi32, #tpu.memory_space<hbm>> -> memref<40xi32, #tpu.memory_space<hbm>>
        tpu.enqueue_dma source(%dma_start3A_351 : memref<40xi32, #tpu.memory_space<hbm>>) target(%arg11 : memref<40xi32, #tpu.memory_space<vmem>>) target_semaphore(%dma_start3A_350 : memref<!tpu.dma_semaphore, #tpu.memory_space<semaphore_mem>>)
        %mul3A_352 = arith.constant 40 : i32
        %mul3A_353 = arith.muli %add3A_343, %mul3A_352 : i32
        %dma_start3A_354 = arith.constant 0 : i32
        %dma_start3A_355 = tpu.memref_slice %arg10[%mul3A_353] : memref<10000xi32, #tpu.memory_space<vmem>> -> memref<40xi32, #tpu.memory_space<vmem>>
        %dma_start3A_356 = arith.constant 0 : i32
        %dma_start3A_357 = arith.constant 0 : i32
        %dma_start3A_358 = tpu.memref_slice %arg2[%dma_start3A_356, %dma_start3A_357] : memref<10000x128xf32, #tpu.memory_space<hbm>> -> memref<10000x128xf32, #tpu.memory_space<hbm>>
        %dma_start3A_359 = tpu.memref_slice %arg24[%dma_start3A_354] : memref<5x!tpu.dma_semaphore, #tpu.memory_space<semaphore_mem>> -> memref<1x!tpu.dma_semaphore, #tpu.memory_space<semaphore_mem>>
        %dma_start3A_360 = tpu.memref_squeeze %dma_start3A_359 : memref<1x!tpu.dma_semaphore, #tpu.memory_space<semaphore_mem>> -> memref<!tpu.dma_semaphore, #tpu.memory_space<semaphore_mem>>
        tpu.enqueue_indirect_dma source(%dma_start3A_358 : memref<10000x128xf32, #tpu.memory_space<hbm>>) target(%arg16 : memref<40x128xf32, #tpu.memory_space<vmem>>) offsets(%dma_start3A_355 : memref<40xi32, #tpu.memory_space<vmem>>) semaphore(%dma_start3A_360 : memref<!tpu.dma_semaphore, #tpu.memory_space<semaphore_mem>>)
      } else {
      }
      %add3A_183 = arith.constant 1 : i32
      %add3A_184 = arith.addi %add3A_148, %add3A_183 : i32
      %mul3A_185 = arith.constant 40 : i32
      %mul3A_186 = arith.muli %add3A_184, %mul3A_185 : i32
      %add3A_187 = arith.addi %mul3A_4, %mul3A_186 : i32
      %dma_wait3A_188 = arith.constant 1 : i32
      %dma_wait3A_189 = tpu.memref_slice %arg4[%add3A_187] : memref<320000xi32, #tpu.memory_space<hbm>> -> memref<40xi32, #tpu.memory_space<hbm>>
      %dma_wait3A_190 = tpu.memref_slice %arg24[%dma_wait3A_188] : memref<5x!tpu.dma_semaphore, #tpu.memory_space<semaphore_mem>> -> memref<1x!tpu.dma_semaphore, #tpu.memory_space<semaphore_mem>>
      %dma_wait3A_191 = tpu.memref_squeeze %dma_wait3A_190 : memref<1x!tpu.dma_semaphore, #tpu.memory_space<semaphore_mem>> -> memref<!tpu.dma_semaphore, #tpu.memory_space<semaphore_mem>>
      %dma_wait3A_192 = tpu.memref_slice %arg4[%add3A_187] : memref<320000xi32, #tpu.memory_space<hbm>> -> memref<40xi32, #tpu.memory_space<hbm>>
      tpu.wait_dma2 semaphore(%dma_wait3A_191 : memref<!tpu.dma_semaphore, #tpu.memory_space<semaphore_mem>>) src(%dma_wait3A_192 : memref<40xi32, #tpu.memory_space<hbm>>) dst(%arg12 : memref<40xi32, #tpu.memory_space<vmem>>)
      %mul3A_193 = arith.constant 40 : i32
      %mul3A_194 = arith.muli %add3A_184, %mul3A_193 : i32
      %dma_wait3A_195 = arith.constant 1 : i32
      %dma_wait3A_196 = tpu.memref_slice %arg10[%mul3A_194] : memref<10000xi32, #tpu.memory_space<vmem>> -> memref<40xi32, #tpu.memory_space<vmem>>
      %dma_wait3A_197 = arith.constant 0 : i32
      %dma_wait3A_198 = arith.constant 0 : i32
      %dma_wait3A_199 = tpu.memref_slice %arg2[%dma_wait3A_197, %dma_wait3A_198] : memref<10000x128xf32, #tpu.memory_space<hbm>> -> memref<10000x128xf32, #tpu.memory_space<hbm>>
      %dma_wait3A_200 = tpu.memref_slice %arg24[%dma_wait3A_195] : memref<5x!tpu.dma_semaphore, #tpu.memory_space<semaphore_mem>> -> memref<1x!tpu.dma_semaphore, #tpu.memory_space<semaphore_mem>>
      %dma_wait3A_201 = tpu.memref_squeeze %dma_wait3A_200 : memref<1x!tpu.dma_semaphore, #tpu.memory_space<semaphore_mem>> -> memref<!tpu.dma_semaphore, #tpu.memory_space<semaphore_mem>>
      tpu.wait_indirect_dma semaphore(%dma_wait3A_201 : memref<!tpu.dma_semaphore, #tpu.memory_space<semaphore_mem>>) src(%dma_wait3A_199 : memref<10000x128xf32, #tpu.memory_space<hbm>>) dst(%arg17 : memref<40x128xf32, #tpu.memory_space<vmem>>)
      %dma_start3A_202 = arith.constant 1 : i32
      %dma_start3A_203 = arith.constant 0 : i32
      %dma_start3A_204 = arith.constant 0 : i32
      %dma_start3A_205 = tpu.memref_slice %arg22[%dma_start3A_203, %dma_start3A_204] : memref<10240x128xf32, #tpu.memory_space<vmem_shared>> -> memref<10240x128xf32, #tpu.memory_space<vmem_shared>>
      %dma_start3A_206 = tpu.memref_slice %arg25[%dma_start3A_202] : memref<5x!tpu.dma_semaphore, #tpu.memory_space<semaphore_mem>> -> memref<1x!tpu.dma_semaphore, #tpu.memory_space<semaphore_mem>>
      %dma_start3A_207 = tpu.memref_squeeze %dma_start3A_206 : memref<1x!tpu.dma_semaphore, #tpu.memory_space<semaphore_mem>> -> memref<!tpu.dma_semaphore, #tpu.memory_space<semaphore_mem>>
      tpu.enqueue_indirect_dma source(%arg17 : memref<40x128xf32, #tpu.memory_space<vmem>>) target(%dma_start3A_205 : memref<10240x128xf32, #tpu.memory_space<vmem_shared>>) offsets(%arg12 : memref<40xi32, #tpu.memory_space<vmem>>) semaphore(%dma_start3A_207 : memref<!tpu.dma_semaphore, #tpu.memory_space<semaphore_mem>>) {add = true}
      %dma_start3A_208 = arith.constant 1 : i32
      %dma_start3A_209 = arith.constant 0 : i32
      %dma_start3A_210 = tpu.memref_slice %arg23[%dma_start3A_209] : memref<10240xf32, #tpu.memory_space<vmem_shared>> -> memref<10240xf32, #tpu.memory_space<vmem_shared>>
      %dma_start3A_211 = tpu.memref_slice %arg26[%dma_start3A_208] : memref<5x!tpu.dma_semaphore, #tpu.memory_space<semaphore_mem>> -> memref<1x!tpu.dma_semaphore, #tpu.memory_space<semaphore_mem>>
      %dma_start3A_212 = tpu.memref_squeeze %dma_start3A_211 : memref<1x!tpu.dma_semaphore, #tpu.memory_space<semaphore_mem>> -> memref<!tpu.dma_semaphore, #tpu.memory_space<semaphore_mem>>
      tpu.enqueue_indirect_dma source(%arg21 : memref<40xf32, #tpu.memory_space<vmem>>) target(%dma_start3A_210 : memref<10240xf32, #tpu.memory_space<vmem_shared>>) offsets(%arg12 : memref<40xi32, #tpu.memory_space<vmem>>) semaphore(%dma_start3A_212 : memref<!tpu.dma_semaphore, #tpu.memory_space<semaphore_mem>>) {add = true}
      %add3A_213 = arith.constant 5 : i32
      %add3A_214 = arith.addi %add3A_184, %add3A_213 : i32
      %lt3A_215 = arith.constant 250 : i32
      %lt3A_216 = arith.cmpi slt, %add3A_214, %lt3A_215 : i32
      %convert_element_type3A_217 = arith.extui %lt3A_216 : i1 to i32
      %cond3A_218 = arith.constant 0 : i32
      %cond3A_219 = arith.cmpi ne, %convert_element_type3A_217, %cond3A_218 : i32
      scf.if %cond3A_219 {
        %dma_wait3A_331 = arith.constant 1 : i32
        %dma_wait3A_332 = arith.constant 0 : i32
        %dma_wait3A_333 = arith.constant 0 : i32
        %dma_wait3A_334 = tpu.memref_slice %arg22[%dma_wait3A_332, %dma_wait3A_333] : memref<10240x128xf32, #tpu.memory_space<vmem_shared>> -> memref<10240x128xf32, #tpu.memory_space<vmem_shared>>
        %dma_wait3A_335 = tpu.memref_slice %arg25[%dma_wait3A_331] : memref<5x!tpu.dma_semaphore, #tpu.memory_space<semaphore_mem>> -> memref<1x!tpu.dma_semaphore, #tpu.memory_space<semaphore_mem>>
        %dma_wait3A_336 = tpu.memref_squeeze %dma_wait3A_335 : memref<1x!tpu.dma_semaphore, #tpu.memory_space<semaphore_mem>> -> memref<!tpu.dma_semaphore, #tpu.memory_space<semaphore_mem>>
        tpu.wait_indirect_dma semaphore(%dma_wait3A_336 : memref<!tpu.dma_semaphore, #tpu.memory_space<semaphore_mem>>) src(%arg17 : memref<40x128xf32, #tpu.memory_space<vmem>>) dst(%dma_wait3A_334 : memref<10240x128xf32, #tpu.memory_space<vmem_shared>>)
        %dma_wait3A_337 = arith.constant 1 : i32
        %dma_wait3A_338 = arith.constant 0 : i32
        %dma_wait3A_339 = tpu.memref_slice %arg23[%dma_wait3A_338] : memref<10240xf32, #tpu.memory_space<vmem_shared>> -> memref<10240xf32, #tpu.memory_space<vmem_shared>>
        %dma_wait3A_340 = tpu.memref_slice %arg26[%dma_wait3A_337] : memref<5x!tpu.dma_semaphore, #tpu.memory_space<semaphore_mem>> -> memref<1x!tpu.dma_semaphore, #tpu.memory_space<semaphore_mem>>
        %dma_wait3A_341 = tpu.memref_squeeze %dma_wait3A_340 : memref<1x!tpu.dma_semaphore, #tpu.memory_space<semaphore_mem>> -> memref<!tpu.dma_semaphore, #tpu.memory_space<semaphore_mem>>
        tpu.wait_indirect_dma semaphore(%dma_wait3A_341 : memref<!tpu.dma_semaphore, #tpu.memory_space<semaphore_mem>>) src(%arg21 : memref<40xf32, #tpu.memory_space<vmem>>) dst(%dma_wait3A_339 : memref<10240xf32, #tpu.memory_space<vmem_shared>>)
        %add3A_342 = arith.constant 5 : i32
        %add3A_343 = arith.addi %add3A_184, %add3A_342 : i32
        %mul3A_344 = arith.constant 40 : i32
        %mul3A_345 = arith.muli %add3A_343, %mul3A_344 : i32
        %add3A_346 = arith.addi %mul3A_4, %mul3A_345 : i32
        %dma_start3A_347 = arith.constant 1 : i32
        %dma_start3A_348 = tpu.memref_slice %arg4[%add3A_346] : memref<320000xi32, #tpu.memory_space<hbm>> -> memref<40xi32, #tpu.memory_space<hbm>>
        %dma_start3A_349 = tpu.memref_slice %arg24[%dma_start3A_347] : memref<5x!tpu.dma_semaphore, #tpu.memory_space<semaphore_mem>> -> memref<1x!tpu.dma_semaphore, #tpu.memory_space<semaphore_mem>>
        %dma_start3A_350 = tpu.memref_squeeze %dma_start3A_349 : memref<1x!tpu.dma_semaphore, #tpu.memory_space<semaphore_mem>> -> memref<!tpu.dma_semaphore, #tpu.memory_space<semaphore_mem>>
        %dma_start3A_351 = tpu.memref_slice %arg4[%add3A_346] : memref<320000xi32, #tpu.memory_space<hbm>> -> memref<40xi32, #tpu.memory_space<hbm>>
        tpu.enqueue_dma source(%dma_start3A_351 : memref<40xi32, #tpu.memory_space<hbm>>) target(%arg12 : memref<40xi32, #tpu.memory_space<vmem>>) target_semaphore(%dma_start3A_350 : memref<!tpu.dma_semaphore, #tpu.memory_space<semaphore_mem>>)
        %mul3A_352 = arith.constant 40 : i32
        %mul3A_353 = arith.muli %add3A_343, %mul3A_352 : i32
        %dma_start3A_354 = arith.constant 1 : i32
        %dma_start3A_355 = tpu.memref_slice %arg10[%mul3A_353] : memref<10000xi32, #tpu.memory_space<vmem>> -> memref<40xi32, #tpu.memory_space<vmem>>
        %dma_start3A_356 = arith.constant 0 : i32
        %dma_start3A_357 = arith.constant 0 : i32
        %dma_start3A_358 = tpu.memref_slice %arg2[%dma_start3A_356, %dma_start3A_357] : memref<10000x128xf32, #tpu.memory_space<hbm>> -> memref<10000x128xf32, #tpu.memory_space<hbm>>
        %dma_start3A_359 = tpu.memref_slice %arg24[%dma_start3A_354] : memref<5x!tpu.dma_semaphore, #tpu.memory_space<semaphore_mem>> -> memref<1x!tpu.dma_semaphore, #tpu.memory_space<semaphore_mem>>
        %dma_start3A_360 = tpu.memref_squeeze %dma_start3A_359 : memref<1x!tpu.dma_semaphore, #tpu.memory_space<semaphore_mem>> -> memref<!tpu.dma_semaphore, #tpu.memory_space<semaphore_mem>>
        tpu.enqueue_indirect_dma source(%dma_start3A_358 : memref<10000x128xf32, #tpu.memory_space<hbm>>) target(%arg17 : memref<40x128xf32, #tpu.memory_space<vmem>>) offsets(%dma_start3A_355 : memref<40xi32, #tpu.memory_space<vmem>>) semaphore(%dma_start3A_360 : memref<!tpu.dma_semaphore, #tpu.memory_space<semaphore_mem>>)
      } else {
      }
      %add3A_220 = arith.constant 2 : i32
      %add3A_221 = arith.addi %add3A_148, %add3A_220 : i32
      %mul3A_222 = arith.constant 40 : i32
      %mul3A_223 = arith.muli %add3A_221, %mul3A_222 : i32
      %add3A_224 = arith.addi %mul3A_4, %mul3A_223 : i32
      %dma_wait3A_225 = arith.constant 2 : i32
      %dma_wait3A_226 = tpu.memref_slice %arg4[%add3A_224] : memref<320000xi32, #tpu.memory_space<hbm>> -> memref<40xi32, #tpu.memory_space<hbm>>
      %dma_wait3A_227 = tpu.memref_slice %arg24[%dma_wait3A_225] : memref<5x!tpu.dma_semaphore, #tpu.memory_space<semaphore_mem>> -> memref<1x!tpu.dma_semaphore, #tpu.memory_space<semaphore_mem>>
      %dma_wait3A_228 = tpu.memref_squeeze %dma_wait3A_227 : memref<1x!tpu.dma_semaphore, #tpu.memory_space<semaphore_mem>> -> memref<!tpu.dma_semaphore, #tpu.memory_space<semaphore_mem>>
      %dma_wait3A_229 = tpu.memref_slice %arg4[%add3A_224] : memref<320000xi32, #tpu.memory_space<hbm>> -> memref<40xi32, #tpu.memory_space<hbm>>
      tpu.wait_dma2 semaphore(%dma_wait3A_228 : memref<!tpu.dma_semaphore, #tpu.memory_space<semaphore_mem>>) src(%dma_wait3A_229 : memref<40xi32, #tpu.memory_space<hbm>>) dst(%arg13 : memref<40xi32, #tpu.memory_space<vmem>>)
      %mul3A_230 = arith.constant 40 : i32
      %mul3A_231 = arith.muli %add3A_221, %mul3A_230 : i32
      %dma_wait3A_232 = arith.constant 2 : i32
      %dma_wait3A_233 = tpu.memref_slice %arg10[%mul3A_231] : memref<10000xi32, #tpu.memory_space<vmem>> -> memref<40xi32, #tpu.memory_space<vmem>>
      %dma_wait3A_234 = arith.constant 0 : i32
      %dma_wait3A_235 = arith.constant 0 : i32
      %dma_wait3A_236 = tpu.memref_slice %arg2[%dma_wait3A_234, %dma_wait3A_235] : memref<10000x128xf32, #tpu.memory_space<hbm>> -> memref<10000x128xf32, #tpu.memory_space<hbm>>
      %dma_wait3A_237 = tpu.memref_slice %arg24[%dma_wait3A_232] : memref<5x!tpu.dma_semaphore, #tpu.memory_space<semaphore_mem>> -> memref<1x!tpu.dma_semaphore, #tpu.memory_space<semaphore_mem>>
      %dma_wait3A_238 = tpu.memref_squeeze %dma_wait3A_237 : memref<1x!tpu.dma_semaphore, #tpu.memory_space<semaphore_mem>> -> memref<!tpu.dma_semaphore, #tpu.memory_space<semaphore_mem>>
      tpu.wait_indirect_dma semaphore(%dma_wait3A_238 : memref<!tpu.dma_semaphore, #tpu.memory_space<semaphore_mem>>) src(%dma_wait3A_236 : memref<10000x128xf32, #tpu.memory_space<hbm>>) dst(%arg18 : memref<40x128xf32, #tpu.memory_space<vmem>>)
      %dma_start3A_239 = arith.constant 2 : i32
      %dma_start3A_240 = arith.constant 0 : i32
      %dma_start3A_241 = arith.constant 0 : i32
      %dma_start3A_242 = tpu.memref_slice %arg22[%dma_start3A_240, %dma_start3A_241] : memref<10240x128xf32, #tpu.memory_space<vmem_shared>> -> memref<10240x128xf32, #tpu.memory_space<vmem_shared>>
      %dma_start3A_243 = tpu.memref_slice %arg25[%dma_start3A_239] : memref<5x!tpu.dma_semaphore, #tpu.memory_space<semaphore_mem>> -> memref<1x!tpu.dma_semaphore, #tpu.memory_space<semaphore_mem>>
      %dma_start3A_244 = tpu.memref_squeeze %dma_start3A_243 : memref<1x!tpu.dma_semaphore, #tpu.memory_space<semaphore_mem>> -> memref<!tpu.dma_semaphore, #tpu.memory_space<semaphore_mem>>
      tpu.enqueue_indirect_dma source(%arg18 : memref<40x128xf32, #tpu.memory_space<vmem>>) target(%dma_start3A_242 : memref<10240x128xf32, #tpu.memory_space<vmem_shared>>) offsets(%arg13 : memref<40xi32, #tpu.memory_space<vmem>>) semaphore(%dma_start3A_244 : memref<!tpu.dma_semaphore, #tpu.memory_space<semaphore_mem>>) {add = true}
      %dma_start3A_245 = arith.constant 2 : i32
      %dma_start3A_246 = arith.constant 0 : i32
      %dma_start3A_247 = tpu.memref_slice %arg23[%dma_start3A_246] : memref<10240xf32, #tpu.memory_space<vmem_shared>> -> memref<10240xf32, #tpu.memory_space<vmem_shared>>
      %dma_start3A_248 = tpu.memref_slice %arg26[%dma_start3A_245] : memref<5x!tpu.dma_semaphore, #tpu.memory_space<semaphore_mem>> -> memref<1x!tpu.dma_semaphore, #tpu.memory_space<semaphore_mem>>
      %dma_start3A_249 = tpu.memref_squeeze %dma_start3A_248 : memref<1x!tpu.dma_semaphore, #tpu.memory_space<semaphore_mem>> -> memref<!tpu.dma_semaphore, #tpu.memory_space<semaphore_mem>>
      tpu.enqueue_indirect_dma source(%arg21 : memref<40xf32, #tpu.memory_space<vmem>>) target(%dma_start3A_247 : memref<10240xf32, #tpu.memory_space<vmem_shared>>) offsets(%arg13 : memref<40xi32, #tpu.memory_space<vmem>>) semaphore(%dma_start3A_249 : memref<!tpu.dma_semaphore, #tpu.memory_space<semaphore_mem>>) {add = true}
      %add3A_250 = arith.constant 5 : i32
      %add3A_251 = arith.addi %add3A_221, %add3A_250 : i32
      %lt3A_252 = arith.constant 250 : i32
      %lt3A_253 = arith.cmpi slt, %add3A_251, %lt3A_252 : i32
      %convert_element_type3A_254 = arith.extui %lt3A_253 : i1 to i32
      %cond3A_255 = arith.constant 0 : i32
      %cond3A_256 = arith.cmpi ne, %convert_element_type3A_254, %cond3A_255 : i32
      scf.if %cond3A_256 {
        %dma_wait3A_331 = arith.constant 2 : i32
        %dma_wait3A_332 = arith.constant 0 : i32
        %dma_wait3A_333 = arith.constant 0 : i32
        %dma_wait3A_334 = tpu.memref_slice %arg22[%dma_wait3A_332, %dma_wait3A_333] : memref<10240x128xf32, #tpu.memory_space<vmem_shared>> -> memref<10240x128xf32, #tpu.memory_space<vmem_shared>>
        %dma_wait3A_335 = tpu.memref_slice %arg25[%dma_wait3A_331] : memref<5x!tpu.dma_semaphore, #tpu.memory_space<semaphore_mem>> -> memref<1x!tpu.dma_semaphore, #tpu.memory_space<semaphore_mem>>
        %dma_wait3A_336 = tpu.memref_squeeze %dma_wait3A_335 : memref<1x!tpu.dma_semaphore, #tpu.memory_space<semaphore_mem>> -> memref<!tpu.dma_semaphore, #tpu.memory_space<semaphore_mem>>
        tpu.wait_indirect_dma semaphore(%dma_wait3A_336 : memref<!tpu.dma_semaphore, #tpu.memory_space<semaphore_mem>>) src(%arg18 : memref<40x128xf32, #tpu.memory_space<vmem>>) dst(%dma_wait3A_334 : memref<10240x128xf32, #tpu.memory_space<vmem_shared>>)
        %dma_wait3A_337 = arith.constant 2 : i32
        %dma_wait3A_338 = arith.constant 0 : i32
        %dma_wait3A_339 = tpu.memref_slice %arg23[%dma_wait3A_338] : memref<10240xf32, #tpu.memory_space<vmem_shared>> -> memref<10240xf32, #tpu.memory_space<vmem_shared>>
        %dma_wait3A_340 = tpu.memref_slice %arg26[%dma_wait3A_337] : memref<5x!tpu.dma_semaphore, #tpu.memory_space<semaphore_mem>> -> memref<1x!tpu.dma_semaphore, #tpu.memory_space<semaphore_mem>>
        %dma_wait3A_341 = tpu.memref_squeeze %dma_wait3A_340 : memref<1x!tpu.dma_semaphore, #tpu.memory_space<semaphore_mem>> -> memref<!tpu.dma_semaphore, #tpu.memory_space<semaphore_mem>>
        tpu.wait_indirect_dma semaphore(%dma_wait3A_341 : memref<!tpu.dma_semaphore, #tpu.memory_space<semaphore_mem>>) src(%arg21 : memref<40xf32, #tpu.memory_space<vmem>>) dst(%dma_wait3A_339 : memref<10240xf32, #tpu.memory_space<vmem_shared>>)
        %add3A_342 = arith.constant 5 : i32
        %add3A_343 = arith.addi %add3A_221, %add3A_342 : i32
        %mul3A_344 = arith.constant 40 : i32
        %mul3A_345 = arith.muli %add3A_343, %mul3A_344 : i32
        %add3A_346 = arith.addi %mul3A_4, %mul3A_345 : i32
        %dma_start3A_347 = arith.constant 2 : i32
        %dma_start3A_348 = tpu.memref_slice %arg4[%add3A_346] : memref<320000xi32, #tpu.memory_space<hbm>> -> memref<40xi32, #tpu.memory_space<hbm>>
        %dma_start3A_349 = tpu.memref_slice %arg24[%dma_start3A_347] : memref<5x!tpu.dma_semaphore, #tpu.memory_space<semaphore_mem>> -> memref<1x!tpu.dma_semaphore, #tpu.memory_space<semaphore_mem>>
        %dma_start3A_350 = tpu.memref_squeeze %dma_start3A_349 : memref<1x!tpu.dma_semaphore, #tpu.memory_space<semaphore_mem>> -> memref<!tpu.dma_semaphore, #tpu.memory_space<semaphore_mem>>
        %dma_start3A_351 = tpu.memref_slice %arg4[%add3A_346] : memref<320000xi32, #tpu.memory_space<hbm>> -> memref<40xi32, #tpu.memory_space<hbm>>
        tpu.enqueue_dma source(%dma_start3A_351 : memref<40xi32, #tpu.memory_space<hbm>>) target(%arg13 : memref<40xi32, #tpu.memory_space<vmem>>) target_semaphore(%dma_start3A_350 : memref<!tpu.dma_semaphore, #tpu.memory_space<semaphore_mem>>)
        %mul3A_352 = arith.constant 40 : i32
        %mul3A_353 = arith.muli %add3A_343, %mul3A_352 : i32
        %dma_start3A_354 = arith.constant 2 : i32
        %dma_start3A_355 = tpu.memref_slice %arg10[%mul3A_353] : memref<10000xi32, #tpu.memory_space<vmem>> -> memref<40xi32, #tpu.memory_space<vmem>>
        %dma_start3A_356 = arith.constant 0 : i32
        %dma_start3A_357 = arith.constant 0 : i32
        %dma_start3A_358 = tpu.memref_slice %arg2[%dma_start3A_356, %dma_start3A_357] : memref<10000x128xf32, #tpu.memory_space<hbm>> -> memref<10000x128xf32, #tpu.memory_space<hbm>>
        %dma_start3A_359 = tpu.memref_slice %arg24[%dma_start3A_354] : memref<5x!tpu.dma_semaphore, #tpu.memory_space<semaphore_mem>> -> memref<1x!tpu.dma_semaphore, #tpu.memory_space<semaphore_mem>>
        %dma_start3A_360 = tpu.memref_squeeze %dma_start3A_359 : memref<1x!tpu.dma_semaphore, #tpu.memory_space<semaphore_mem>> -> memref<!tpu.dma_semaphore, #tpu.memory_space<semaphore_mem>>
        tpu.enqueue_indirect_dma source(%dma_start3A_358 : memref<10000x128xf32, #tpu.memory_space<hbm>>) target(%arg18 : memref<40x128xf32, #tpu.memory_space<vmem>>) offsets(%dma_start3A_355 : memref<40xi32, #tpu.memory_space<vmem>>) semaphore(%dma_start3A_360 : memref<!tpu.dma_semaphore, #tpu.memory_space<semaphore_mem>>)
      } else {
      }
      %add3A_257 = arith.constant 3 : i32
      %add3A_258 = arith.addi %add3A_148, %add3A_257 : i32
      %mul3A_259 = arith.constant 40 : i32
      %mul3A_260 = arith.muli %add3A_258, %mul3A_259 : i32
      %add3A_261 = arith.addi %mul3A_4, %mul3A_260 : i32
      %dma_wait3A_262 = arith.constant 3 : i32
      %dma_wait3A_263 = tpu.memref_slice %arg4[%add3A_261] : memref<320000xi32, #tpu.memory_space<hbm>> -> memref<40xi32, #tpu.memory_space<hbm>>
      %dma_wait3A_264 = tpu.memref_slice %arg24[%dma_wait3A_262] : memref<5x!tpu.dma_semaphore, #tpu.memory_space<semaphore_mem>> -> memref<1x!tpu.dma_semaphore, #tpu.memory_space<semaphore_mem>>
      %dma_wait3A_265 = tpu.memref_squeeze %dma_wait3A_264 : memref<1x!tpu.dma_semaphore, #tpu.memory_space<semaphore_mem>> -> memref<!tpu.dma_semaphore, #tpu.memory_space<semaphore_mem>>
      %dma_wait3A_266 = tpu.memref_slice %arg4[%add3A_261] : memref<320000xi32, #tpu.memory_space<hbm>> -> memref<40xi32, #tpu.memory_space<hbm>>
      tpu.wait_dma2 semaphore(%dma_wait3A_265 : memref<!tpu.dma_semaphore, #tpu.memory_space<semaphore_mem>>) src(%dma_wait3A_266 : memref<40xi32, #tpu.memory_space<hbm>>) dst(%arg14 : memref<40xi32, #tpu.memory_space<vmem>>)
      %mul3A_267 = arith.constant 40 : i32
      %mul3A_268 = arith.muli %add3A_258, %mul3A_267 : i32
      %dma_wait3A_269 = arith.constant 3 : i32
      %dma_wait3A_270 = tpu.memref_slice %arg10[%mul3A_268] : memref<10000xi32, #tpu.memory_space<vmem>> -> memref<40xi32, #tpu.memory_space<vmem>>
      %dma_wait3A_271 = arith.constant 0 : i32
      %dma_wait3A_272 = arith.constant 0 : i32
      %dma_wait3A_273 = tpu.memref_slice %arg2[%dma_wait3A_271, %dma_wait3A_272] : memref<10000x128xf32, #tpu.memory_space<hbm>> -> memref<10000x128xf32, #tpu.memory_space<hbm>>
      %dma_wait3A_274 = tpu.memref_slice %arg24[%dma_wait3A_269] : memref<5x!tpu.dma_semaphore, #tpu.memory_space<semaphore_mem>> -> memref<1x!tpu.dma_semaphore, #tpu.memory_space<semaphore_mem>>
      %dma_wait3A_275 = tpu.memref_squeeze %dma_wait3A_274 : memref<1x!tpu.dma_semaphore, #tpu.memory_space<semaphore_mem>> -> memref<!tpu.dma_semaphore, #tpu.memory_space<semaphore_mem>>
      tpu.wait_indirect_dma semaphore(%dma_wait3A_275 : memref<!tpu.dma_semaphore, #tpu.memory_space<semaphore_mem>>) src(%dma_wait3A_273 : memref<10000x128xf32, #tpu.memory_space<hbm>>) dst(%arg19 : memref<40x128xf32, #tpu.memory_space<vmem>>)
      %dma_start3A_276 = arith.constant 3 : i32
      %dma_start3A_277 = arith.constant 0 : i32
      %dma_start3A_278 = arith.constant 0 : i32
      %dma_start3A_279 = tpu.memref_slice %arg22[%dma_start3A_277, %dma_start3A_278] : memref<10240x128xf32, #tpu.memory_space<vmem_shared>> -> memref<10240x128xf32, #tpu.memory_space<vmem_shared>>
      %dma_start3A_280 = tpu.memref_slice %arg25[%dma_start3A_276] : memref<5x!tpu.dma_semaphore, #tpu.memory_space<semaphore_mem>> -> memref<1x!tpu.dma_semaphore, #tpu.memory_space<semaphore_mem>>
      %dma_start3A_281 = tpu.memref_squeeze %dma_start3A_280 : memref<1x!tpu.dma_semaphore, #tpu.memory_space<semaphore_mem>> -> memref<!tpu.dma_semaphore, #tpu.memory_space<semaphore_mem>>
      tpu.enqueue_indirect_dma source(%arg19 : memref<40x128xf32, #tpu.memory_space<vmem>>) target(%dma_start3A_279 : memref<10240x128xf32, #tpu.memory_space<vmem_shared>>) offsets(%arg14 : memref<40xi32, #tpu.memory_space<vmem>>) semaphore(%dma_start3A_281 : memref<!tpu.dma_semaphore, #tpu.memory_space<semaphore_mem>>) {add = true}
      %dma_start3A_282 = arith.constant 3 : i32
      %dma_start3A_283 = arith.constant 0 : i32
      %dma_start3A_284 = tpu.memref_slice %arg23[%dma_start3A_283] : memref<10240xf32, #tpu.memory_space<vmem_shared>> -> memref<10240xf32, #tpu.memory_space<vmem_shared>>
      %dma_start3A_285 = tpu.memref_slice %arg26[%dma_start3A_282] : memref<5x!tpu.dma_semaphore, #tpu.memory_space<semaphore_mem>> -> memref<1x!tpu.dma_semaphore, #tpu.memory_space<semaphore_mem>>
      %dma_start3A_286 = tpu.memref_squeeze %dma_start3A_285 : memref<1x!tpu.dma_semaphore, #tpu.memory_space<semaphore_mem>> -> memref<!tpu.dma_semaphore, #tpu.memory_space<semaphore_mem>>
      tpu.enqueue_indirect_dma source(%arg21 : memref<40xf32, #tpu.memory_space<vmem>>) target(%dma_start3A_284 : memref<10240xf32, #tpu.memory_space<vmem_shared>>) offsets(%arg14 : memref<40xi32, #tpu.memory_space<vmem>>) semaphore(%dma_start3A_286 : memref<!tpu.dma_semaphore, #tpu.memory_space<semaphore_mem>>) {add = true}
      %add3A_287 = arith.constant 5 : i32
      %add3A_288 = arith.addi %add3A_258, %add3A_287 : i32
      %lt3A_289 = arith.constant 250 : i32
      %lt3A_290 = arith.cmpi slt, %add3A_288, %lt3A_289 : i32
      %convert_element_type3A_291 = arith.extui %lt3A_290 : i1 to i32
      %cond3A_292 = arith.constant 0 : i32
      %cond3A_293 = arith.cmpi ne, %convert_element_type3A_291, %cond3A_292 : i32
      scf.if %cond3A_293 {
        %dma_wait3A_331 = arith.constant 3 : i32
        %dma_wait3A_332 = arith.constant 0 : i32
        %dma_wait3A_333 = arith.constant 0 : i32
        %dma_wait3A_334 = tpu.memref_slice %arg22[%dma_wait3A_332, %dma_wait3A_333] : memref<10240x128xf32, #tpu.memory_space<vmem_shared>> -> memref<10240x128xf32, #tpu.memory_space<vmem_shared>>
        %dma_wait3A_335 = tpu.memref_slice %arg25[%dma_wait3A_331] : memref<5x!tpu.dma_semaphore, #tpu.memory_space<semaphore_mem>> -> memref<1x!tpu.dma_semaphore, #tpu.memory_space<semaphore_mem>>
        %dma_wait3A_336 = tpu.memref_squeeze %dma_wait3A_335 : memref<1x!tpu.dma_semaphore, #tpu.memory_space<semaphore_mem>> -> memref<!tpu.dma_semaphore, #tpu.memory_space<semaphore_mem>>
        tpu.wait_indirect_dma semaphore(%dma_wait3A_336 : memref<!tpu.dma_semaphore, #tpu.memory_space<semaphore_mem>>) src(%arg19 : memref<40x128xf32, #tpu.memory_space<vmem>>) dst(%dma_wait3A_334 : memref<10240x128xf32, #tpu.memory_space<vmem_shared>>)
        %dma_wait3A_337 = arith.constant 3 : i32
        %dma_wait3A_338 = arith.constant 0 : i32
        %dma_wait3A_339 = tpu.memref_slice %arg23[%dma_wait3A_338] : memref<10240xf32, #tpu.memory_space<vmem_shared>> -> memref<10240xf32, #tpu.memory_space<vmem_shared>>
        %dma_wait3A_340 = tpu.memref_slice %arg26[%dma_wait3A_337] : memref<5x!tpu.dma_semaphore, #tpu.memory_space<semaphore_mem>> -> memref<1x!tpu.dma_semaphore, #tpu.memory_space<semaphore_mem>>
        %dma_wait3A_341 = tpu.memref_squeeze %dma_wait3A_340 : memref<1x!tpu.dma_semaphore, #tpu.memory_space<semaphore_mem>> -> memref<!tpu.dma_semaphore, #tpu.memory_space<semaphore_mem>>
        tpu.wait_indirect_dma semaphore(%dma_wait3A_341 : memref<!tpu.dma_semaphore, #tpu.memory_space<semaphore_mem>>) src(%arg21 : memref<40xf32, #tpu.memory_space<vmem>>) dst(%dma_wait3A_339 : memref<10240xf32, #tpu.memory_space<vmem_shared>>)
        %add3A_342 = arith.constant 5 : i32
        %add3A_343 = arith.addi %add3A_258, %add3A_342 : i32
        %mul3A_344 = arith.constant 40 : i32
        %mul3A_345 = arith.muli %add3A_343, %mul3A_344 : i32
        %add3A_346 = arith.addi %mul3A_4, %mul3A_345 : i32
        %dma_start3A_347 = arith.constant 3 : i32
        %dma_start3A_348 = tpu.memref_slice %arg4[%add3A_346] : memref<320000xi32, #tpu.memory_space<hbm>> -> memref<40xi32, #tpu.memory_space<hbm>>
        %dma_start3A_349 = tpu.memref_slice %arg24[%dma_start3A_347] : memref<5x!tpu.dma_semaphore, #tpu.memory_space<semaphore_mem>> -> memref<1x!tpu.dma_semaphore, #tpu.memory_space<semaphore_mem>>
        %dma_start3A_350 = tpu.memref_squeeze %dma_start3A_349 : memref<1x!tpu.dma_semaphore, #tpu.memory_space<semaphore_mem>> -> memref<!tpu.dma_semaphore, #tpu.memory_space<semaphore_mem>>
        %dma_start3A_351 = tpu.memref_slice %arg4[%add3A_346] : memref<320000xi32, #tpu.memory_space<hbm>> -> memref<40xi32, #tpu.memory_space<hbm>>
        tpu.enqueue_dma source(%dma_start3A_351 : memref<40xi32, #tpu.memory_space<hbm>>) target(%arg14 : memref<40xi32, #tpu.memory_space<vmem>>) target_semaphore(%dma_start3A_350 : memref<!tpu.dma_semaphore, #tpu.memory_space<semaphore_mem>>)
        %mul3A_352 = arith.constant 40 : i32
        %mul3A_353 = arith.muli %add3A_343, %mul3A_352 : i32
        %dma_start3A_354 = arith.constant 3 : i32
        %dma_start3A_355 = tpu.memref_slice %arg10[%mul3A_353] : memref<10000xi32, #tpu.memory_space<vmem>> -> memref<40xi32, #tpu.memory_space<vmem>>
        %dma_start3A_356 = arith.constant 0 : i32
        %dma_start3A_357 = arith.constant 0 : i32
        %dma_start3A_358 = tpu.memref_slice %arg2[%dma_start3A_356, %dma_start3A_357] : memref<10000x128xf32, #tpu.memory_space<hbm>> -> memref<10000x128xf32, #tpu.memory_space<hbm>>
        %dma_start3A_359 = tpu.memref_slice %arg24[%dma_start3A_354] : memref<5x!tpu.dma_semaphore, #tpu.memory_space<semaphore_mem>> -> memref<1x!tpu.dma_semaphore, #tpu.memory_space<semaphore_mem>>
        %dma_start3A_360 = tpu.memref_squeeze %dma_start3A_359 : memref<1x!tpu.dma_semaphore, #tpu.memory_space<semaphore_mem>> -> memref<!tpu.dma_semaphore, #tpu.memory_space<semaphore_mem>>
        tpu.enqueue_indirect_dma source(%dma_start3A_358 : memref<10000x128xf32, #tpu.memory_space<hbm>>) target(%arg19 : memref<40x128xf32, #tpu.memory_space<vmem>>) offsets(%dma_start3A_355 : memref<40xi32, #tpu.memory_space<vmem>>) semaphore(%dma_start3A_360 : memref<!tpu.dma_semaphore, #tpu.memory_space<semaphore_mem>>)
      } else {
      }
      %add3A_294 = arith.constant 4 : i32
      %add3A_295 = arith.addi %add3A_148, %add3A_294 : i32
      %mul3A_296 = arith.constant 40 : i32
      %mul3A_297 = arith.muli %add3A_295, %mul3A_296 : i32
      %add3A_298 = arith.addi %mul3A_4, %mul3A_297 : i32
      %dma_wait3A_299 = arith.constant 4 : i32
      %dma_wait3A_300 = tpu.memref_slice %arg4[%add3A_298] : memref<320000xi32, #tpu.memory_space<hbm>> -> memref<40xi32, #tpu.memory_space<hbm>>
      %dma_wait3A_301 = tpu.memref_slice %arg24[%dma_wait3A_299] : memref<5x!tpu.dma_semaphore, #tpu.memory_space<semaphore_mem>> -> memref<1x!tpu.dma_semaphore, #tpu.memory_space<semaphore_mem>>
      %dma_wait3A_302 = tpu.memref_squeeze %dma_wait3A_301 : memref<1x!tpu.dma_semaphore, #tpu.memory_space<semaphore_mem>> -> memref<!tpu.dma_semaphore, #tpu.memory_space<semaphore_mem>>
      %dma_wait3A_303 = tpu.memref_slice %arg4[%add3A_298] : memref<320000xi32, #tpu.memory_space<hbm>> -> memref<40xi32, #tpu.memory_space<hbm>>
      tpu.wait_dma2 semaphore(%dma_wait3A_302 : memref<!tpu.dma_semaphore, #tpu.memory_space<semaphore_mem>>) src(%dma_wait3A_303 : memref<40xi32, #tpu.memory_space<hbm>>) dst(%arg15 : memref<40xi32, #tpu.memory_space<vmem>>)
      %mul3A_304 = arith.constant 40 : i32
      %mul3A_305 = arith.muli %add3A_295, %mul3A_304 : i32
      %dma_wait3A_306 = arith.constant 4 : i32
      %dma_wait3A_307 = tpu.memref_slice %arg10[%mul3A_305] : memref<10000xi32, #tpu.memory_space<vmem>> -> memref<40xi32, #tpu.memory_space<vmem>>
      %dma_wait3A_308 = arith.constant 0 : i32
      %dma_wait3A_309 = arith.constant 0 : i32
      %dma_wait3A_310 = tpu.memref_slice %arg2[%dma_wait3A_308, %dma_wait3A_309] : memref<10000x128xf32, #tpu.memory_space<hbm>> -> memref<10000x128xf32, #tpu.memory_space<hbm>>
      %dma_wait3A_311 = tpu.memref_slice %arg24[%dma_wait3A_306] : memref<5x!tpu.dma_semaphore, #tpu.memory_space<semaphore_mem>> -> memref<1x!tpu.dma_semaphore, #tpu.memory_space<semaphore_mem>>
      %dma_wait3A_312 = tpu.memref_squeeze %dma_wait3A_311 : memref<1x!tpu.dma_semaphore, #tpu.memory_space<semaphore_mem>> -> memref<!tpu.dma_semaphore, #tpu.memory_space<semaphore_mem>>
      tpu.wait_indirect_dma semaphore(%dma_wait3A_312 : memref<!tpu.dma_semaphore, #tpu.memory_space<semaphore_mem>>) src(%dma_wait3A_310 : memref<10000x128xf32, #tpu.memory_space<hbm>>) dst(%arg20 : memref<40x128xf32, #tpu.memory_space<vmem>>)
      %dma_start3A_313 = arith.constant 4 : i32
      %dma_start3A_314 = arith.constant 0 : i32
      %dma_start3A_315 = arith.constant 0 : i32
      %dma_start3A_316 = tpu.memref_slice %arg22[%dma_start3A_314, %dma_start3A_315] : memref<10240x128xf32, #tpu.memory_space<vmem_shared>> -> memref<10240x128xf32, #tpu.memory_space<vmem_shared>>
      %dma_start3A_317 = tpu.memref_slice %arg25[%dma_start3A_313] : memref<5x!tpu.dma_semaphore, #tpu.memory_space<semaphore_mem>> -> memref<1x!tpu.dma_semaphore, #tpu.memory_space<semaphore_mem>>
      %dma_start3A_318 = tpu.memref_squeeze %dma_start3A_317 : memref<1x!tpu.dma_semaphore, #tpu.memory_space<semaphore_mem>> -> memref<!tpu.dma_semaphore, #tpu.memory_space<semaphore_mem>>
      tpu.enqueue_indirect_dma source(%arg20 : memref<40x128xf32, #tpu.memory_space<vmem>>) target(%dma_start3A_316 : memref<10240x128xf32, #tpu.memory_space<vmem_shared>>) offsets(%arg15 : memref<40xi32, #tpu.memory_space<vmem>>) semaphore(%dma_start3A_318 : memref<!tpu.dma_semaphore, #tpu.memory_space<semaphore_mem>>) {add = true}
      %dma_start3A_319 = arith.constant 4 : i32
      %dma_start3A_320 = arith.constant 0 : i32
      %dma_start3A_321 = tpu.memref_slice %arg23[%dma_start3A_320] : memref<10240xf32, #tpu.memory_space<vmem_shared>> -> memref<10240xf32, #tpu.memory_space<vmem_shared>>
      %dma_start3A_322 = tpu.memref_slice %arg26[%dma_start3A_319] : memref<5x!tpu.dma_semaphore, #tpu.memory_space<semaphore_mem>> -> memref<1x!tpu.dma_semaphore, #tpu.memory_space<semaphore_mem>>
      %dma_start3A_323 = tpu.memref_squeeze %dma_start3A_322 : memref<1x!tpu.dma_semaphore, #tpu.memory_space<semaphore_mem>> -> memref<!tpu.dma_semaphore, #tpu.memory_space<semaphore_mem>>
      tpu.enqueue_indirect_dma source(%arg21 : memref<40xf32, #tpu.memory_space<vmem>>) target(%dma_start3A_321 : memref<10240xf32, #tpu.memory_space<vmem_shared>>) offsets(%arg15 : memref<40xi32, #tpu.memory_space<vmem>>) semaphore(%dma_start3A_323 : memref<!tpu.dma_semaphore, #tpu.memory_space<semaphore_mem>>) {add = true}
      %add3A_324 = arith.constant 5 : i32
      %add3A_325 = arith.addi %add3A_295, %add3A_324 : i32
      %lt3A_326 = arith.constant 250 : i32
      %lt3A_327 = arith.cmpi slt, %add3A_325, %lt3A_326 : i32
      %convert_element_type3A_328 = arith.extui %lt3A_327 : i1 to i32
      %cond3A_329 = arith.constant 0 : i32
      %cond3A_330 = arith.cmpi ne, %convert_element_type3A_328, %cond3A_329 : i32
      scf.if %cond3A_330 {
        %dma_wait3A_331 = arith.constant 4 : i32
        %dma_wait3A_332 = arith.constant 0 : i32
        %dma_wait3A_333 = arith.constant 0 : i32
        %dma_wait3A_334 = tpu.memref_slice %arg22[%dma_wait3A_332, %dma_wait3A_333] : memref<10240x128xf32, #tpu.memory_space<vmem_shared>> -> memref<10240x128xf32, #tpu.memory_space<vmem_shared>>
        %dma_wait3A_335 = tpu.memref_slice %arg25[%dma_wait3A_331] : memref<5x!tpu.dma_semaphore, #tpu.memory_space<semaphore_mem>> -> memref<1x!tpu.dma_semaphore, #tpu.memory_space<semaphore_mem>>
        %dma_wait3A_336 = tpu.memref_squeeze %dma_wait3A_335 : memref<1x!tpu.dma_semaphore, #tpu.memory_space<semaphore_mem>> -> memref<!tpu.dma_semaphore, #tpu.memory_space<semaphore_mem>>
        tpu.wait_indirect_dma semaphore(%dma_wait3A_336 : memref<!tpu.dma_semaphore, #tpu.memory_space<semaphore_mem>>) src(%arg20 : memref<40x128xf32, #tpu.memory_space<vmem>>) dst(%dma_wait3A_334 : memref<10240x128xf32, #tpu.memory_space<vmem_shared>>)
        %dma_wait3A_337 = arith.constant 4 : i32
        %dma_wait3A_338 = arith.constant 0 : i32
        %dma_wait3A_339 = tpu.memref_slice %arg23[%dma_wait3A_338] : memref<10240xf32, #tpu.memory_space<vmem_shared>> -> memref<10240xf32, #tpu.memory_space<vmem_shared>>
        %dma_wait3A_340 = tpu.memref_slice %arg26[%dma_wait3A_337] : memref<5x!tpu.dma_semaphore, #tpu.memory_space<semaphore_mem>> -> memref<1x!tpu.dma_semaphore, #tpu.memory_space<semaphore_mem>>
        %dma_wait3A_341 = tpu.memref_squeeze %dma_wait3A_340 : memref<1x!tpu.dma_semaphore, #tpu.memory_space<semaphore_mem>> -> memref<!tpu.dma_semaphore, #tpu.memory_space<semaphore_mem>>
        tpu.wait_indirect_dma semaphore(%dma_wait3A_341 : memref<!tpu.dma_semaphore, #tpu.memory_space<semaphore_mem>>) src(%arg21 : memref<40xf32, #tpu.memory_space<vmem>>) dst(%dma_wait3A_339 : memref<10240xf32, #tpu.memory_space<vmem_shared>>)
        %add3A_342 = arith.constant 5 : i32
        %add3A_343 = arith.addi %add3A_295, %add3A_342 : i32
        %mul3A_344 = arith.constant 40 : i32
        %mul3A_345 = arith.muli %add3A_343, %mul3A_344 : i32
        %add3A_346 = arith.addi %mul3A_4, %mul3A_345 : i32
        %dma_start3A_347 = arith.constant 4 : i32
        %dma_start3A_348 = tpu.memref_slice %arg4[%add3A_346] : memref<320000xi32, #tpu.memory_space<hbm>> -> memref<40xi32, #tpu.memory_space<hbm>>
        %dma_start3A_349 = tpu.memref_slice %arg24[%dma_start3A_347] : memref<5x!tpu.dma_semaphore, #tpu.memory_space<semaphore_mem>> -> memref<1x!tpu.dma_semaphore, #tpu.memory_space<semaphore_mem>>
        %dma_start3A_350 = tpu.memref_squeeze %dma_start3A_349 : memref<1x!tpu.dma_semaphore, #tpu.memory_space<semaphore_mem>> -> memref<!tpu.dma_semaphore, #tpu.memory_space<semaphore_mem>>
        %dma_start3A_351 = tpu.memref_slice %arg4[%add3A_346] : memref<320000xi32, #tpu.memory_space<hbm>> -> memref<40xi32, #tpu.memory_space<hbm>>
        tpu.enqueue_dma source(%dma_start3A_351 : memref<40xi32, #tpu.memory_space<hbm>>) target(%arg15 : memref<40xi32, #tpu.memory_space<vmem>>) target_semaphore(%dma_start3A_350 : memref<!tpu.dma_semaphore, #tpu.memory_space<semaphore_mem>>)
        %mul3A_352 = arith.constant 40 : i32
        %mul3A_353 = arith.muli %add3A_343, %mul3A_352 : i32
        %dma_start3A_354 = arith.constant 4 : i32
        %dma_start3A_355 = tpu.memref_slice %arg10[%mul3A_353] : memref<10000xi32, #tpu.memory_space<vmem>> -> memref<40xi32, #tpu.memory_space<vmem>>
        %dma_start3A_356 = arith.constant 0 : i32
        %dma_start3A_357 = arith.constant 0 : i32
        %dma_start3A_358 = tpu.memref_slice %arg2[%dma_start3A_356, %dma_start3A_357] : memref<10000x128xf32, #tpu.memory_space<hbm>> -> memref<10000x128xf32, #tpu.memory_space<hbm>>
        %dma_start3A_359 = tpu.memref_slice %arg24[%dma_start3A_354] : memref<5x!tpu.dma_semaphore, #tpu.memory_space<semaphore_mem>> -> memref<1x!tpu.dma_semaphore, #tpu.memory_space<semaphore_mem>>
        %dma_start3A_360 = tpu.memref_squeeze %dma_start3A_359 : memref<1x!tpu.dma_semaphore, #tpu.memory_space<semaphore_mem>> -> memref<!tpu.dma_semaphore, #tpu.memory_space<semaphore_mem>>
        tpu.enqueue_indirect_dma source(%dma_start3A_358 : memref<10000x128xf32, #tpu.memory_space<hbm>>) target(%arg20 : memref<40x128xf32, #tpu.memory_space<vmem>>) offsets(%dma_start3A_355 : memref<40xi32, #tpu.memory_space<vmem>>) semaphore(%dma_start3A_360 : memref<!tpu.dma_semaphore, #tpu.memory_space<semaphore_mem>>)
      } else {
      }
    }
    %scan3A_82 = arith.constant 50 : i32
    %dma_wait3A = arith.constant 0 : i32
    %dma_wait3A_83 = arith.constant 0 : i32
    %dma_wait3A_84 = arith.constant 0 : i32
    %dma_wait3A_85 = tpu.memref_slice %arg22[%dma_wait3A_83, %dma_wait3A_84] : memref<10240x128xf32, #tpu.memory_space<vmem_shared>> -> memref<10240x128xf32, #tpu.memory_space<vmem_shared>>
    %dma_wait3A_86 = tpu.memref_slice %arg25[%dma_wait3A] : memref<5x!tpu.dma_semaphore, #tpu.memory_space<semaphore_mem>> -> memref<1x!tpu.dma_semaphore, #tpu.memory_space<semaphore_mem>>
    %dma_wait3A_87 = tpu.memref_squeeze %dma_wait3A_86 : memref<1x!tpu.dma_semaphore, #tpu.memory_space<semaphore_mem>> -> memref<!tpu.dma_semaphore, #tpu.memory_space<semaphore_mem>>
    tpu.wait_indirect_dma semaphore(%dma_wait3A_87 : memref<!tpu.dma_semaphore, #tpu.memory_space<semaphore_mem>>) src(%arg16 : memref<40x128xf32, #tpu.memory_space<vmem>>) dst(%dma_wait3A_85 : memref<10240x128xf32, #tpu.memory_space<vmem_shared>>)
    %dma_wait3A_88 = arith.constant 0 : i32
    %dma_wait3A_89 = arith.constant 0 : i32
    %dma_wait3A_90 = tpu.memref_slice %arg23[%dma_wait3A_89] : memref<10240xf32, #tpu.memory_space<vmem_shared>> -> memref<10240xf32, #tpu.memory_space<vmem_shared>>
    %dma_wait3A_91 = tpu.memref_slice %arg26[%dma_wait3A_88] : memref<5x!tpu.dma_semaphore, #tpu.memory_space<semaphore_mem>> -> memref<1x!tpu.dma_semaphore, #tpu.memory_space<semaphore_mem>>
    %dma_wait3A_92 = tpu.memref_squeeze %dma_wait3A_91 : memref<1x!tpu.dma_semaphore, #tpu.memory_space<semaphore_mem>> -> memref<!tpu.dma_semaphore, #tpu.memory_space<semaphore_mem>>
    tpu.wait_indirect_dma semaphore(%dma_wait3A_92 : memref<!tpu.dma_semaphore, #tpu.memory_space<semaphore_mem>>) src(%arg21 : memref<40xf32, #tpu.memory_space<vmem>>) dst(%dma_wait3A_90 : memref<10240xf32, #tpu.memory_space<vmem_shared>>)
    %dma_wait3A_93 = arith.constant 1 : i32
    %dma_wait3A_94 = arith.constant 0 : i32
    %dma_wait3A_95 = arith.constant 0 : i32
    %dma_wait3A_96 = tpu.memref_slice %arg22[%dma_wait3A_94, %dma_wait3A_95] : memref<10240x128xf32, #tpu.memory_space<vmem_shared>> -> memref<10240x128xf32, #tpu.memory_space<vmem_shared>>
    %dma_wait3A_97 = tpu.memref_slice %arg25[%dma_wait3A_93] : memref<5x!tpu.dma_semaphore, #tpu.memory_space<semaphore_mem>> -> memref<1x!tpu.dma_semaphore, #tpu.memory_space<semaphore_mem>>
    %dma_wait3A_98 = tpu.memref_squeeze %dma_wait3A_97 : memref<1x!tpu.dma_semaphore, #tpu.memory_space<semaphore_mem>> -> memref<!tpu.dma_semaphore, #tpu.memory_space<semaphore_mem>>
    tpu.wait_indirect_dma semaphore(%dma_wait3A_98 : memref<!tpu.dma_semaphore, #tpu.memory_space<semaphore_mem>>) src(%arg17 : memref<40x128xf32, #tpu.memory_space<vmem>>) dst(%dma_wait3A_96 : memref<10240x128xf32, #tpu.memory_space<vmem_shared>>)
    %dma_wait3A_99 = arith.constant 1 : i32
    %dma_wait3A_100 = arith.constant 0 : i32
    %dma_wait3A_101 = tpu.memref_slice %arg23[%dma_wait3A_100] : memref<10240xf32, #tpu.memory_space<vmem_shared>> -> memref<10240xf32, #tpu.memory_space<vmem_shared>>
    %dma_wait3A_102 = tpu.memref_slice %arg26[%dma_wait3A_99] : memref<5x!tpu.dma_semaphore, #tpu.memory_space<semaphore_mem>> -> memref<1x!tpu.dma_semaphore, #tpu.memory_space<semaphore_mem>>
    %dma_wait3A_103 = tpu.memref_squeeze %dma_wait3A_102 : memref<1x!tpu.dma_semaphore, #tpu.memory_space<semaphore_mem>> -> memref<!tpu.dma_semaphore, #tpu.memory_space<semaphore_mem>>
    tpu.wait_indirect_dma semaphore(%dma_wait3A_103 : memref<!tpu.dma_semaphore, #tpu.memory_space<semaphore_mem>>) src(%arg21 : memref<40xf32, #tpu.memory_space<vmem>>) dst(%dma_wait3A_101 : memref<10240xf32, #tpu.memory_space<vmem_shared>>)
    %dma_wait3A_104 = arith.constant 2 : i32
    %dma_wait3A_105 = arith.constant 0 : i32
    %dma_wait3A_106 = arith.constant 0 : i32
    %dma_wait3A_107 = tpu.memref_slice %arg22[%dma_wait3A_105, %dma_wait3A_106] : memref<10240x128xf32, #tpu.memory_space<vmem_shared>> -> memref<10240x128xf32, #tpu.memory_space<vmem_shared>>
    %dma_wait3A_108 = tpu.memref_slice %arg25[%dma_wait3A_104] : memref<5x!tpu.dma_semaphore, #tpu.memory_space<semaphore_mem>> -> memref<1x!tpu.dma_semaphore, #tpu.memory_space<semaphore_mem>>
    %dma_wait3A_109 = tpu.memref_squeeze %dma_wait3A_108 : memref<1x!tpu.dma_semaphore, #tpu.memory_space<semaphore_mem>> -> memref<!tpu.dma_semaphore, #tpu.memory_space<semaphore_mem>>
    tpu.wait_indirect_dma semaphore(%dma_wait3A_109 : memref<!tpu.dma_semaphore, #tpu.memory_space<semaphore_mem>>) src(%arg18 : memref<40x128xf32, #tpu.memory_space<vmem>>) dst(%dma_wait3A_107 : memref<10240x128xf32, #tpu.memory_space<vmem_shared>>)
    %dma_wait3A_110 = arith.constant 2 : i32
    %dma_wait3A_111 = arith.constant 0 : i32
    %dma_wait3A_112 = tpu.memref_slice %arg23[%dma_wait3A_111] : memref<10240xf32, #tpu.memory_space<vmem_shared>> -> memref<10240xf32, #tpu.memory_space<vmem_shared>>
    %dma_wait3A_113 = tpu.memref_slice %arg26[%dma_wait3A_110] : memref<5x!tpu.dma_semaphore, #tpu.memory_space<semaphore_mem>> -> memref<1x!tpu.dma_semaphore, #tpu.memory_space<semaphore_mem>>
    %dma_wait3A_114 = tpu.memref_squeeze %dma_wait3A_113 : memref<1x!tpu.dma_semaphore, #tpu.memory_space<semaphore_mem>> -> memref<!tpu.dma_semaphore, #tpu.memory_space<semaphore_mem>>
    tpu.wait_indirect_dma semaphore(%dma_wait3A_114 : memref<!tpu.dma_semaphore, #tpu.memory_space<semaphore_mem>>) src(%arg21 : memref<40xf32, #tpu.memory_space<vmem>>) dst(%dma_wait3A_112 : memref<10240xf32, #tpu.memory_space<vmem_shared>>)
    %dma_wait3A_115 = arith.constant 3 : i32
    %dma_wait3A_116 = arith.constant 0 : i32
    %dma_wait3A_117 = arith.constant 0 : i32
    %dma_wait3A_118 = tpu.memref_slice %arg22[%dma_wait3A_116, %dma_wait3A_117] : memref<10240x128xf32, #tpu.memory_space<vmem_shared>> -> memref<10240x128xf32, #tpu.memory_space<vmem_shared>>
    %dma_wait3A_119 = tpu.memref_slice %arg25[%dma_wait3A_115] : memref<5x!tpu.dma_semaphore, #tpu.memory_space<semaphore_mem>> -> memref<1x!tpu.dma_semaphore, #tpu.memory_space<semaphore_mem>>
    %dma_wait3A_120 = tpu.memref_squeeze %dma_wait3A_119 : memref<1x!tpu.dma_semaphore, #tpu.memory_space<semaphore_mem>> -> memref<!tpu.dma_semaphore, #tpu.memory_space<semaphore_mem>>
    tpu.wait_indirect_dma semaphore(%dma_wait3A_120 : memref<!tpu.dma_semaphore, #tpu.memory_space<semaphore_mem>>) src(%arg19 : memref<40x128xf32, #tpu.memory_space<vmem>>) dst(%dma_wait3A_118 : memref<10240x128xf32, #tpu.memory_space<vmem_shared>>)
    %dma_wait3A_121 = arith.constant 3 : i32
    %dma_wait3A_122 = arith.constant 0 : i32
    %dma_wait3A_123 = tpu.memref_slice %arg23[%dma_wait3A_122] : memref<10240xf32, #tpu.memory_space<vmem_shared>> -> memref<10240xf32, #tpu.memory_space<vmem_shared>>
    %dma_wait3A_124 = tpu.memref_slice %arg26[%dma_wait3A_121] : memref<5x!tpu.dma_semaphore, #tpu.memory_space<semaphore_mem>> -> memref<1x!tpu.dma_semaphore, #tpu.memory_space<semaphore_mem>>
    %dma_wait3A_125 = tpu.memref_squeeze %dma_wait3A_124 : memref<1x!tpu.dma_semaphore, #tpu.memory_space<semaphore_mem>> -> memref<!tpu.dma_semaphore, #tpu.memory_space<semaphore_mem>>
    tpu.wait_indirect_dma semaphore(%dma_wait3A_125 : memref<!tpu.dma_semaphore, #tpu.memory_space<semaphore_mem>>) src(%arg21 : memref<40xf32, #tpu.memory_space<vmem>>) dst(%dma_wait3A_123 : memref<10240xf32, #tpu.memory_space<vmem_shared>>)
    %dma_wait3A_126 = arith.constant 4 : i32
    %dma_wait3A_127 = arith.constant 0 : i32
    %dma_wait3A_128 = arith.constant 0 : i32
    %dma_wait3A_129 = tpu.memref_slice %arg22[%dma_wait3A_127, %dma_wait3A_128] : memref<10240x128xf32, #tpu.memory_space<vmem_shared>> -> memref<10240x128xf32, #tpu.memory_space<vmem_shared>>
    %dma_wait3A_130 = tpu.memref_slice %arg25[%dma_wait3A_126] : memref<5x!tpu.dma_semaphore, #tpu.memory_space<semaphore_mem>> -> memref<1x!tpu.dma_semaphore, #tpu.memory_space<semaphore_mem>>
    %dma_wait3A_131 = tpu.memref_squeeze %dma_wait3A_130 : memref<1x!tpu.dma_semaphore, #tpu.memory_space<semaphore_mem>> -> memref<!tpu.dma_semaphore, #tpu.memory_space<semaphore_mem>>
    tpu.wait_indirect_dma semaphore(%dma_wait3A_131 : memref<!tpu.dma_semaphore, #tpu.memory_space<semaphore_mem>>) src(%arg20 : memref<40x128xf32, #tpu.memory_space<vmem>>) dst(%dma_wait3A_129 : memref<10240x128xf32, #tpu.memory_space<vmem_shared>>)
    %dma_wait3A_132 = arith.constant 4 : i32
    %dma_wait3A_133 = arith.constant 0 : i32
    %dma_wait3A_134 = tpu.memref_slice %arg23[%dma_wait3A_133] : memref<10240xf32, #tpu.memory_space<vmem_shared>> -> memref<10240xf32, #tpu.memory_space<vmem_shared>>
    %dma_wait3A_135 = tpu.memref_slice %arg26[%dma_wait3A_132] : memref<5x!tpu.dma_semaphore, #tpu.memory_space<semaphore_mem>> -> memref<1x!tpu.dma_semaphore, #tpu.memory_space<semaphore_mem>>
    %dma_wait3A_136 = tpu.memref_squeeze %dma_wait3A_135 : memref<1x!tpu.dma_semaphore, #tpu.memory_space<semaphore_mem>> -> memref<!tpu.dma_semaphore, #tpu.memory_space<semaphore_mem>>
    tpu.wait_indirect_dma semaphore(%dma_wait3A_136 : memref<!tpu.dma_semaphore, #tpu.memory_space<semaphore_mem>>) src(%arg21 : memref<40xf32, #tpu.memory_space<vmem>>) dst(%dma_wait3A_134 : memref<10240xf32, #tpu.memory_space<vmem_shared>>)
    %barrier3A_137 = arith.constant 0 : index
    tpu.barrier barrier_id(%barrier3A_137)
    %mul3A_138 = arith.constant 10240 : i32
    %mul3A_139 = arith.muli %arg0, %mul3A_138 : i32
    %add3A_140 = arith.addi %mul3A_139, %mul3A_2 : i32
    "tpu.region"() ({
      %run_scoped3A = tpu.sem_alloc : memref<!tpu.dma_semaphore, #tpu.memory_space<semaphore_mem>>
      %dma_start3A_144 = arith.constant 0 : i32
      %dma_start3A_145 = tpu.memref_slice %arg8[%add3A_140, %dma_start3A_144] : memref<20480x128xf32, #tpu.memory_space<hbm>> -> memref<640x128xf32, #tpu.memory_space<hbm>>
      %dma_start3A_146 = arith.constant 0 : i32
      %dma_start3A_147 = tpu.memref_slice %arg22[%mul3A_2, %dma_start3A_146] : memref<10240x128xf32, #tpu.memory_space<vmem_shared>> -> memref<640x128xf32, #tpu.memory_space<vmem_shared>>
      tpu.enqueue_dma source(%dma_start3A_147 : memref<640x128xf32, #tpu.memory_space<vmem_shared>>) target(%dma_start3A_145 : memref<640x128xf32, #tpu.memory_space<hbm>>) target_semaphore(%run_scoped3A : memref<!tpu.dma_semaphore, #tpu.memory_space<semaphore_mem>>)
      %dma_wait3A_148 = arith.constant 0 : i32
      %dma_wait3A_149 = tpu.memref_slice %arg8[%add3A_140, %dma_wait3A_148] : memref<20480x128xf32, #tpu.memory_space<hbm>> -> memref<640x128xf32, #tpu.memory_space<hbm>>
      %dma_wait3A_150 = arith.constant 0 : i32
      %dma_wait3A_151 = tpu.memref_slice %arg22[%mul3A_2, %dma_wait3A_150] : memref<10240x128xf32, #tpu.memory_space<vmem_shared>> -> memref<640x128xf32, #tpu.memory_space<vmem_shared>>
      tpu.wait_dma2 semaphore(%run_scoped3A : memref<!tpu.dma_semaphore, #tpu.memory_space<semaphore_mem>>) src(%dma_wait3A_151 : memref<640x128xf32, #tpu.memory_space<vmem_shared>>) dst(%dma_wait3A_149 : memref<640x128xf32, #tpu.memory_space<hbm>>)
      tpu.yield
    }) : () -> ()
    %mul3A_141 = arith.constant 10240 : i32
    %mul3A_142 = arith.muli %arg0, %mul3A_141 : i32
    %add3A_143 = arith.addi %mul3A_142, %mul3A_2 : i32
    "tpu.region"() ({
      %run_scoped3A = tpu.sem_alloc : memref<!tpu.dma_semaphore, #tpu.memory_space<semaphore_mem>>
      %dma_start3A_144 = tpu.memref_slice %arg9[%add3A_143] : memref<20480xf32, #tpu.memory_space<hbm>> -> memref<640xf32, #tpu.memory_space<hbm>>
      %dma_start3A_145 = tpu.memref_slice %arg23[%mul3A_2] : memref<10240xf32, #tpu.memory_space<vmem_shared>> -> memref<640xf32, #tpu.memory_space<vmem_shared>>
      tpu.enqueue_dma source(%dma_start3A_145 : memref<640xf32, #tpu.memory_space<vmem_shared>>) target(%dma_start3A_144 : memref<640xf32, #tpu.memory_space<hbm>>) target_semaphore(%run_scoped3A : memref<!tpu.dma_semaphore, #tpu.memory_space<semaphore_mem>>)
      %dma_wait3A_146 = tpu.memref_slice %arg9[%add3A_143] : memref<20480xf32, #tpu.memory_space<hbm>> -> memref<640xf32, #tpu.memory_space<hbm>>
      %dma_wait3A_147 = tpu.memref_slice %arg23[%mul3A_2] : memref<10240xf32, #tpu.memory_space<vmem_shared>> -> memref<640xf32, #tpu.memory_space<vmem_shared>>
      tpu.wait_dma2 semaphore(%run_scoped3A : memref<!tpu.dma_semaphore, #tpu.memory_space<semaphore_mem>>) src(%dma_wait3A_147 : memref<640xf32, #tpu.memory_space<vmem_shared>>) dst(%dma_wait3A_146 : memref<640xf32, #tpu.memory_space<hbm>>)
      tpu.yield
    }) : () -> ()
    return
  }
}

module attributes {stable_mosaic.version = 14 : i64} {
  func.func @_tc1_body(%arg0: i32, %arg1: memref<1000x128xf32, #tpu.memory_space<vmem>>, %arg2: memref<1000x128xf32, #tpu.memory_space<vmem>>, %arg3: memref<1x1x1000xf32, #tpu.memory_space<vmem>>, %arg4: memref<1x1x1000xf32, #tpu.memory_space<vmem>>, %arg5: memref<1000x128xf32, #tpu.memory_space<vmem>>, %arg6: memref<128x128xf32, #tpu.memory_space<vmem>>, %arg7: memref<128x128xf32, #tpu.memory_space<vmem>>, %arg8: memref<1x128xf32, #tpu.memory_space<vmem>>, %arg9: memref<1000x128xf32, #tpu.memory_space<vmem>>) attributes {dimension_semantics = [#tpu.dimension_semantics<arbitrary>], iteration_bounds = array<i64: 10>, scalar_prefetch = 0 : i64, scratch_operands = 0 : i64, tpu.core_type = #tpu.core_type<tc>, window_params = [{transform_indices = @transform_0, window_bounds = array<i64: 1000, 128>}, {transform_indices = @transform_1, window_bounds = array<i64: 1000, 128>}, {transform_indices = @transform_2, window_bounds = array<i64: 1, 1, 1000>}, {transform_indices = @transform_3, window_bounds = array<i64: 1, 1, 1000>}, {transform_indices = @transform_4, window_bounds = array<i64: 1000, 128>}, {pipeline_mode = #tpu.pipeline_mode<synchronous>, transform_indices = @transform_5, window_bounds = array<i64: 128, 128>}, {pipeline_mode = #tpu.pipeline_mode<synchronous>, transform_indices = @transform_6, window_bounds = array<i64: 128, 128>}, {pipeline_mode = #tpu.pipeline_mode<synchronous>, transform_indices = @transform_7, window_bounds = array<i64: 1, 128>}, {transform_indices = @transform_8, window_bounds = array<i64: 1000, 128>}]} {
    %get3A = arith.constant 0 : index
    %get3A_0 = arith.constant 0 : index
    %get3A_1 = arith.constant 0 : index
    %get3A_2 = vector.load %arg3[%get3A, %get3A_0, %get3A_1] : memref<1x1x1000xf32, #tpu.memory_space<vmem>>, vector<1x1x1000xf32>
    %get3A_3 = vector.shape_cast %get3A_2 : vector<1x1x1000xf32> to vector<1000xf32>
    %get3A_4 = arith.constant 0 : index
    %get3A_5 = arith.constant 0 : index
    %get3A_6 = arith.constant 0 : index
    %get3A_7 = vector.load %arg4[%get3A_4, %get3A_5, %get3A_6] : memref<1x1x1000xf32, #tpu.memory_space<vmem>>, vector<1x1x1000xf32>
    %get3A_8 = vector.shape_cast %get3A_7 : vector<1x1x1000xf32> to vector<1000xf32>
    %add3A = arith.addf %get3A_3, %get3A_8 : vector<1000xf32>
    %max3A = arith.constant 1.000000e+00 : f32
    %max3A_9 = vector.broadcast %max3A : f32 to vector<1000xf32>
    %max3A_10 = arith.maximumf %add3A, %max3A_9 : vector<1000xf32>
    %div3A = arith.constant 1.000000e+00 : f32
    %div3A_11 = vector.broadcast %div3A : f32 to vector<1000xf32>
    %div3A_12 = arith.divf %div3A_11, %max3A_10 : vector<1000xf32>
    %broadcast_in_dim3A = vector.shape_cast %div3A_12 : vector<1000xf32> to vector<1000x1xf32>
    %get3A_13 = arith.constant 0 : index
    %get3A_14 = arith.constant 0 : index
    %get3A_15 = vector.load %arg1[%get3A_13, %get3A_14] : memref<1000x128xf32, #tpu.memory_space<vmem>>, vector<1000x128xf32>
    %get3A_16 = arith.constant 0 : index
    %get3A_17 = arith.constant 0 : index
    %get3A_18 = vector.load %arg2[%get3A_16, %get3A_17] : memref<1000x128xf32, #tpu.memory_space<vmem>>, vector<1000x128xf32>
    %add3A_19 = arith.addf %get3A_15, %get3A_18 : vector<1000x128xf32>
    %mul3A = vector.broadcast %broadcast_in_dim3A : vector<1000x1xf32> to vector<1000x128xf32>
    %mul3A_20 = arith.mulf %add3A_19, %mul3A : vector<1000x128xf32>
    %get3A_21 = arith.constant 0 : index
    %get3A_22 = arith.constant 0 : index
    %get3A_23 = vector.load %arg6[%get3A_21, %get3A_22] : memref<128x128xf32, #tpu.memory_space<vmem>>, vector<128x128xf32>
    %dot_general3A = arith.constant dense<0.000000e+00> : vector<1000x128xf32>
    %dot_general3A_24 = tpu.matmul %mul3A_20, %get3A_23, %dot_general3A {dimension_numbers = #tpu.dot_dimension_numbers<[1], [0], [0], [1], [0, 0, 1, 1], [], []>, transpose_lhs_hint = false} : vector<1000x128xf32>, vector<128x128xf32>, vector<1000x128xf32> -> vector<1000x128xf32>
    %get3A_25 = arith.constant 0 : index
    %get3A_26 = arith.constant 0 : index
    %get3A_27 = vector.load %arg5[%get3A_25, %get3A_26] : memref<1000x128xf32, #tpu.memory_space<vmem>>, vector<1000x128xf32>
    %get3A_28 = arith.constant 0 : index
    %get3A_29 = arith.constant 0 : index
    %get3A_30 = vector.load %arg7[%get3A_28, %get3A_29] : memref<128x128xf32, #tpu.memory_space<vmem>>, vector<128x128xf32>
    %dot_general3A_31 = arith.constant dense<0.000000e+00> : vector<1000x128xf32>
    %dot_general3A_32 = tpu.matmul %get3A_27, %get3A_30, %dot_general3A_31 {dimension_numbers = #tpu.dot_dimension_numbers<[1], [0], [0], [1], [0, 0, 1, 1], [], []>, transpose_lhs_hint = false} : vector<1000x128xf32>, vector<128x128xf32>, vector<1000x128xf32> -> vector<1000x128xf32>
    %add3A_33 = arith.addf %dot_general3A_24, %dot_general3A_32 : vector<1000x128xf32>
    %get3A_34 = arith.constant 0 : index
    %get3A_35 = arith.constant 0 : index
    %get3A_36 = vector.load %arg8[%get3A_34, %get3A_35] : memref<1x128xf32, #tpu.memory_space<vmem>>, vector<1x128xf32>
    %add3A_37 = vector.broadcast %get3A_36 : vector<1x128xf32> to vector<1000x128xf32>
    %add3A_38 = arith.addf %add3A_33, %add3A_37 : vector<1000x128xf32>
    %max3A_39 = arith.constant 0.000000e+00 : f32
    %max3A_40 = vector.broadcast %max3A_39 : f32 to vector<1000x128xf32>
    %max3A_41 = arith.maximumf %add3A_38, %max3A_40 : vector<1000x128xf32>
    %swap3A = arith.constant 0 : index
    %swap3A_42 = arith.constant 0 : index
    %swap3A_43 = vector.load %arg9[%swap3A, %swap3A_42] : memref<1000x128xf32, #tpu.memory_space<vmem>>, vector<1000x128xf32>
    tpu.vector_store %arg9[%swap3A, %swap3A_42], %max3A_41 {strides = array<i32>} : memref<1000x128xf32, #tpu.memory_space<vmem>>, vector<1000x128xf32>,
    return
  }
  func.func @transform_0(%arg0: i32) -> (i32, i32) {
    %c0_i32 = arith.constant 0 : i32
    %c0_i32_0 = arith.constant 0 : i32
    return %arg0, %c0_i32 : i32, i32
  }
  func.func @transform_1(%arg0: i32) -> (i32, i32) {
    %c0_i32 = arith.constant 0 : i32
    %c0_i32_0 = arith.constant 0 : i32
    return %arg0, %c0_i32 : i32, i32
  }
  func.func @transform_2(%arg0: i32) -> (i32, i32, i32) {
    %c0_i32 = arith.constant 0 : i32
    %c0_i32_0 = arith.constant 0 : i32
    %c0_i32_1 = arith.constant 0 : i32
    return %arg0, %c0_i32, %c0_i32_0 : i32, i32, i32
  }
  func.func @transform_3(%arg0: i32) -> (i32, i32, i32) {
    %c0_i32 = arith.constant 0 : i32
    %c0_i32_0 = arith.constant 0 : i32
    %c0_i32_1 = arith.constant 0 : i32
    return %arg0, %c0_i32, %c0_i32_0 : i32, i32, i32
  }
  func.func @transform_4(%arg0: i32) -> (i32, i32) {
    %c0_i32 = arith.constant 0 : i32
    %c0_i32_0 = arith.constant 0 : i32
    return %arg0, %c0_i32 : i32, i32
  }
  func.func @transform_5(%arg0: i32) -> (i32, i32) {
    %c0_i32 = arith.constant 0 : i32
    %c0_i32_0 = arith.constant 0 : i32
    %c0_i32_1 = arith.constant 0 : i32
    return %c0_i32, %c0_i32_0 : i32, i32
  }
  func.func @transform_6(%arg0: i32) -> (i32, i32) {
    %c0_i32 = arith.constant 0 : i32
    %c0_i32_0 = arith.constant 0 : i32
    %c0_i32_1 = arith.constant 0 : i32
    return %c0_i32, %c0_i32_0 : i32, i32
  }
  func.func @transform_7(%arg0: i32) -> (i32, i32) {
    %c0_i32 = arith.constant 0 : i32
    %c0_i32_0 = arith.constant 0 : i32
    %c0_i32_1 = arith.constant 0 : i32
    return %c0_i32, %c0_i32_0 : i32, i32
  }
  func.func @transform_8(%arg0: i32) -> (i32, i32) {
    %c0_i32 = arith.constant 0 : i32
    %c0_i32_0 = arith.constant 0 : i32
    return %arg0, %c0_i32 : i32, i32
  }
}

module attributes {stable_mosaic.version = 14 : i64} {
  func.func @_tc2_body(%arg0: i32, %arg1: memref<1000x128xf32, #tpu.memory_space<vmem>>, %arg2: memref<1000x128xf32, #tpu.memory_space<vmem>>, %arg3: memref<1x1x1000xf32, #tpu.memory_space<vmem>>, %arg4: memref<1x1x1000xf32, #tpu.memory_space<vmem>>, %arg5: memref<1000x128xf32, #tpu.memory_space<vmem>>, %arg6: memref<1x1x1000xi32, #tpu.memory_space<vmem>>, %arg7: memref<128x128xf32, #tpu.memory_space<vmem>>, %arg8: memref<128x128xf32, #tpu.memory_space<vmem>>, %arg9: memref<1x128xf32, #tpu.memory_space<vmem>>, %arg10: memref<128x16xf32, #tpu.memory_space<vmem>>, %arg11: memref<1x16xf32, #tpu.memory_space<vmem>>, %arg12: memref<64x16xf32, #tpu.memory_space<vmem>>, %arg13: memref<64x128xf32, #tpu.memory_space<vmem>>, %arg14: memref<64x128xf32, #tpu.memory_space<vmem>>, %arg15: memref<64x128xf32, #tpu.memory_space<vmem>>) attributes {dimension_semantics = [#tpu.dimension_semantics<arbitrary>], iteration_bounds = array<i64: 10>, scalar_prefetch = 0 : i64, scratch_operands = 3 : i64, tpu.core_type = #tpu.core_type<tc>, window_params = [{transform_indices = @transform_0, window_bounds = array<i64: 1000, 128>}, {transform_indices = @transform_1, window_bounds = array<i64: 1000, 128>}, {transform_indices = @transform_2, window_bounds = array<i64: 1, 1, 1000>}, {transform_indices = @transform_3, window_bounds = array<i64: 1, 1, 1000>}, {transform_indices = @transform_4, window_bounds = array<i64: 1000, 128>}, {transform_indices = @transform_5, window_bounds = array<i64: 1, 1, 1000>}, {pipeline_mode = #tpu.pipeline_mode<synchronous>, transform_indices = @transform_6, window_bounds = array<i64: 128, 128>}, {pipeline_mode = #tpu.pipeline_mode<synchronous>, transform_indices = @transform_7, window_bounds = array<i64: 128, 128>}, {pipeline_mode = #tpu.pipeline_mode<synchronous>, transform_indices = @transform_8, window_bounds = array<i64: 1, 128>}, {pipeline_mode = #tpu.pipeline_mode<synchronous>, transform_indices = @transform_9, window_bounds = array<i64: 128, 16>}, {pipeline_mode = #tpu.pipeline_mode<synchronous>, transform_indices = @transform_10, window_bounds = array<i64: 1, 16>}, {pipeline_mode = #tpu.pipeline_mode<synchronous>, transform_indices = @transform_11, window_bounds = array<i64: 64, 16>}]} {
    %eq3A = arith.constant 0 : i32
    %eq3A_0 = arith.cmpi eq, %arg0, %eq3A : i32
    %convert_element_type3A = arith.extui %eq3A_0 : i1 to i32
    %cond3A = arith.constant 0 : i32
    %cond3A_1 = arith.cmpi ne, %convert_element_type3A, %cond3A : i32
    scf.if %cond3A_1 {
      %broadcast_in_dim3A_68 = arith.constant 0.000000e+00 : f32
      %broadcast_in_dim3A_69 = vector.broadcast %broadcast_in_dim3A_68 : f32 to vector<64x128xf32>
      %swap3A_70 = arith.constant 0 : index
      %swap3A_71 = arith.constant 0 : index
      %swap3A_72 = vector.load %arg13[%swap3A_70, %swap3A_71] : memref<64x128xf32, #tpu.memory_space<vmem>>, vector<64x128xf32>
      tpu.vector_store %arg13[%swap3A_70, %swap3A_71], %broadcast_in_dim3A_69 {strides = array<i32>} : memref<64x128xf32, #tpu.memory_space<vmem>>, vector<64x128xf32>,
      %broadcast_in_dim3A_73 = arith.constant 0.000000e+00 : f32
      %broadcast_in_dim3A_74 = vector.broadcast %broadcast_in_dim3A_73 : f32 to vector<64x128xf32>
      %swap3A_75 = arith.constant 0 : index
      %swap3A_76 = arith.constant 0 : index
      %swap3A_77 = vector.load %arg14[%swap3A_75, %swap3A_76] : memref<64x128xf32, #tpu.memory_space<vmem>>, vector<64x128xf32>
      tpu.vector_store %arg14[%swap3A_75, %swap3A_76], %broadcast_in_dim3A_74 {strides = array<i32>} : memref<64x128xf32, #tpu.memory_space<vmem>>, vector<64x128xf32>,
      %broadcast_in_dim3A_78 = arith.constant 0.000000e+00 : f32
      %broadcast_in_dim3A_79 = vector.broadcast %broadcast_in_dim3A_78 : f32 to vector<64x128xf32>
      %swap3A_80 = arith.constant 0 : index
      %swap3A_81 = arith.constant 0 : index
      %swap3A_82 = vector.load %arg15[%swap3A_80, %swap3A_81] : memref<64x128xf32, #tpu.memory_space<vmem>>, vector<64x128xf32>
      tpu.vector_store %arg15[%swap3A_80, %swap3A_81], %broadcast_in_dim3A_79 {strides = array<i32>} : memref<64x128xf32, #tpu.memory_space<vmem>>, vector<64x128xf32>,
    } else {
    }
    %get3A = arith.constant 0 : index
    %get3A_2 = arith.constant 0 : index
    %get3A_3 = arith.constant 0 : index
    %get3A_4 = vector.load %arg3[%get3A, %get3A_2, %get3A_3] : memref<1x1x1000xf32, #tpu.memory_space<vmem>>, vector<1x1x1000xf32>
    %get3A_5 = vector.shape_cast %get3A_4 : vector<1x1x1000xf32> to vector<1000xf32>
    %get3A_6 = arith.constant 0 : index
    %get3A_7 = arith.constant 0 : index
    %get3A_8 = arith.constant 0 : index
    %get3A_9 = vector.load %arg4[%get3A_6, %get3A_7, %get3A_8] : memref<1x1x1000xf32, #tpu.memory_space<vmem>>, vector<1x1x1000xf32>
    %get3A_10 = vector.shape_cast %get3A_9 : vector<1x1x1000xf32> to vector<1000xf32>
    %add3A = arith.addf %get3A_5, %get3A_10 : vector<1000xf32>
    %max3A = arith.constant 1.000000e+00 : f32
    %max3A_11 = vector.broadcast %max3A : f32 to vector<1000xf32>
    %max3A_12 = arith.maximumf %add3A, %max3A_11 : vector<1000xf32>
    %div3A = arith.constant 1.000000e+00 : f32
    %div3A_13 = vector.broadcast %div3A : f32 to vector<1000xf32>
    %div3A_14 = arith.divf %div3A_13, %max3A_12 : vector<1000xf32>
    %broadcast_in_dim3A = vector.shape_cast %div3A_14 : vector<1000xf32> to vector<1000x1xf32>
    %get3A_15 = arith.constant 0 : index
    %get3A_16 = arith.constant 0 : index
    %get3A_17 = vector.load %arg1[%get3A_15, %get3A_16] : memref<1000x128xf32, #tpu.memory_space<vmem>>, vector<1000x128xf32>
    %get3A_18 = arith.constant 0 : index
    %get3A_19 = arith.constant 0 : index
    %get3A_20 = vector.load %arg2[%get3A_18, %get3A_19] : memref<1000x128xf32, #tpu.memory_space<vmem>>, vector<1000x128xf32>
    %add3A_21 = arith.addf %get3A_17, %get3A_20 : vector<1000x128xf32>
    %mul3A = vector.broadcast %broadcast_in_dim3A : vector<1000x1xf32> to vector<1000x128xf32>
    %mul3A_22 = arith.mulf %add3A_21, %mul3A : vector<1000x128xf32>
    %get3A_23 = arith.constant 0 : index
    %get3A_24 = arith.constant 0 : index
    %get3A_25 = arith.constant 0 : index
    %get3A_26 = vector.load %arg6[%get3A_23, %get3A_24, %get3A_25] : memref<1x1x1000xi32, #tpu.memory_space<vmem>>, vector<1x1x1000xi32>
    %get3A_27 = vector.shape_cast %get3A_26 : vector<1x1x1000xi32> to vector<1000xi32>
    %broadcast_in_dim3A_28 = vector.shape_cast %get3A_27 : vector<1000xi32> to vector<1000x1xi32>
    %iota3A = tpu.iota {dimensions = array<i32: 1>} : vector<1000x64xi32>
    %eq3A_29 = vector.broadcast %broadcast_in_dim3A_28 : vector<1000x1xi32> to vector<1000x64xi32>
    %eq3A_30 = arith.cmpi eq, %eq3A_29, %iota3A : vector<1000x64xi32>
    %convert_element_type3A_31 = arith.extui %eq3A_30 : vector<1000x64xi1> to vector<1000x64xi32>
    %convert_element_type3A_32 = arith.sitofp %convert_element_type3A_31 : vector<1000x64xi32> to vector<1000x64xf32>
    %get3A_33 = arith.constant 0 : index
    %get3A_34 = arith.constant 0 : index
    %get3A_35 = vector.load %arg13[%get3A_33, %get3A_34] : memref<64x128xf32, #tpu.memory_space<vmem>>, vector<64x128xf32>
    %dot_general3A = arith.constant dense<0.000000e+00> : vector<64x128xf32>
    %dot_general3A_36 = tpu.matmul %convert_element_type3A_32, %mul3A_22, %dot_general3A {dimension_numbers = #tpu.dot_dimension_numbers<[0], [0], [1], [1], [0, 1, 1, 1], [], []>, transpose_lhs_hint = false} : vector<1000x64xf32>, vector<1000x128xf32>, vector<64x128xf32> -> vector<64x128xf32>
    %add3A_37 = arith.addf %get3A_35, %dot_general3A_36 : vector<64x128xf32>
    %swap3A = arith.constant 0 : index
    %swap3A_38 = arith.constant 0 : index
    %swap3A_39 = vector.load %arg13[%swap3A, %swap3A_38] : memref<64x128xf32, #tpu.memory_space<vmem>>, vector<64x128xf32>
    tpu.vector_store %arg13[%swap3A, %swap3A_38], %add3A_37 {strides = array<i32>} : memref<64x128xf32, #tpu.memory_space<vmem>>, vector<64x128xf32>,
    %get3A_40 = arith.constant 0 : index
    %get3A_41 = arith.constant 0 : index
    %get3A_42 = vector.load %arg14[%get3A_40, %get3A_41] : memref<64x128xf32, #tpu.memory_space<vmem>>, vector<64x128xf32>
    %get3A_43 = arith.constant 0 : index
    %get3A_44 = arith.constant 0 : index
    %get3A_45 = vector.load %arg5[%get3A_43, %get3A_44] : memref<1000x128xf32, #tpu.memory_space<vmem>>, vector<1000x128xf32>
    %dot_general3A_46 = arith.constant dense<0.000000e+00> : vector<64x128xf32>
    %dot_general3A_47 = tpu.matmul %convert_element_type3A_32, %get3A_45, %dot_general3A_46 {dimension_numbers = #tpu.dot_dimension_numbers<[0], [0], [1], [1], [0, 1, 1, 1], [], []>, transpose_lhs_hint = false} : vector<1000x64xf32>, vector<1000x128xf32>, vector<64x128xf32> -> vector<64x128xf32>
    %add3A_48 = arith.addf %get3A_42, %dot_general3A_47 : vector<64x128xf32>
    %swap3A_49 = arith.constant 0 : index
    %swap3A_50 = arith.constant 0 : index
    %swap3A_51 = vector.load %arg14[%swap3A_49, %swap3A_50] : memref<64x128xf32, #tpu.memory_space<vmem>>, vector<64x128xf32>
    tpu.vector_store %arg14[%swap3A_49, %swap3A_50], %add3A_48 {strides = array<i32>} : memref<64x128xf32, #tpu.memory_space<vmem>>, vector<64x128xf32>,
    %get3A_52 = arith.constant 0 : index
    %get3A_53 = arith.constant 0 : index
    %get3A_54 = vector.load %arg15[%get3A_52, %get3A_53] : memref<64x128xf32, #tpu.memory_space<vmem>>, vector<64x128xf32>
    %broadcast_in_dim3A_55 = arith.constant 1.000000e+00 : f32
    %broadcast_in_dim3A_56 = vector.broadcast %broadcast_in_dim3A_55 : f32 to vector<1000x128xf32>
    %dot_general3A_57 = arith.constant dense<0.000000e+00> : vector<64x128xf32>
    %dot_general3A_58 = tpu.matmul %convert_element_type3A_32, %broadcast_in_dim3A_56, %dot_general3A_57 {dimension_numbers = #tpu.dot_dimension_numbers<[0], [0], [1], [1], [0, 1, 1, 1], [], []>, transpose_lhs_hint = false} : vector<1000x64xf32>, vector<1000x128xf32>, vector<64x128xf32> -> vector<64x128xf32>
    %add3A_59 = arith.addf %get3A_54, %dot_general3A_58 : vector<64x128xf32>
    %swap3A_60 = arith.constant 0 : index
    %swap3A_61 = arith.constant 0 : index
    %swap3A_62 = vector.load %arg15[%swap3A_60, %swap3A_61] : memref<64x128xf32, #tpu.memory_space<vmem>>, vector<64x128xf32>
    tpu.vector_store %arg15[%swap3A_60, %swap3A_61], %add3A_59 {strides = array<i32>} : memref<64x128xf32, #tpu.memory_space<vmem>>, vector<64x128xf32>,
    %eq3A_63 = arith.constant 9 : i32
    %eq3A_64 = arith.cmpi eq, %arg0, %eq3A_63 : i32
    %convert_element_type3A_65 = arith.extui %eq3A_64 : i1 to i32
    %cond3A_66 = arith.constant 0 : i32
    %cond3A_67 = arith.cmpi ne, %convert_element_type3A_65, %cond3A_66 : i32
    scf.if %cond3A_67 {
      %get3A_68 = arith.constant 0 : index
      %get3A_69 = arith.constant 0 : index
      %get3A_70 = vector.load %arg15[%get3A_68, %get3A_69] : memref<64x128xf32, #tpu.memory_space<vmem>>, vector<64x128xf32>
      %get3A_71 = arith.constant 0 : index
      %get3A_72 = arith.constant 0 : index
      %get3A_73 = vector.load %arg13[%get3A_71, %get3A_72] : memref<64x128xf32, #tpu.memory_space<vmem>>, vector<64x128xf32>
      %get3A_74 = arith.constant 0 : index
      %get3A_75 = arith.constant 0 : index
      %get3A_76 = vector.load %arg7[%get3A_74, %get3A_75] : memref<128x128xf32, #tpu.memory_space<vmem>>, vector<128x128xf32>
      %dot_general3A_77 = arith.constant dense<0.000000e+00> : vector<64x128xf32>
      %dot_general3A_78 = tpu.matmul %get3A_73, %get3A_76, %dot_general3A_77 {dimension_numbers = #tpu.dot_dimension_numbers<[1], [0], [0], [1], [0, 0, 1, 1], [], []>, transpose_lhs_hint = false} : vector<64x128xf32>, vector<128x128xf32>, vector<64x128xf32> -> vector<64x128xf32>
      %get3A_79 = arith.constant 0 : index
      %get3A_80 = arith.constant 0 : index
      %get3A_81 = vector.load %arg14[%get3A_79, %get3A_80] : memref<64x128xf32, #tpu.memory_space<vmem>>, vector<64x128xf32>
      %get3A_82 = arith.constant 0 : index
      %get3A_83 = arith.constant 0 : index
      %get3A_84 = vector.load %arg8[%get3A_82, %get3A_83] : memref<128x128xf32, #tpu.memory_space<vmem>>, vector<128x128xf32>
      %dot_general3A_85 = arith.constant dense<0.000000e+00> : vector<64x128xf32>
      %dot_general3A_86 = tpu.matmul %get3A_81, %get3A_84, %dot_general3A_85 {dimension_numbers = #tpu.dot_dimension_numbers<[1], [0], [0], [1], [0, 0, 1, 1], [], []>, transpose_lhs_hint = false} : vector<64x128xf32>, vector<128x128xf32>, vector<64x128xf32> -> vector<64x128xf32>
      %add3A_87 = arith.addf %dot_general3A_78, %dot_general3A_86 : vector<64x128xf32>
      %get3A_88 = arith.constant 0 : index
      %get3A_89 = arith.constant 0 : index
      %get3A_90 = vector.load %arg9[%get3A_88, %get3A_89] : memref<1x128xf32, #tpu.memory_space<vmem>>, vector<1x128xf32>
      %mul3A_91 = vector.broadcast %get3A_90 : vector<1x128xf32> to vector<64x128xf32>
      %mul3A_92 = arith.mulf %get3A_70, %mul3A_91 : vector<64x128xf32>
      %add3A_93 = arith.addf %add3A_87, %mul3A_92 : vector<64x128xf32>
      %max3A_94 = arith.constant 1.000000e+00 : f32
      %max3A_95 = vector.broadcast %max3A_94 : f32 to vector<64x128xf32>
      %max3A_96 = arith.maximumf %get3A_70, %max3A_95 : vector<64x128xf32>
      %div3A_97 = arith.divf %add3A_93, %max3A_96 : vector<64x128xf32>
      %get3A_98 = arith.constant 0 : index
      %get3A_99 = arith.constant 0 : index
      %get3A_100 = vector.load %arg10[%get3A_98, %get3A_99] : memref<128x16xf32, #tpu.memory_space<vmem>>, vector<128x16xf32>
      %dot_general3A_101 = arith.constant dense<0.000000e+00> : vector<64x16xf32>
      %dot_general3A_102 = tpu.matmul %div3A_97, %get3A_100, %dot_general3A_101 {dimension_numbers = #tpu.dot_dimension_numbers<[1], [0], [0], [1], [0, 0, 1, 1], [], []>, transpose_lhs_hint = false} : vector<64x128xf32>, vector<128x16xf32>, vector<64x16xf32> -> vector<64x16xf32>
      %get3A_103 = arith.constant 0 : index
      %get3A_104 = arith.constant 0 : index
      %get3A_105 = vector.load %arg11[%get3A_103, %get3A_104] : memref<1x16xf32, #tpu.memory_space<vmem>>, vector<1x16xf32>
      %add3A_106 = vector.broadcast %get3A_105 : vector<1x16xf32> to vector<64x16xf32>
      %add3A_107 = arith.addf %dot_general3A_102, %add3A_106 : vector<64x16xf32>
      %swap3A_108 = arith.constant 0 : index
      %swap3A_109 = arith.constant 0 : index
      %swap3A_110 = vector.load %arg12[%swap3A_108, %swap3A_109] : memref<64x16xf32, #tpu.memory_space<vmem>>, vector<64x16xf32>
      tpu.vector_store %arg12[%swap3A_108, %swap3A_109], %add3A_107 {strides = array<i32>} : memref<64x16xf32, #tpu.memory_space<vmem>>, vector<64x16xf32>,
    } else {
    }
    return
  }
  func.func @transform_0(%arg0: i32) -> (i32, i32) {
    %c0_i32 = arith.constant 0 : i32
    %c0_i32_0 = arith.constant 0 : i32
    return %arg0, %c0_i32 : i32, i32
  }
  func.func @transform_1(%arg0: i32) -> (i32, i32) {
    %c0_i32 = arith.constant 0 : i32
    %c0_i32_0 = arith.constant 0 : i32
    return %arg0, %c0_i32 : i32, i32
  }
  func.func @transform_2(%arg0: i32) -> (i32, i32, i32) {
    %c0_i32 = arith.constant 0 : i32
    %c0_i32_0 = arith.constant 0 : i32
    %c0_i32_1 = arith.constant 0 : i32
    return %arg0, %c0_i32, %c0_i32_0 : i32, i32, i32
  }
  func.func @transform_3(%arg0: i32) -> (i32, i32, i32) {
    %c0_i32 = arith.constant 0 : i32
    %c0_i32_0 = arith.constant 0 : i32
    %c0_i32_1 = arith.constant 0 : i32
    return %arg0, %c0_i32, %c0_i32_0 : i32, i32, i32
  }
  func.func @transform_4(%arg0: i32) -> (i32, i32) {
    %c0_i32 = arith.constant 0 : i32
    %c0_i32_0 = arith.constant 0 : i32
    return %arg0, %c0_i32 : i32, i32
  }
  func.func @transform_5(%arg0: i32) -> (i32, i32, i32) {
    %c0_i32 = arith.constant 0 : i32
    %c0_i32_0 = arith.constant 0 : i32
    %c0_i32_1 = arith.constant 0 : i32
    return %arg0, %c0_i32, %c0_i32_0 : i32, i32, i32
  }
  func.func @transform_6(%arg0: i32) -> (i32, i32) {
    %c0_i32 = arith.constant 0 : i32
    %c0_i32_0 = arith.constant 0 : i32
    %c0_i32_1 = arith.constant 0 : i32
    return %c0_i32, %c0_i32_0 : i32, i32
  }
  func.func @transform_7(%arg0: i32) -> (i32, i32) {
    %c0_i32 = arith.constant 0 : i32
    %c0_i32_0 = arith.constant 0 : i32
    %c0_i32_1 = arith.constant 0 : i32
    return %c0_i32, %c0_i32_0 : i32, i32
  }
  func.func @transform_8(%arg0: i32) -> (i32, i32) {
    %c0_i32 = arith.constant 0 : i32
    %c0_i32_0 = arith.constant 0 : i32
    %c0_i32_1 = arith.constant 0 : i32
    return %c0_i32, %c0_i32_0 : i32, i32
  }
  func.func @transform_9(%arg0: i32) -> (i32, i32) {
    %c0_i32 = arith.constant 0 : i32
    %c0_i32_0 = arith.constant 0 : i32
    %c0_i32_1 = arith.constant 0 : i32
    return %c0_i32, %c0_i32_0 : i32, i32
  }
  func.func @transform_10(%arg0: i32) -> (i32, i32) {
    %c0_i32 = arith.constant 0 : i32
    %c0_i32_0 = arith.constant 0 : i32
    %c0_i32_1 = arith.constant 0 : i32
    return %c0_i32, %c0_i32_0 : i32, i32
  }
  func.func @transform_11(%arg0: i32) -> (i32, i32) {
    %c0_i32 = arith.constant 0 : i32
    %c0_i32_0 = arith.constant 0 : i32
    %c0_i32_1 = arith.constant 0 : i32
    return %c0_i32, %c0_i32_0 : i32, i32
  }
}

</mosaic_0001>

<sc_bundles>
// kernel: kernel.6.cloned.1.call-start
scs
__scs_entry_jumppad:
0x0: {  	(pc) =	sbr.rel $0x88, $3  }
0x1: {  	(tag) =	ssettag $0x0;
	lr =	simm.s32 $0x1  }
0x2: {  	[smem:$0x3F96] =	sst lr;
	_ =	strace $0xD0000000  }
0x3: {  	_ = 	snop  }
0x4: {  	_ = 	snop  }
0x5: {  	_ = 	snop  }
0x6: {  	_ = 	snop  }
0x7: {  	_ = 	snop  }
__scs_overlays_trampoline_lowered:
0x8: {  	[smem:$0x3FA5] =	sst s0  }
0x9: {  	[smem:$0x3FA6] =	sst s1  }
0xa: {  	[smem:$0x3FA7] =	sst s2  }
0xb: {  	[smem:$0x3FA8] =	sst s3  }
0xc: {  	[smem:$0x3FA9] =	sst s4  }
0xd: {  	[smem:$0x3FAA] =	sst s5  }
0xe: {  	[smem:$0x3FAB] =	sst s6  }
0xf: {  	[smem:$0x3FAC] =	sst s7  }
0x10: {  	[smem:$0x3FAD] =	sst s8  }
0x11: {  	[smem:$0x3FAE] =	sst s9;
	s0 =	simm.s32 @!p0 $0x0  }
0x12: {  	s1 =	sld [smem:$0x3F94];
	s0 =	simm.s32 @p0 $0x1  }
0x13: {  	[smem:$0x3FAF] =	sst s0;
	s0 =	simm.s32 @!p1 $0x0  }
0x14: {  	s2 =	sld [smem:$0x3F93];
	s0 =	simm.s32 @p1 $0x1  }
0x15: {  	[smem:$0x3FB0] =	sst s0;
	s0 =	simm.s32 @!p2 $0x0  }
0x16: {  	s3 =	sld [smem:$0x3FDB];
	s0 =	simm.s32 @p2 $0x1  }
0x17: {  	s4 =	simm.s32 $0x1BF5;
	[smem:$0x3FB2] =	sst s0  }
0x18: {  	s0 =	sld [smem:$0x3F95];
	_ =	swait.ge [sflag:s4], $0x0  }
0x19: {  	s7 =	sld [smem:$0x3F96]  }
0x1a: {  	s8 =	sadd.s32 $0xFFFFE003, lr  }
0x1b: {  	s9 =	sadd.s32 $0xFFFFFEF7, lr;
	s5 =	simm.s32 $0xFFFFFFFF;
	p2 =	slt.u32 s8, $0xFFFFF086  }
0x1c: {  	p1 =	slt.u32 s9, $0xF7A;
	s5 =	simm.s32 @!p2 $0x0  }
0x1d: {  	s5 =	simm.s32 @p1 $0x1;
	p0 =	seq.s32 s7, s2  }
0x1e: {  	s7 =	smul.u32 @!p0 $0xF7A, s2;
	p2 =	seq.s32 @!p0 s5, $0x0  }
0x1f: {  	s9 =	smul.u32 $0xF7A, s1;
	s8 =	simm.s32 @!p0 $0x1BF5;
	p2 =	por !p2, p0  }
0x20: {  	[sflag:s8] =	ssyncset.s32 @!p0 $0xFFFFF086;
	s6 =	sadd.s32 @!p0 s3, s7;
	s7 =	simm.s32 @!p0 $0x108  }
0x21: {  	s3 =	sadd.s32 s3, s9;
	s6 =	sadd.s32 @!p0 $0x88, s6;
	s7 =	simm.s32 @p2 $0x1082  }
0x22: {  	[simem:s7], [sflag:s8] =	dma.local @!p0 [hbm:s6], $0xF7A  }
0x23: {  	s9 =	sor.u32 $0xD0000000, s2;
	s6 =	simm.s32 $0x108;
	_ =	swait.ge @!p0 [sflag:s8], $0x0  }
0x24: {  	s3 =	sadd.s32 $0x88, s3;
	s6 =	simm.s32 @!p1 $0x1082;
	[sflag:s4] =	ssyncset.s32 $0xFFFFF086  }
0x25: {  	[simem:s6], [sflag:s4] =	dma.local [hbm:s3], $0xF7A  }
0x26: {  	[smem:$0x3F96] =	sst s1;
	(tag) =	ssettag s2;
	_ =	strace s9  }
0x27: {  	s1 =	sld [smem:$0x3FA6]  }
0x28: {  	s2 =	sld [smem:$0x3FA7]  }
0x29: {  	s4 =	sld [smem:$0x3FA9]  }
0x2a: {  	p0 =	seq.s32 s5, $0x0;
	s5 =	sld [smem:$0x3FAA]  }
0x2b: {  	s6 =	sld [smem:$0x3FAB]  }
0x2c: {  	s7 =	sld [smem:$0x3FAC]  }
0x2d: {  	s3 =	simm.s32 $0x108;
	s8 =	sld [smem:$0x3FAD]  }
0x2e: {  	s3 =	simm.s32 @!p0 $0x1082;
	s9 =	sld [smem:$0x3FAE]  }
0x2f: {  	lr =	sadd.s32 s0, s3;
	s0 =	sld [smem:$0x3FA5]  }
0x30: {  	s3 =	sld [smem:$0x3FA8]  }
0x31: {  	[smem:$0x3FB1] =	sst s10  }
0x32: {  	s10 =	sld [smem:$0x3FAF];
	_ =	sdelay $0x3  }
0x33: {  	p0 =	seq.s32 s10, $0x1;
	s10 =	sld [smem:$0x3FB1];
	_ =	sdelay $0x3  }
0x34: {  	[smem:$0x3FB1] =	sst s10  }
0x35: {  	s10 =	sld [smem:$0x3FB0];
	_ =	sdelay $0x3  }
0x36: {  	p1 =	seq.s32 s10, $0x1;
	s10 =	sld [smem:$0x3FB1];
	_ =	sdelay $0x3  }
0x37: {  	[smem:$0x3FB1] =	sst s10  }
0x38: {  	s10 =	sld [smem:$0x3FB2]  }
0x39: {  	_ = 	snop;
	(pc) =	sbr.ind lr, $3  }
0x3a: {  	_ = 	snop  }
0x3b: {  	_ = 	snop  }
0x3c: {  	p2 =	seq.s32 s10, $0x1;
	s10 =	sld [smem:$0x3FB1]  }
0x3d: {  	_ =	shalt  }
0x3e: {  	_ =	shalt  }
0x3f: {  	_ =	shalt  }
0x40: {  	_ =	shalt  }
0x41: {  	_ =	shalt  }
0x42: {  	_ =	shalt  }
0x43: {  	_ =	shalt  }
0x44: {  	_ =	shalt  }
0x45: {  	_ =	shalt  }
0x46: {  	_ =	shalt  }
0x47: {  	_ =	shalt  }
0x48: {  	_ =	shalt  }
0x49: {  	_ =	shalt  }
0x4a: {  	_ =	shalt  }
0x4b: {  	_ =	shalt  }
0x4c: {  	_ =	shalt  }
0x4d: {  	_ =	shalt  }
0x4e: {  	_ =	shalt  }
0x4f: {  	_ =	shalt  }
0x50: {  	_ =	shalt  }
0x51: {  	_ =	shalt  }
0x52: {  	_ =	shalt  }
0x53: {  	_ =	shalt  }
0x54: {  	_ =	shalt  }
0x55: {  	_ =	shalt  }
0x56: {  	_ =	shalt  }
0x57: {  	_ =	shalt  }
0x58: {  	_ =	shalt  }
0x59: {  	_ =	shalt  }
0x5a: {  	_ =	shalt  }
0x5b: {  	_ =	shalt  }
0x5c: {  	_ =	shalt  }
0x5d: {  	_ =	shalt  }
0x5e: {  	_ =	shalt  }
0x5f: {  	_ =	shalt  }
0x60: {  	_ =	shalt  }
0x61: {  	_ =	shalt  }
0x62: {  	_ =	shalt  }
0x63: {  	_ =	shalt  }
0x64: {  	_ =	shalt  }
0x65: {  	_ =	shalt  }
0x66: {  	_ =	shalt  }
0x67: {  	_ =	shalt  }
0x68: {  	_ =	shalt  }
0x69: {  	_ =	shalt  }
0x6a: {  	_ =	shalt  }
0x6b: {  	_ =	shalt  }
0x6c: {  	_ =	shalt  }
0x6d: {  	_ =	shalt  }
0x6e: {  	_ =	shalt  }
0x6f: {  	_ =	shalt  }
0x70: {  	_ =	shalt  }
0x71: {  	_ =	shalt  }
0x72: {  	_ =	shalt  }
0x73: {  	_ =	shalt  }
0x74: {  	_ =	shalt  }
0x75: {  	_ =	shalt  }
0x76: {  	_ =	shalt  }
0x77: {  	_ =	shalt  }
0x78: {  	_ =	shalt  }
0x79: {  	_ =	shalt  }
0x7a: {  	_ =	shalt  }
0x7b: {  	_ =	shalt  }
0x7c: {  	_ =	shalt  }
0x7d: {  	_ =	shalt  }
0x7e: {  	_ =	shalt  }
0x7f: {  	_ =	shalt  }
0x80: {  	_ =	shalt  }
0x81: {  	_ =	shalt  }
0x82: {  	_ =	shalt  }
0x83: {  	_ =	shalt  }
0x84: {  	_ =	shalt  }
0x85: {  	_ =	shalt  }
0x86: {  	_ =	shalt  }
0x87: {  	_ =	shalt  }
.Lfunc_end0:
.L_simem_size_0:
called_computation_lowered:
.L_overlay_start_0:
0x88: {  	s2 =	sld [smem:$0x3FD9]  }
0x89: {  	s3 =	sld [smem:$0x3FFE];
	_ =	sdelay $0x1  }
0x8a: {  	s1 =	srdreg.scid  }
0x8b: {  	s0 =	sand.u32 $0x1, s1  }
0x8c: {  	s17 =	sshll.u32 s0, $0xA;
	s2 =	sadd.s32 s3, s2  }
0x8d: {  	s2 =	sadd.s32 s2, s17  }
0x8e: {  	[smem:$0x3FBD] =	sst s2  }
0x8f: {  	_ = 	snop  }
0x90: {  	s2 =	sld [smem:$0x3FC9]  }
0x91: {  	s18 =	sld [smem:$0x3FD0];
	(tm) =	ssettm $0x1  }
0x92: {  	s4 =	sld [smem:$0x3FFB];
	_ =	sdelay $0x3  }
0x93: {  	_ =	strace s4  }
0x94: {  	s4 =	sld [smem:$0x3FFC];
	_ =	sdelay $0x3  }
0x95: {  	_ =	strace s4  }
0x96: {  	s4 =	sld [smem:$0x3FFD];
	_ =	sdelay $0x3  }
0x97: {  	_ =	strace s4  }
0x98: {  	_ =	strace $0x8FFFFFFF  }
0x99: {  	s19 =	sld [smem:$0x3FDB];
	_ =	sdelay $0x1  }
0x9a: {  	s5 =	simm.s32 $_scs_section_size  }
0x9b: {  	s6 =	simm.s32 $_size__tile_overlayer_lowered;
	s7 =	simm.s32 $_tile_overlayer_lowered  }
0x9c: {  	s22 =	simm.s32 $0x1BFF;
	s21 =	sshll.u32 s7, $0x1;
	s4 =	sadd.s32 s5, s19  }
0x9d: {  	s8 =	simm.s32 $0x0;
	s20 =	sshll.u32 s6, $0x1;
	s6 =	sadd.s32 s21, s4  }
0x9e: {  	[timem:s8], [sflag:s22] =	dma.local [hbm:s6], s20  }
0x9f: {  	_ =	swait.ge [sflag:s22], s20  }
0xa0: {  	s5 =	ssub.s32 $0x0, s20;
	[sflag:s22] =	ssyncset.done $0x0  }
0xa1: {  	[sflag:s22] =	ssyncadd.s32 s5;
	_ =	sdelay $0x1  }
0xa2: {  	s23 =	simm.s32 $0x1B8B  }
0xa3: {  	_ =	swait.ge [sflag:s23], $0x1  }
0xa4: {  	[sflag:s23] =	ssyncset.done $0x0  }
0xa5: {  	s25 =	simm.s32 $0x1B8E;
	s24 =	sld [smem:$0x3FFE];
	[sflag:s23] =	ssyncadd.s32 $0xFFFFFFFF  }
0xa6: {  	s26 =	simm.s32 $execute0_lowered;
	[smem:$0x3FD2] =	sst s25  }
0xa7: {  	s6 =	sshll.u32 s26, $0x1;
	_ =	strace $0x80000046;
	[dreg:$0x1] =	wrdreg $0xFFFFFFFF  }
0xa8: {  	s28 =	simm.s32 $_size_execute0_lowered;
	s4 =	sadd.s32 s4, s6;
	[dreg:$0x0] =	wrdreg $0x0  }
0xa9: {  	s6 =	sshll.u32 s28, $0x1;
	[dreg:$0x2] =	wrdreg s4  }
0xaa: {  	[dreg:$0x3] =	wrdreg s6  }
0xab: {  	[dreg:$0x4] =	wrdreg $0xC0  }
0xac: {  	_ =	task [dreg:s8], $0x5FFFF  }
0xad: {  	[dreg:$0x1] =	wrdreg $0xFFFFFFFF  }
0xae: {  	[dreg:$0x0] =	wrdreg $0x60  }
0xaf: {  	[dreg:$0x2] =	wrdreg s2  }
0xb0: {  	[dreg:$0x3] =	wrdreg s24  }
0xb1: {  	[dreg:$0x4] =	wrdreg s18  }
0xb2: {  	[dreg:$0x5] =	wrdreg $0x8E800  }
0xb3: {  	[dreg:$0x6] =	wrdreg $0x1CE800  }
0xb4: {  	[dreg:$0x7] =	wrdreg $0x9  }
0xb5: {  	_ =	task.clear_ibuf [dreg:s8], $0x8FFFF;
	_ =	strace $0x90000046  }
0xb6: {  	s29 =	simm.s32 $0x9;
	_ =	strace $0x80000048  }
0xb7: {  	_ =	swait.ge [sflag:s29], $0x1  }
0xb8: {  	[sflag:s29] =	ssyncadd.s32 $0xFFFFFFFF  }
0xb9: {  	_ =	strace $0x90000048  }
0xba: {  	_ =	sfence  }
0xbb: {  	s30 =	sld [smem:$0x0];
	_ =	sdelay $0x2  }
0xbc: {  	s31 =	sshll.u32 s1, $0xD;
	s1 =	sshrl.u32 s1, $0x2  }
0xbd: {  	s3 =	sand.u32 $0x4000, s31;
	s1 =	sadd.s32 s1, s30  }
0xbe: {  	s0 =	sor.u32 s3, s0;
	s1 =	sshll.u32 s1, $0x11  }
0xbf: {  	s0 =	sor.u32 s1, s0  }
0xc0: {  	s0 =	sadd.s32 $0x8F2B, s0  }
0xc1: {  	[sflag:s0] =	ssyncadd.remote.s32 $0x1  }
0xc2: {  	_ =	sfence.sel $0xFFFF  }
0xc3: {  	[dreg:$0x0] =	wrdreg $0xFFFFFFFF;
	(pc) =	sbr.abs _section_cstart, $3  }
0xc4: {  	[dreg:$0x1] =	wrdreg $0xFFFFFFFF  }
0xc5: {  	_ =	task.clear_ibuf [dreg:s8], $0x2FFFF;
	_ =	strace $0x9FFFFFFF  }
0xc6: {  	(tm) =	ssettm $0x7FFFFFFF  }
0xc7: {  	_ =	shalt  }
tec
execute0_lowered:
.L_overlay_start_1:
0x0: {  	(tag) =	ssettag $0x1  }
0x1: {  	s1 =	rddreg [dreg:$0x0]  }
0x2: {  	s2 =	rddreg [dreg:$0x1]  }
0x3: {  	s0 =	srdreg.scid;
	s4 =	rddreg [dreg:$0x3]  }
0x4: {  	s6 =	stileid.u32;
	s5 =	rddreg [dreg:$0x4];
	s7 =	simm.s32 $0x0  }
0x5: {  	s29 =	simm.s32 $0x8E00;
	s30 =	simm.s32 $0x2780;
	s8 =	smul.u32 $0x2800, s6  }
0x6: {  	s31 =	simm.s32 $0x28;
	s0 =	sand.u32 $0x1, s0;
	s9 =	smul.u32 $0x280, s6  }
0x7: {  	[smem:$0x7FF] =	sst s7;
	s7 =	sadd.s32 $0x2E00, s2;
	s15 =	smul.u32 $0x50000, s6  }
0x8: {  	s24 =	sshll.u32 s6, $0x6;
	s3 =	sshll.u32 s0, $0x4;
	s10 =	smul.u32 $0x2800, s0  }
0x9: {  	_ =	strace $0x80000047;
	s16 =	ssub.s32 $0x2, s0;
	s0 =	smul.u32 $0x27100, s0  }
0xa: {  	s3 =	sor.u32 s6, s3;
	s8 =	sadd.s32 s8, s2;
	s13 =	sshrl.u32 s9, $0x3  }
0xb: {  	s22 =	sshrl.u32 s16, $0x1;
	s15 =	sshrl.u32 s15, $0x2;
	s25 =	sadd.s32 s9, s5  }
0xc: {  	s3 =	smul.u32 $0x2710, s3;
	s10 =	sadd.s32 s9, s10;
	s13 =	sadd.s32 s13, s2  }
0xd: {  	s16 =	ssub.s32 s16, s22;
	s23 =	sadd.s32 s15, s4;
	[dreg:$0x9] =	wrdreg s25  }
0xe: {  	s8 =	sadd.s32 $0x16A00, s8;
	s9 =	simm.s32 $0x7A00;
	[dreg:$0x6] =	wrdreg s23  }
0xf: {  	s14 =	sshll.u32 s10, $0x4;
	s10 =	sshrl.u32 s10, $0x3;
	[dreg:$0x7] =	wrdreg s8  }
0x10: {  	s26 =	sadd.s32 $0x3EA00, s13;
	s13 =	smul.u32 $0x2710, s6;
	s20 =	smax.u32 s16, $0x1  }
0x11: {  	s6 =	simm.s32 $0x0;
	s11 =	sshrl.u32 s3, $0x3;
	s14 =	sadd.s32 s14, s2  }
0x12: {  	[dreg:$0xa] =	wrdreg s26;
	s28 =	sadd.s32 $0x28, s3;
	s3 =	sadd.s32 $0x78, s3  }
0x13: {  	[dreg:$0x12] =	wrdreg s20;
	s12 =	sadd.s32 s11, s2;
	s2 =	sadd.s32 s10, s2  }
0x14: {  	s10 =	sor.u32 $0x1C10, s24;
	s8 =	sshrl.u32 s28, $0x3;
	s18 =	sadd.s32 $0x3FA00, s14  }
0x15: {  	s15 =	sadd.s32 s7, s11;
	s3 =	sshrl.u32 s3, $0x3;
	[dreg:$0x10] =	wrdreg s18  }
0x16: {  	s0 =	sadd.s32 s13, s0;
	s11 =	simm.s32 $0x1;
	[dreg:$0xc] =	wrdreg s15  }
0x17: {  	s13 =	simm.s32 $0x5;
	s12 =	sadd.s32 $0xCC00, s12;
	[dreg:$0x8] =	wrdreg s10  }
0x18: {  	s8 =	sadd.s32 s7, s8;
	s17 =	sadd.s32 $0xA, s15;
	[dreg:$0xb] =	wrdreg s12  }
0x19: {  	s3 =	sadd.s32 s7, s3;
	s19 =	sadd.s32 $0x168, s0;
	[dreg:$0xd] =	wrdreg s8  }
0x1a: {  	s2 =	sadd.s32 $0x3F000, s2;
	s22 =	sadd.s32 $0x140, s0;
	[dreg:$0xe] =	wrdreg s17  }
0x1b: {  	s23 =	sadd.s32 $0x118, s0;
	s24 =	sadd.s32 $0xF0, s0;
	[dreg:$0xf] =	wrdreg s3  }
0x1c: {  	s0 =	sadd.s32 $0xC8, s0;
	s28 =	sadd.s32 $0x14, s15;
	[dreg:$0x11] =	wrdreg s2  }
0x1d: {  	s21 =	sshrl.u32 s19, $0x3;
	s3 =	sshrl.u32 s23, $0x3;
	[dreg:$0x17] =	wrdreg s0  }
0x1e: {  	s26 =	sshrl.u32 s24, $0x3;
	[dreg:$0x18] =	wrdreg s28;
	s0 =	simm.s32 $0x2880  }
.Ltmp0:
0x1f: {  	s8 =	simm.s32 $0x2980;
	s2 =	sadd.s32 s21, s7;
	(pc) =	sbr.rel .LBB2_1-.Ltmp0, $4  }
0x20: {  	s25 =	sadd.s32 s3, s7;
	[dreg:$0x13] =	wrdreg s2;
	s2 =	sshrl.u32 s22, $0x3  }
0x21: {  	s12 =	simm.s32 $0x3;
	[dreg:$0x15] =	wrdreg s25;
	s2 =	sadd.s32 s2, s7  }
0x22: {  	s23 =	simm.s32 $0xF;
	[dreg:$0x14] =	wrdreg s2;
	s2 =	sadd.s32 s26, s7  }
0x23: {  	s3 =	simm.s32 $0x10;
	s22 =	simm.s32 $0xA;
	[dreg:$0x16] =	wrdreg s2  }
.LBB2_4:
0x24: {  	s2 =	simm.s32 $0x6  }
0x25: {  	_ =	swait.ge [sflag:s2], $0x1400  }
0x26: {  	[sflag:s2] =	ssyncset.done $0x0  }
0x27: {  	s15 =	simm.s32 $0xB;
	[sflag:s2] =	ssyncadd.s32 $0xFFFFEC00  }
0x28: {  	_ =	swait.ge [sflag:s15], $0x28  }
0x29: {  	[sflag:s15] =	ssyncset.done $0x0  }
0x2a: {  	s16 =	simm.s32 $0x7;
	[sflag:s15] =	ssyncadd.s32 $0xFFFFFFD8  }
0x2b: {  	_ =	swait.ge [sflag:s16], $0x1400  }
0x2c: {  	[sflag:s16] =	ssyncset.done $0x0  }
0x2d: {  	s17 =	simm.s32 $0xC;
	[sflag:s16] =	ssyncadd.s32 $0xFFFFEC00  }
0x2e: {  	_ =	swait.ge [sflag:s17], $0x28  }
0x2f: {  	[sflag:s17] =	ssyncset.done $0x0  }
0x30: {  	s18 =	simm.s32 $0x8;
	[sflag:s17] =	ssyncadd.s32 $0xFFFFFFD8  }
0x31: {  	_ =	swait.ge [sflag:s18], $0x1400  }
0x32: {  	[sflag:s18] =	ssyncset.done $0x0  }
0x33: {  	s19 =	simm.s32 $0xD;
	[sflag:s18] =	ssyncadd.s32 $0xFFFFEC00  }
0x34: {  	_ =	swait.ge [sflag:s19], $0x28  }
0x35: {  	[sflag:s19] =	ssyncset.done $0x0  }
0x36: {  	s20 =	simm.s32 $0x9;
	[sflag:s19] =	ssyncadd.s32 $0xFFFFFFD8  }
0x37: {  	_ =	swait.ge [sflag:s20], $0x1400  }
0x38: {  	[sflag:s20] =	ssyncset.done $0x0  }
0x39: {  	s21 =	simm.s32 $0xE;
	[sflag:s20] =	ssyncadd.s32 $0xFFFFEC00  }
0x3a: {  	_ =	swait.ge [sflag:s21], $0x28  }
0x3b: {  	[sflag:s21] =	ssyncset.done $0x0  }
0x3c: {  	[sflag:s21] =	ssyncadd.s32 $0xFFFFFFD8  }
0x3d: {  	_ =	swait.ge [sflag:s22], $0x1400  }
0x3e: {  	[sflag:s22] =	ssyncset.done $0x0  }
0x3f: {  	[sflag:s22] =	ssyncadd.s32 $0xFFFFEC00  }
0x40: {  	_ =	swait.ge [sflag:s23], $0x28  }
0x41: {  	[sflag:s23] =	ssyncset.done $0x0  }
0x42: {  	[sflag:s23] =	ssyncadd.s32 $0xFFFFFFD8  }
0x43: {  	[bflag:$0x0] =	sbarrier.arrive $0xFFFF  }
0x44: {  	s10 =	rddreg [dreg:$0x8]  }
0x45: {  	s24 =	rddreg [dreg:$0x10]  }
0x46: {  	s3 =	rddreg [dreg:$0x1a]  }
0x47: {  	[hbm:s24], [sflag:s10] =	dma.local [spmem:s3], $0x2800  }
0x48: {  	s3 =	simm.s32 $0x10  }
0x49: {  	_ =	swait.ge [sflag:s3], $0x2800  }
0x4a: {  	[sflag:s3] =	ssyncset.done $0x0;
	s25 =	rddreg [dreg:$0x11]  }
0x4b: {  	s6 =	rddreg [dreg:$0x1b];
	[sflag:s3] =	ssyncadd.s32 $0xFFFFD800  }
0x4c: {  	[hbm:s25], [sflag:s10] =	dma.local [spmem:s6], $0x50  }
0x4d: {  	_ =	swait.ge [sflag:s3], $0x50  }
0x4e: {  	s26 =	rddreg [dreg:$0x19]  }
0x4f: {  	s28 =	rddreg [dreg:$0x12];
	s6 =	sadd.s32 $0x1, s26  }
0x50: {  	p0 =	sne.s32 s6, s28  }
.Ltmp1:
0x51: {  	_ = 	snop;
	(pc) =	sbr.rel @!p0 .LBB2_5-.Ltmp1, $3  }
0x52: {  	_ =	sdelay $0x1  }
0x53: {  	[sflag:s3] =	ssyncset.done $0x0  }
0x54: {  	[sflag:s3] =	ssyncadd.s32 $0xFFFFFFB0  }
.LBB2_1:
0x55: {  	[dreg:$0x19] =	wrdreg s6  }
0x56: {  	s2 =	rddreg [dreg:$0x6]  }
0x57: {  	s20 =	rddreg [dreg:$0x7];
	s19 =	sshrl.u32 s2, $0x3  }
0x58: {  	[dreg:$0x1a] =	wrdreg s19  }
0x59: {  	[spmem:s19], [sflag:s10] =	dma.local [hbm:s20], $0x2800  }
0x5a: {  	_ =	swait.ge [sflag:s3], $0x2800  }
0x5b: {  	s21 =	rddreg [dreg:$0x9]  }
0x5c: {  	[sflag:s3] =	ssyncset.done $0x0;
	s25 =	rddreg [dreg:$0xa];
	s24 =	sshrl.u32 s21, $0x3  }
0x5d: {  	[sflag:s3] =	ssyncadd.s32 $0xFFFFD800;
	[dreg:$0x1b] =	wrdreg s24  }
0x5e: {  	[spmem:s24], [sflag:s10] =	dma.local [hbm:s25], $0x50  }
0x5f: {  	_ =	swait.ge [sflag:s3], $0x50  }
0x60: {  	[sflag:s3] =	ssyncset.done $0x0  }
0x61: {  	[sflag:s3] =	ssyncadd.s32 $0xFFFFFFB0  }
0x62: {  	s6 =	simm.s32 $0x0;
	s26 =	rddreg [dreg:$0x2]  }
0x63: {  	[tilespmem:s29], [sflag:$0x10] =	stream.linear.gather [hbm4b:s26+s6], $0x80, $0x38;
	[tilespmem:$0x1D100] =	vst v63  }
0x64: {  	_ =	swait.ge [sflag:s3], $0x80  }
0x65: {  	[sflag:s3] =	ssyncset.done $0x0  }
0x66: {  	s28 =	rddreg [dreg:$0xb];
	[sflag:s3] =	ssyncadd.s32 $0xFFFFFF80  }
0x67: {  	[tilespmem:s6], [sflag:$0x10] =	stream.linear.gather [hbm4b:s28+s6], $0x2710, $0x38;
	[tilespmem:$0x1D100] =	vst v63  }
0x68: {  	_ =	swait.ge [sflag:s3], $0x2710  }
0x69: {  	[sflag:s3] =	ssyncset.done $0x0  }
0x6a: {  	[sflag:s3] =	ssyncadd.s32 $0xFFFFD8F0  }
0x6b: {  	[bflag:$0x0] =	sbarrier.arrive $0xFFFF  }
0x6c: {  	s3 =	rddreg [dreg:$0xc]  }
0x6d: {  	[tilespmem:s30], [sflag:$0x1] =	stream.linear.gather [hbm4b:s3+s6], $0x28, $0x38;
	[tilespmem:$0x1D100] =	vst v63  }
0x6e: {  	s10 =	simm.s32 $0x2A00;
	s14 =	rddreg [dreg:$0xd]  }
0x6f: {  	[tilespmem:s10], [sflag:$0x1] =	stream.indirect.gather [hbm4b:s1+s31], $0x80, s6, s31, $0xb8;
	[tilespmem:$0x1D100] =	vst v63  }
0x70: {  	s15 =	simm.s32 $0x2800;
	s17 =	rddreg [dreg:$0xe]  }
0x71: {  	[tilespmem:s15], [sflag:$0x2] =	stream.linear.gather [hbm4b:s14+s6], $0x28, $0x38;
	[tilespmem:$0x1D100] =	vst v63  }
0x72: {  	s16 =	simm.s32 $0x3E00;
	s20 =	rddreg [dreg:$0xf]  }
0x73: {  	[tilespmem:s16], [sflag:$0x2] =	stream.indirect.gather [hbm4b:s1+s31], $0x80, s31, s31, $0xb8;
	[tilespmem:$0x1D100] =	vst v63  }
0x74: {  	s26 =	rddreg [dreg:$0x18]  }
0x75: {  	[tilespmem:s0], [sflag:$0x3] =	stream.linear.gather [hbm4b:s17+s6], $0x28, $0x38;
	[tilespmem:$0x1D100] =	vst v63  }
0x76: {  	s18 =	simm.s32 $0x50;
	s19 =	simm.s32 $0x5200;
	s15 =	rddreg [dreg:$0x17]  }
0x77: {  	[tilespmem:s19], [sflag:$0x3] =	stream.indirect.gather [hbm4b:s1+s31], $0x80, s18, s31, $0xb8;
	[tilespmem:$0x1D100] =	vst v63  }
0x78: {  	s21 =	simm.s32 $0x2900;
	s16 =	rddreg [dreg:$0x16]  }
0x79: {  	[tilespmem:s21], [sflag:$0x4] =	stream.linear.gather [hbm4b:s20+s6], $0x28, $0x38;
	[tilespmem:$0x1D100] =	vst v63  }
0x7a: {  	s24 =	simm.s32 $0x78;
	s25 =	simm.s32 $0x6600;
	s17 =	rddreg [dreg:$0x15]  }
0x7b: {  	[tilespmem:s25], [sflag:$0x4] =	stream.indirect.gather [hbm4b:s1+s31], $0x80, s24, s31, $0xb8;
	[tilespmem:$0x1D100] =	vst v63  }
0x7c: {  	s28 =	simm.s32 $0xA0;
	s18 =	rddreg [dreg:$0x14]  }
0x7d: {  	[tilespmem:s8], [sflag:$0x5] =	stream.linear.gather [hbm4b:s26+s6], $0x28, $0x38;
	[tilespmem:$0x1D100] =	vst v63  }
0x7e: {  	s3 =	simm.s32 $0x0;
	s19 =	simm.s32 $0x0;
	s20 =	rddreg [dreg:$0x13]  }
0x7f: {  	[tilespmem:s9], [sflag:$0x5] =	stream.indirect.gather [hbm4b:s1+s31], $0x80, s28, s31, $0xb8;
	[tilespmem:$0x1D100] =	vst v63  }
.LBB2_2:
0x80: {  	_ =	swait.ge [sflag:s11], $0x28  }
0x81: {  	[sflag:s11] =	ssyncset.done $0x0  }
0x82: {  	[sflag:s11] =	ssyncadd.s32 $0xFFFFFFD8  }
0x83: {  	_ =	swait.ge [sflag:s11], $0x1400  }
0x84: {  	[sflag:s11] =	ssyncset.done $0x0  }
0x85: {  	s2 =	simm.s32 $0x2A00;
	p0 =	seq.s32 s19, $0x9920;
	[sflag:s11] =	ssyncadd.s32 $0xFFFFEC00  }
0x86: {  	[spmem:s4] =	stream.indirect.scatter.add.f32 [tilespmem:s2], [sflag:$0x6], $0x80, s30, s31, $0xb8;
	[tilespmem:$0x1D100] =	vst v63  }
0x87: {  	s14 =	simm.s32 @p0 $0x2  }
0x88: {  	[spmem:s5] =	stream.indirect.scatter.add.f32 [tilespmem:s29], [sflag:$0xB], $0x1, s30, s31, $0xb8;
	[tilespmem:$0x1D100] =	vst v63  }
0x89: {  	_ =	swait.ge @p0 [sflag:s14], $0x28  }
0x8a: {  	[sflag:s14] =	ssyncset.done @p0 $0x0  }
0x8b: {  	[sflag:s14] =	ssyncadd.s32 @p0 $0xFFFFFFD8  }
0x8c: {  	_ =	swait.ge @p0 [sflag:s14], $0x1400  }
0x8d: {  	s25 =	simm.s32 @p0 $0x28;
	[sflag:s14] =	ssyncset.done @p0 $0x0  }
0x8e: {  	s21 =	simm.s32 @p0 $0x3E00;
	[sflag:s14] =	ssyncadd.s32 @p0 $0xFFFFEC00;
	s14 =	simm.s32 @p0 $0x2800  }
0x8f: {  	[spmem:s4] =	stream.indirect.scatter.add.f32 @p0 [tilespmem:s21], [sflag:$0x7], $0x80, s14, s25, $0xb8;
	[tilespmem:$0x1D100] =	vst v63  }
0x90: {  	s10 =	simm.s32 @p0 $0x8E00  }
0x91: {  	[spmem:s5] =	stream.indirect.scatter.add.f32 @p0 [tilespmem:s10], [sflag:$0xC], $0x1, s14, s25, $0xb8;
	[tilespmem:$0x1D100] =	vst v63  }
0x92: {  	s14 =	simm.s32 @!p0 $0x6  }
0x93: {  	_ =	swait.ge @!p0 [sflag:s14], $0x1400  }
0x94: {  	[sflag:s14] =	ssyncset.done @!p0 $0x0  }
0x95: {  	[sflag:s14] =	ssyncadd.s32 @!p0 $0xFFFFEC00;
	s14 =	simm.s32 @!p0 $0xB  }
0x96: {  	_ =	swait.ge @!p0 [sflag:s14], $0x28  }
0x97: {  	[sflag:s14] =	ssyncset.done @!p0 $0x0  }
0x98: {  	[sflag:s14] =	ssyncadd.s32 @!p0 $0xFFFFFFD8;
	s14 =	sshrl.u32 @!p0 s15, $0x3  }
0x99: {  	s24 =	simm.s32 @!p0 $0x2780;
	s21 =	simm.s32 @!p0 $0x0;
	s14 =	sadd.s32 @!p0 s7, s14  }
0x9a: {  	[tilespmem:s24], [sflag:$0x1] =	stream.linear.gather @!p0 [hbm4b:s14+s21], $0x28, $0x38;
	[tilespmem:$0x1D100] =	vst v63  }
0x9b: {  	s14 =	sshra.s32 @!p0 s19, $0x2  }
0x9c: {  	s28 =	simm.s32 @!p0 $0x2A00;
	s24 =	simm.s32 @!p0 $0x28;
	s26 =	sadd.s32 @!p0 $0xC8, s14  }
0x9d: {  	[tilespmem:s28], [sflag:$0x1] =	stream.indirect.gather @!p0 [hbm4b:s1+s24], $0x80, s26, s24, $0xb8;
	[tilespmem:$0x1D100] =	vst v63  }
0x9e: {  	s26 =	simm.s32 @!p0 $0x2  }
0x9f: {  	_ =	swait.ge @!p0 [sflag:s26], $0x28  }
0xa0: {  	[sflag:s26] =	ssyncset.done @!p0 $0x0  }
0xa1: {  	[sflag:s26] =	ssyncadd.s32 @!p0 $0xFFFFFFD8  }
0xa2: {  	_ =	swait.ge @!p0 [sflag:s26], $0x1400  }
0xa3: {  	[sflag:s26] =	ssyncset.done @!p0 $0x0  }
0xa4: {  	s28 =	simm.s32 @!p0 $0x3E00;
	[sflag:s26] =	ssyncadd.s32 @!p0 $0xFFFFEC00;
	s26 =	simm.s32 @!p0 $0x2800  }
0xa5: {  	[spmem:s4] =	stream.indirect.scatter.add.f32 @!p0 [tilespmem:s28], [sflag:$0x7], $0x80, s26, s24, $0xb8;
	[tilespmem:$0x1D100] =	vst v63  }
0xa6: {  	s6 =	simm.s32 @!p0 $0x8E00;
	s2 =	simm.s32 @!p0 $0x7  }
0xa7: {  	[spmem:s5] =	stream.indirect.scatter.add.f32 @!p0 [tilespmem:s6], [sflag:$0xC], $0x1, s26, s24, $0xb8;
	[tilespmem:$0x1D100] =	vst v63  }
0xa8: {  	_ =	swait.ge @!p0 [sflag:s2], $0x1400  }
0xa9: {  	[sflag:s2] =	ssyncset.done @!p0 $0x0  }
0xaa: {  	[sflag:s2] =	ssyncadd.s32 @!p0 $0xFFFFEC00;
	s2 =	simm.s32 @!p0 $0xC  }
0xab: {  	_ =	swait.ge @!p0 [sflag:s2], $0x28  }
0xac: {  	[sflag:s2] =	ssyncset.done @!p0 $0x0  }
0xad: {  	[sflag:s2] =	ssyncadd.s32 @!p0 $0xFFFFFFD8  }
0xae: {  	[tilespmem:s26], [sflag:$0x2] =	stream.linear.gather @!p0 [hbm4b:s16+s21], $0x28, $0x38;
	[tilespmem:$0x1D100] =	vst v63  }
0xaf: {  	s2 =	sadd.s32 @!p0 $0xF0, s14  }
0xb0: {  	[tilespmem:s28], [sflag:$0x2] =	stream.indirect.gather @!p0 [hbm4b:s1+s24], $0x80, s2, s24, $0xb8;
	[tilespmem:$0x1D100] =	vst v63  }
0xb1: {  	_ =	swait.ge [sflag:s12], $0x28  }
0xb2: {  	[sflag:s12] =	ssyncset.done $0x0  }
0xb3: {  	[sflag:s12] =	ssyncadd.s32 $0xFFFFFFD8  }
0xb4: {  	_ =	swait.ge [sflag:s12], $0x1400  }
0xb5: {  	[sflag:s12] =	ssyncset.done $0x0  }
0xb6: {  	s28 =	simm.s32 $0x5200;
	[sflag:s12] =	ssyncadd.s32 $0xFFFFEC00  }
0xb7: {  	[spmem:s4] =	stream.indirect.scatter.add.f32 [tilespmem:s28], [sflag:$0x8], $0x80, s0, s31, $0xb8;
	[tilespmem:$0x1D100] =	vst v63  }
0xb8: {  	s2 =	simm.s32 @p0 $0x4  }
0xb9: {  	[spmem:s5] =	stream.indirect.scatter.add.f32 [tilespmem:s29], [sflag:$0xD], $0x1, s0, s31, $0xb8;
	[tilespmem:$0x1D100] =	vst v63  }
0xba: {  	_ =	swait.ge @p0 [sflag:s2], $0x28  }
0xbb: {  	[sflag:s2] =	ssyncset.done @p0 $0x0  }
0xbc: {  	[sflag:s2] =	ssyncadd.s32 @p0 $0xFFFFFFD8  }
0xbd: {  	_ =	swait.ge @p0 [sflag:s2], $0x1400  }
0xbe: {  	[sflag:s2] =	ssyncset.done @p0 $0x0  }
0xbf: {  	s26 =	simm.s32 @p0 $0x6600;
	[sflag:s2] =	ssyncadd.s32 @p0 $0xFFFFEC00;
	s2 =	simm.s32 @p0 $0x2900  }
0xc0: {  	[spmem:s4] =	stream.indirect.scatter.add.f32 @p0 [tilespmem:s26], [sflag:$0x9], $0x80, s2, s25, $0xb8;
	[tilespmem:$0x1D100] =	vst v63  }
0xc1: {  	_ = 	snop  }
0xc2: {  	[spmem:s5] =	stream.indirect.scatter.add.f32 @p0 [tilespmem:s10], [sflag:$0xE], $0x1, s2, s25, $0xb8;
	[tilespmem:$0x1D100] =	vst v63  }
0xc3: {  	s2 =	simm.s32 @!p0 $0x8  }
0xc4: {  	_ =	swait.ge @!p0 [sflag:s2], $0x1400  }
0xc5: {  	[sflag:s2] =	ssyncset.done @!p0 $0x0  }
0xc6: {  	[sflag:s2] =	ssyncadd.s32 @!p0 $0xFFFFEC00;
	s2 =	simm.s32 @!p0 $0xD  }
0xc7: {  	_ =	swait.ge @!p0 [sflag:s2], $0x28  }
0xc8: {  	[sflag:s2] =	ssyncset.done @!p0 $0x0  }
0xc9: {  	[sflag:s2] =	ssyncadd.s32 @!p0 $0xFFFFFFD8;
	s2 =	simm.s32 @!p0 $0x2880  }
0xca: {  	[tilespmem:s2], [sflag:$0x3] =	stream.linear.gather @!p0 [hbm4b:s17+s21], $0x28, $0x38;
	[tilespmem:$0x1D100] =	vst v63  }
0xcb: {  	s10 =	simm.s32 @!p0 $0x5200;
	s2 =	sadd.s32 @!p0 $0x118, s14  }
0xcc: {  	[tilespmem:s10], [sflag:$0x3] =	stream.indirect.gather @!p0 [hbm4b:s1+s24], $0x80, s2, s24, $0xb8;
	[tilespmem:$0x1D100] =	vst v63  }
0xcd: {  	s2 =	simm.s32 @!p0 $0x4  }
0xce: {  	_ =	swait.ge @!p0 [sflag:s2], $0x28  }
0xcf: {  	[sflag:s2] =	ssyncset.done @!p0 $0x0  }
0xd0: {  	[sflag:s2] =	ssyncadd.s32 @!p0 $0xFFFFFFD8  }
0xd1: {  	_ =	swait.ge @!p0 [sflag:s2], $0x1400  }
0xd2: {  	[sflag:s2] =	ssyncset.done @!p0 $0x0  }
0xd3: {  	s10 =	simm.s32 @!p0 $0x6600;
	[sflag:s2] =	ssyncadd.s32 @!p0 $0xFFFFEC00;
	s2 =	simm.s32 @!p0 $0x2900  }
0xd4: {  	[spmem:s4] =	stream.indirect.scatter.add.f32 @!p0 [tilespmem:s10], [sflag:$0x9], $0x80, s2, s24, $0xb8;
	[tilespmem:$0x1D100] =	vst v63  }
0xd5: {  	_ = 	snop  }
0xd6: {  	[spmem:s5] =	stream.indirect.scatter.add.f32 @!p0 [tilespmem:s6], [sflag:$0xE], $0x1, s2, s24, $0xb8;
	[tilespmem:$0x1D100] =	vst v63  }
0xd7: {  	s6 =	simm.s32 @!p0 $0x9  }
0xd8: {  	_ =	swait.ge @!p0 [sflag:s6], $0x1400  }
0xd9: {  	[sflag:s6] =	ssyncset.done @!p0 $0x0  }
0xda: {  	[sflag:s6] =	ssyncadd.s32 @!p0 $0xFFFFEC00;
	s6 =	simm.s32 @!p0 $0xE  }
0xdb: {  	_ =	swait.ge @!p0 [sflag:s6], $0x28  }
0xdc: {  	[sflag:s6] =	ssyncset.done @!p0 $0x0  }
0xdd: {  	[sflag:s6] =	ssyncadd.s32 @!p0 $0xFFFFFFD8  }
0xde: {  	[tilespmem:s2], [sflag:$0x4] =	stream.linear.gather @!p0 [hbm4b:s18+s21], $0x28, $0x38;
	[tilespmem:$0x1D100] =	vst v63  }
0xdf: {  	s2 =	sadd.s32 @!p0 $0x140, s14  }
0xe0: {  	[tilespmem:s10], [sflag:$0x4] =	stream.indirect.gather @!p0 [hbm4b:s1+s24], $0x80, s2, s24, $0xb8;
	[tilespmem:$0x1D100] =	vst v63  }
0xe1: {  	_ =	swait.ge [sflag:s13], $0x28  }
0xe2: {  	[sflag:s13] =	ssyncset.done $0x0  }
0xe3: {  	[sflag:s13] =	ssyncadd.s32 $0xFFFFFFD8  }
0xe4: {  	_ =	swait.ge [sflag:s13], $0x1400  }
.Ltmp2:
0xe5: {  	[sflag:s13] =	ssyncset.done $0x0;
	(pc) =	sbr.rel @p0 .LBB2_4-.Ltmp2, $4  }
0xe6: {  	[sflag:s13] =	ssyncadd.s32 $0xFFFFEC00  }
0xe7: {  	[spmem:s4] =	stream.indirect.scatter.add.f32 [tilespmem:s9], [sflag:$0xA], $0x80, s8, s31, $0xb8;
	[tilespmem:$0x1D100] =	vst v63  }
0xe8: {  	_ = 	snop  }
0xe9: {  	[spmem:s5] =	stream.indirect.scatter.add.f32 [tilespmem:s29], [sflag:$0xF], $0x1, s8, s31, $0xb8;
	[tilespmem:$0x1D100] =	vst v63  }
0xea: {  	_ =	swait.ge [sflag:s22], $0x1400  }
0xeb: {  	[sflag:s22] =	ssyncset.done $0x0  }
0xec: {  	[sflag:s22] =	ssyncadd.s32 $0xFFFFEC00  }
0xed: {  	s2 =	sshra.s32 s19, $0x2;
	s19 =	sadd.s32 $0x320, s19;
	_ =	swait.ge [sflag:s23], $0x28  }
.Ltmp3:
0xee: {  	s18 =	sadd.s32 $0x19, s18;
	[sflag:s23] =	ssyncset.done $0x0;
	(pc) =	sbr.rel .LBB2_2-.Ltmp3, $4  }
0xef: {  	s17 =	sadd.s32 $0x19, s17;
	s16 =	sadd.s32 $0x19, s16;
	[sflag:s23] =	ssyncadd.s32 $0xFFFFFFD8  }
0xf0: {  	[tilespmem:s8], [sflag:$0x5] =	stream.linear.gather [hbm4b:s20+s3], $0x28, $0x38;
	[tilespmem:$0x1D100] =	vst v63  }
0xf1: {  	s15 =	sadd.s32 $0xC8, s15;
	s2 =	sadd.s32 $0x168, s2;
	s20 =	sadd.s32 $0x19, s20  }
0xf2: {  	[tilespmem:s9], [sflag:$0x5] =	stream.indirect.gather [hbm4b:s1+s31], $0x80, s2, s31, $0xb8;
	[tilespmem:$0x1D100] =	vst v63  }
.LBB2_5:
0xf3: {  	_ =	sfence.sel $0x180000  }
0xf4: {  	[bflag:$0x0] =	sbarrier.arrive $0xFFFF  }
0xf5: {  	_ =	strace $0x90000047  }
0xf6: {  	s0 =	stileid.u32;
	[bflag:$0x2] =	sbarrier.arrive $0xFFFF  }
0xf7: {  	p0 =	sne.s32 s0, $0x0;
	s0 =	rddreg [dreg:$0x5]  }
0xf8: {  	s0 =	sadd.s32 @!p0 $0x100000, s0  }
0xf9: {  	[sflag:s0] =	ssyncadd.tile.s32 @!p0 $0x1;
	_ =	shalt  }
.Lfunc_end2:
_tile_overlayer_lowered:
.L_overlay_start_2:
0xfa: {  	(tag) =	ssettag $0x2  }
0xfb: {  	s0 =	rddreg [dreg:$0x0];
	s2 =	stileid.u32  }
0xfc: {  	s1 =	rddreg [dreg:$0x1];
	p0 =	sne.s32 s2, $0x0  }
0xfd: {  	s3 =	rddreg [dreg:$0x2];
	[bflag:$0x3] =	sbarrier.arrive $0xFFFF;
	s2 =	simm.s32 @!p0 $0x1C10  }
0xfe: {  	[timem:s3], [sflag:s2] =	dma.local @!p0 [hbm:s0], s1  }
0xff: {  	s0 =	simm.s32 @!p0 $0x10  }
0x100: {  	_ =	swait.ge @!p0 [sflag:s0], s1  }
0x101: {  	s1 =	ssub.s32 @!p0 $0x0, s1;
	[sflag:s0] =	ssyncset.done @!p0 $0x0  }
0x102: {  	[sflag:s0] =	ssyncadd.s32 @!p0 s1  }
0x103: {  	[bflag:$0x3] =	sbarrier.arrive $0xFFFF  }
0x104: {  	_ =	shalt  }

// kernel: kernel.9.cloned.1.call-start
scs
__scs_entry_jumppad:
0x0: {  	(pc) =	sbr.rel $0x88, $3  }
0x1: {  	(tag) =	ssettag $0x0;
	lr =	simm.s32 $0x1  }
0x2: {  	[smem:$0x3F96] =	sst lr;
	_ =	strace $0xD0000000  }
0x3: {  	_ = 	snop  }
0x4: {  	_ = 	snop  }
0x5: {  	_ = 	snop  }
0x6: {  	_ = 	snop  }
0x7: {  	_ = 	snop  }
__scs_overlays_trampoline_lowered:
0x8: {  	[smem:$0x3FA5] =	sst s0  }
0x9: {  	[smem:$0x3FA6] =	sst s1  }
0xa: {  	[smem:$0x3FA7] =	sst s2  }
0xb: {  	[smem:$0x3FA8] =	sst s3  }
0xc: {  	[smem:$0x3FA9] =	sst s4  }
0xd: {  	[smem:$0x3FAA] =	sst s5  }
0xe: {  	[smem:$0x3FAB] =	sst s6  }
0xf: {  	[smem:$0x3FAC] =	sst s7  }
0x10: {  	[smem:$0x3FAD] =	sst s8  }
0x11: {  	[smem:$0x3FAE] =	sst s9;
	s0 =	simm.s32 @!p0 $0x0  }
0x12: {  	s1 =	sld [smem:$0x3F94];
	s0 =	simm.s32 @p0 $0x1  }
0x13: {  	[smem:$0x3FAF] =	sst s0;
	s0 =	simm.s32 @!p1 $0x0  }
0x14: {  	s2 =	sld [smem:$0x3F93];
	s0 =	simm.s32 @p1 $0x1  }
0x15: {  	[smem:$0x3FB0] =	sst s0;
	s0 =	simm.s32 @!p2 $0x0  }
0x16: {  	s3 =	sld [smem:$0x3FDB];
	s0 =	simm.s32 @p2 $0x1  }
0x17: {  	s4 =	simm.s32 $0x1BF5;
	[smem:$0x3FB2] =	sst s0  }
0x18: {  	s0 =	sld [smem:$0x3F95];
	_ =	swait.ge [sflag:s4], $0x0  }
0x19: {  	s7 =	sld [smem:$0x3F96]  }
0x1a: {  	s8 =	sadd.s32 $0xFFFFE003, lr  }
0x1b: {  	s9 =	sadd.s32 $0xFFFFFEF7, lr;
	s5 =	simm.s32 $0xFFFFFFFF;
	p2 =	slt.u32 s8, $0xFFFFF086  }
0x1c: {  	p1 =	slt.u32 s9, $0xF7A;
	s5 =	simm.s32 @!p2 $0x0  }
0x1d: {  	s5 =	simm.s32 @p1 $0x1;
	p0 =	seq.s32 s7, s2  }
0x1e: {  	s7 =	smul.u32 @!p0 $0xF7A, s2;
	p2 =	seq.s32 @!p0 s5, $0x0  }
0x1f: {  	s9 =	smul.u32 $0xF7A, s1;
	s8 =	simm.s32 @!p0 $0x1BF5;
	p2 =	por !p2, p0  }
0x20: {  	[sflag:s8] =	ssyncset.s32 @!p0 $0xFFFFF086;
	s6 =	sadd.s32 @!p0 s3, s7;
	s7 =	simm.s32 @!p0 $0x108  }
0x21: {  	s3 =	sadd.s32 s3, s9;
	s6 =	sadd.s32 @!p0 $0x88, s6;
	s7 =	simm.s32 @p2 $0x1082  }
0x22: {  	[simem:s7], [sflag:s8] =	dma.local @!p0 [hbm:s6], $0xF7A  }
0x23: {  	s9 =	sor.u32 $0xD0000000, s2;
	s6 =	simm.s32 $0x108;
	_ =	swait.ge @!p0 [sflag:s8], $0x0  }
0x24: {  	s3 =	sadd.s32 $0x88, s3;
	s6 =	simm.s32 @!p1 $0x1082;
	[sflag:s4] =	ssyncset.s32 $0xFFFFF086  }
0x25: {  	[simem:s6], [sflag:s4] =	dma.local [hbm:s3], $0xF7A  }
0x26: {  	[smem:$0x3F96] =	sst s1;
	(tag) =	ssettag s2;
	_ =	strace s9  }
0x27: {  	s1 =	sld [smem:$0x3FA6]  }
0x28: {  	s2 =	sld [smem:$0x3FA7]  }
0x29: {  	s4 =	sld [smem:$0x3FA9]  }
0x2a: {  	p0 =	seq.s32 s5, $0x0;
	s5 =	sld [smem:$0x3FAA]  }
0x2b: {  	s6 =	sld [smem:$0x3FAB]  }
0x2c: {  	s7 =	sld [smem:$0x3FAC]  }
0x2d: {  	s3 =	simm.s32 $0x108;
	s8 =	sld [smem:$0x3FAD]  }
0x2e: {  	s3 =	simm.s32 @!p0 $0x1082;
	s9 =	sld [smem:$0x3FAE]  }
0x2f: {  	lr =	sadd.s32 s0, s3;
	s0 =	sld [smem:$0x3FA5]  }
0x30: {  	s3 =	sld [smem:$0x3FA8]  }
0x31: {  	[smem:$0x3FB1] =	sst s10  }
0x32: {  	s10 =	sld [smem:$0x3FAF];
	_ =	sdelay $0x3  }
0x33: {  	p0 =	seq.s32 s10, $0x1;
	s10 =	sld [smem:$0x3FB1];
	_ =	sdelay $0x3  }
0x34: {  	[smem:$0x3FB1] =	sst s10  }
0x35: {  	s10 =	sld [smem:$0x3FB0];
	_ =	sdelay $0x3  }
0x36: {  	p1 =	seq.s32 s10, $0x1;
	s10 =	sld [smem:$0x3FB1];
	_ =	sdelay $0x3  }
0x37: {  	[smem:$0x3FB1] =	sst s10  }
0x38: {  	s10 =	sld [smem:$0x3FB2]  }
0x39: {  	_ = 	snop;
	(pc) =	sbr.ind lr, $3  }
0x3a: {  	_ = 	snop  }
0x3b: {  	_ = 	snop  }
0x3c: {  	p2 =	seq.s32 s10, $0x1;
	s10 =	sld [smem:$0x3FB1]  }
0x3d: {  	_ =	shalt  }
0x3e: {  	_ =	shalt  }
0x3f: {  	_ =	shalt  }
0x40: {  	_ =	shalt  }
0x41: {  	_ =	shalt  }
0x42: {  	_ =	shalt  }
0x43: {  	_ =	shalt  }
0x44: {  	_ =	shalt  }
0x45: {  	_ =	shalt  }
0x46: {  	_ =	shalt  }
0x47: {  	_ =	shalt  }
0x48: {  	_ =	shalt  }
0x49: {  	_ =	shalt  }
0x4a: {  	_ =	shalt  }
0x4b: {  	_ =	shalt  }
0x4c: {  	_ =	shalt  }
0x4d: {  	_ =	shalt  }
0x4e: {  	_ =	shalt  }
0x4f: {  	_ =	shalt  }
0x50: {  	_ =	shalt  }
0x51: {  	_ =	shalt  }
0x52: {  	_ =	shalt  }
0x53: {  	_ =	shalt  }
0x54: {  	_ =	shalt  }
0x55: {  	_ =	shalt  }
0x56: {  	_ =	shalt  }
0x57: {  	_ =	shalt  }
0x58: {  	_ =	shalt  }
0x59: {  	_ =	shalt  }
0x5a: {  	_ =	shalt  }
0x5b: {  	_ =	shalt  }
0x5c: {  	_ =	shalt  }
0x5d: {  	_ =	shalt  }
0x5e: {  	_ =	shalt  }
0x5f: {  	_ =	shalt  }
0x60: {  	_ =	shalt  }
0x61: {  	_ =	shalt  }
0x62: {  	_ =	shalt  }
0x63: {  	_ =	shalt  }
0x64: {  	_ =	shalt  }
0x65: {  	_ =	shalt  }
0x66: {  	_ =	shalt  }
0x67: {  	_ =	shalt  }
0x68: {  	_ =	shalt  }
0x69: {  	_ =	shalt  }
0x6a: {  	_ =	shalt  }
0x6b: {  	_ =	shalt  }
0x6c: {  	_ =	shalt  }
0x6d: {  	_ =	shalt  }
0x6e: {  	_ =	shalt  }
0x6f: {  	_ =	shalt  }
0x70: {  	_ =	shalt  }
0x71: {  	_ =	shalt  }
0x72: {  	_ =	shalt  }
0x73: {  	_ =	shalt  }
0x74: {  	_ =	shalt  }
0x75: {  	_ =	shalt  }
0x76: {  	_ =	shalt  }
0x77: {  	_ =	shalt  }
0x78: {  	_ =	shalt  }
0x79: {  	_ =	shalt  }
0x7a: {  	_ =	shalt  }
0x7b: {  	_ =	shalt  }
0x7c: {  	_ =	shalt  }
0x7d: {  	_ =	shalt  }
0x7e: {  	_ =	shalt  }
0x7f: {  	_ =	shalt  }
0x80: {  	_ =	shalt  }
0x81: {  	_ =	shalt  }
0x82: {  	_ =	shalt  }
0x83: {  	_ =	shalt  }
0x84: {  	_ =	shalt  }
0x85: {  	_ =	shalt  }
0x86: {  	_ =	shalt  }
0x87: {  	_ =	shalt  }
.Lfunc_end0:
.L_simem_size_0:
called_computation.1_lowered:
.L_overlay_start_0:
0x88: {  	s2 =	sld [smem:$0x3FD9]  }
0x89: {  	s3 =	sld [smem:$0x3FFE];
	_ =	sdelay $0x1  }
0x8a: {  	s1 =	srdreg.scid  }
0x8b: {  	s0 =	sand.u32 $0x1, s1  }
0x8c: {  	s16 =	sshll.u32 s0, $0xA;
	s2 =	sadd.s32 s3, s2  }
0x8d: {  	s2 =	sadd.s32 s2, s16  }
0x8e: {  	[smem:$0x3FBD] =	sst s2  }
0x8f: {  	_ = 	snop  }
0x90: {  	(tm) =	ssettm $0x1  }
0x91: {  	s17 =	sld [smem:$0x3FFB];
	_ =	sdelay $0x3  }
0x92: {  	_ =	strace s17  }
0x93: {  	s2 =	sld [smem:$0x3FFC];
	_ =	sdelay $0x3  }
0x94: {  	_ =	strace s2  }
0x95: {  	s2 =	sld [smem:$0x3FFD];
	_ =	sdelay $0x3  }
0x96: {  	_ =	strace s2  }
0x97: {  	_ =	strace $0x8FFFFFFF  }
0x98: {  	s18 =	sld [smem:$0x3FDB];
	_ =	sdelay $0x1  }
0x99: {  	s19 =	simm.s32 $_scs_section_size  }
0x9a: {  	s4 =	simm.s32 $_size__tile_overlayer_lowered;
	s5 =	simm.s32 $_tile_overlayer_lowered  }
0x9b: {  	s22 =	simm.s32 $0x1BFF;
	s21 =	sshll.u32 s5, $0x1;
	s2 =	sadd.s32 s19, s18  }
0x9c: {  	s6 =	simm.s32 $0x0;
	s20 =	sshll.u32 s4, $0x1;
	s4 =	sadd.s32 s21, s2  }
0x9d: {  	[timem:s6], [sflag:s22] =	dma.local [hbm:s4], s20  }
0x9e: {  	_ =	swait.ge [sflag:s22], s20  }
0x9f: {  	s3 =	ssub.s32 $0x0, s20;
	[sflag:s22] =	ssyncset.done $0x0  }
0xa0: {  	[sflag:s22] =	ssyncadd.s32 s3;
	_ =	sdelay $0x1  }
0xa1: {  	s23 =	simm.s32 $0x1B8B  }
0xa2: {  	_ =	swait.ge [sflag:s23], $0x1  }
0xa3: {  	[sflag:s23] =	ssyncset.done $0x0  }
0xa4: {  	s25 =	simm.s32 $0x1B8E;
	s24 =	sld [smem:$0x3FFE];
	[sflag:s23] =	ssyncadd.s32 $0xFFFFFFFF  }
0xa5: {  	s26 =	simm.s32 $execute0_lowered;
	[smem:$0x3FD2] =	sst s25  }
0xa6: {  	s4 =	sshll.u32 s26, $0x1;
	_ =	strace $0x80000049;
	[dreg:$0x1] =	wrdreg $0xFFFFFFFF  }
0xa7: {  	s28 =	simm.s32 $_size_execute0_lowered;
	s2 =	sadd.s32 s2, s4;
	[dreg:$0x0] =	wrdreg $0x0  }
0xa8: {  	s4 =	sshll.u32 s28, $0x1;
	[dreg:$0x2] =	wrdreg s2  }
0xa9: {  	[dreg:$0x3] =	wrdreg s4  }
0xaa: {  	[dreg:$0x4] =	wrdreg $0xC0  }
0xab: {  	_ =	task [dreg:s6], $0x5FFFF  }
0xac: {  	[dreg:$0x1] =	wrdreg $0xFFFFFFFF  }
0xad: {  	[dreg:$0x0] =	wrdreg $0x60  }
0xae: {  	[dreg:$0x2] =	wrdreg s24  }
0xaf: {  	[dreg:$0x3] =	wrdreg $0x8E000  }
0xb0: {  	[dreg:$0x4] =	wrdreg $0x9  }
0xb1: {  	_ =	task.clear_ibuf [dreg:s6], $0x5FFFF;
	_ =	strace $0x90000049  }
0xb2: {  	s29 =	simm.s32 $0x9;
	_ =	strace $0x8000004B  }
0xb3: {  	_ =	swait.ge [sflag:s29], $0x1  }
0xb4: {  	[sflag:s29] =	ssyncadd.s32 $0xFFFFFFFF  }
0xb5: {  	_ =	strace $0x9000004B  }
0xb6: {  	_ =	sfence  }
0xb7: {  	s30 =	sld [smem:$0x0];
	_ =	sdelay $0x2  }
0xb8: {  	s31 =	sshll.u32 s1, $0xD;
	s1 =	sshrl.u32 s1, $0x2  }
0xb9: {  	s3 =	sand.u32 $0x4000, s31;
	s1 =	sadd.s32 s1, s30  }
0xba: {  	s0 =	sor.u32 s3, s0;
	s1 =	sshll.u32 s1, $0x11  }
0xbb: {  	s0 =	sor.u32 s1, s0  }
0xbc: {  	s0 =	sadd.s32 $0x8F2B, s0  }
0xbd: {  	[sflag:s0] =	ssyncadd.remote.s32 $0x1  }
0xbe: {  	_ =	sfence.sel $0xFFFF  }
0xbf: {  	[dreg:$0x0] =	wrdreg $0xFFFFFFFF;
	(pc) =	sbr.abs _section_cstart, $3  }
0xc0: {  	[dreg:$0x1] =	wrdreg $0xFFFFFFFF  }
0xc1: {  	_ =	task.clear_ibuf [dreg:s6], $0x2FFFF;
	_ =	strace $0x9FFFFFFF  }
0xc2: {  	(tm) =	ssettm $0x7FFFFFFF  }
0xc3: {  	_ =	shalt  }
tec
execute0_lowered:
.L_overlay_start_1:
0x0: {  	(tag) =	ssettag $0x1  }
0x1: {  	s0 =	srdreg.scid  }
0x2: {  	s1 =	rddreg [dreg:$0x0];
	s14 =	stileid.u32  }
0x3: {  	s2 =	rddreg [dreg:$0x1];
	s29 =	simm.s32 $0x2880;
	s7 =	smul.u32 $0x2800, s14  }
0x4: {  	s31 =	simm.s32 $0x5200;
	s28 =	simm.s32 $0x2980;
	s12 =	smul.u32 $0x50000, s14  }
0x5: {  	s30 =	simm.s32 $0x5;
	s0 =	sand.u32 $0x1, s0;
	s16 =	smul.u32 $0x2710, s14  }
0x6: {  	s5 =	sadd.s32 $0x2E00, s1;
	s3 =	sshll.u32 s0, $0x4;
	s10 =	smul.u32 $0x28000, s0  }
0x7: {  	s11 =	ssub.s32 $0x2, s0;
	s0 =	smul.u32 $0x27100, s0;
	s4 =	sor.u32 s14, s3  }
0x8: {  	s3 =	simm.s32 $0x0;
	s13 =	sadd.s32 s7, s1;
	s24 =	sshrl.u32 s11, $0x1  }
0x9: {  	s25 =	sshrl.u32 s12, $0x2;
	s12 =	sshll.u32 s14, $0x6;
	s6 =	smul.u32 $0x2710, s4  }
0xa: {  	[smem:$0x7FF] =	sst s3;
	s4 =	sadd.s32 $0x3F000, s1;
	s7 =	sadd.s32 s7, s10  }
0xb: {  	s10 =	ssub.s32 s11, s24;
	s11 =	sadd.s32 s25, s2;
	s26 =	sadd.s32 $0x16A00, s13  }
0xc: {  	s0 =	sadd.s32 s16, s0;
	_ =	strace $0x8000004A;
	[dreg:$0x3] =	wrdreg s26  }
0xd: {  	s19 =	sadd.s32 $0x168, s0;
	s20 =	smax.u32 s10, $0x1;
	s22 =	sadd.s32 $0x140, s0  }
0xe: {  	s23 =	sadd.s32 $0x118, s0;
	s24 =	sadd.s32 $0xF0, s0;
	s0 =	sadd.s32 $0xC8, s0  }
0xf: {  	s8 =	sshrl.u32 s6, $0x3;
	s13 =	sadd.s32 $0x28, s6;
	s6 =	sadd.s32 $0x78, s6  }
0x10: {  	[dreg:$0xb] =	wrdreg s20;
	s21 =	sshrl.u32 s19, $0x3;
	s26 =	sshrl.u32 s24, $0x3  }
0x11: {  	[dreg:$0x10] =	wrdreg s0;
	s24 =	simm.s32 $0x28;
	s0 =	simm.s32 $0x1  }
0x12: {  	s9 =	sadd.s32 s8, s1;
	s1 =	sadd.s32 s7, s1;
	s8 =	sadd.s32 s5, s8  }
0x13: {  	s7 =	sor.u32 $0x1C0B, s12;
	s9 =	sadd.s32 $0xCC00, s9;
	[dreg:$0x5] =	wrdreg s8  }
0x14: {  	s6 =	sshrl.u32 s6, $0x3;
	s17 =	sadd.s32 $0xA, s8;
	[dreg:$0x4] =	wrdreg s9  }
0x15: {  	s15 =	sshrl.u32 s13, $0x3;
	s6 =	sadd.s32 s5, s6;
	[dreg:$0x7] =	wrdreg s17  }
0x16: {  	s12 =	simm.s32 $0xA;
	s18 =	sadd.s32 $0x14, s8;
	[dreg:$0x8] =	wrdreg s6  }
0x17: {  	s13 =	simm.s32 $0x0;
	s1 =	sadd.s32 $0x66200, s1;
	[dreg:$0x9] =	wrdreg s18  }
0x18: {  	s8 =	sshrl.u32 s11, $0x3;
	s9 =	sadd.s32 s5, s15;
	[dreg:$0xa] =	wrdreg s1  }
0x19: {  	s1 =	sadd.s32 s21, s5;
	s6 =	sshrl.u32 s23, $0x3;
	[dreg:$0x11] =	wrdreg s8  }
.Ltmp0:
0x1a: {  	s23 =	simm.s32 $0x2780;
	[dreg:$0x6] =	wrdreg s9;
	(pc) =	sbr.rel .LBB2_1-.Ltmp0, $4  }
0x1b: {  	[dreg:$0xc] =	wrdreg s1;
	s1 =	sshrl.u32 s22, $0x3;
	s25 =	sadd.s32 s6, s5  }
0x1c: {  	s22 =	simm.s32 $0xB;
	s1 =	sadd.s32 s1, s5;
	[dreg:$0xe] =	wrdreg s25  }
0x1d: {  	s25 =	simm.s32 $0x2A00;
	[dreg:$0xd] =	wrdreg s1;
	s1 =	sadd.s32 s26, s5  }
0x1e: {  	s26 =	simm.s32 $0x3;
	[dreg:$0xf] =	wrdreg s1;
	s1 =	simm.s32 $0x7A00  }
.LBB2_4:
0x1f: {  	s6 =	simm.s32 $0x6  }
0x20: {  	_ =	swait.ge [sflag:s6], $0x1400  }
0x21: {  	[sflag:s6] =	ssyncset.done $0x0  }
0x22: {  	s17 =	simm.s32 $0x7;
	[sflag:s6] =	ssyncadd.s32 $0xFFFFEC00  }
0x23: {  	_ =	swait.ge [sflag:s17], $0x1400  }
0x24: {  	[sflag:s17] =	ssyncset.done $0x0  }
0x25: {  	s18 =	simm.s32 $0x8;
	[sflag:s17] =	ssyncadd.s32 $0xFFFFEC00  }
0x26: {  	_ =	swait.ge [sflag:s18], $0x1400  }
0x27: {  	[sflag:s18] =	ssyncset.done $0x0  }
0x28: {  	s19 =	simm.s32 $0x9;
	[sflag:s18] =	ssyncadd.s32 $0xFFFFEC00  }
0x29: {  	_ =	swait.ge [sflag:s19], $0x1400  }
0x2a: {  	[sflag:s19] =	ssyncset.done $0x0  }
0x2b: {  	[sflag:s19] =	ssyncadd.s32 $0xFFFFEC00  }
0x2c: {  	_ =	swait.ge [sflag:s12], $0x1400  }
0x2d: {  	[sflag:s12] =	ssyncset.done $0x0  }
0x2e: {  	[sflag:s12] =	ssyncadd.s32 $0xFFFFEC00  }
0x2f: {  	[bflag:$0x0] =	sbarrier.arrive $0xFFFF  }
0x30: {  	s20 =	rddreg [dreg:$0xa]  }
0x31: {  	s8 =	rddreg [dreg:$0x11]  }
0x32: {  	[hbm:s20], [sflag:s21] =	dma.local [spmem:s8], $0x2800  }
0x33: {  	_ =	swait.ge [sflag:s22], $0x2800  }
0x34: {  	s7 =	smov.u32 s21;
	s13 =	sadd.s32 $0x1, s13;
	s21 =	rddreg [dreg:$0xb]  }
0x35: {  	p0 =	sne.s32 s13, s21  }
.Ltmp1:
0x36: {  	_ = 	snop;
	(pc) =	sbr.rel @!p0 .LBB2_5-.Ltmp1, $3  }
0x37: {  	_ =	sdelay $0x1  }
0x38: {  	[sflag:s22] =	ssyncset.done $0x0  }
0x39: {  	[sflag:s22] =	ssyncadd.s32 $0xFFFFD800  }
.LBB2_1:
0x3a: {  	s6 =	rddreg [dreg:$0x3]  }
0x3b: {  	[spmem:s8], [sflag:s7] =	dma.local [hbm:s6], $0x2800  }
0x3c: {  	_ =	swait.ge [sflag:s22], $0x2800  }
0x3d: {  	[sflag:s22] =	ssyncset.done $0x0  }
0x3e: {  	s20 =	rddreg [dreg:$0x4];
	[sflag:s22] =	ssyncadd.s32 $0xFFFFD800  }
0x3f: {  	[tilespmem:s3], [sflag:$0xB] =	stream.linear.gather [hbm4b:s20+s3], $0x2710, $0x38;
	[tilespmem:$0x1CE00] =	vst v63  }
0x40: {  	_ =	swait.ge [sflag:s22], $0x2710  }
0x41: {  	[sflag:s22] =	ssyncset.done $0x0  }
0x42: {  	[sflag:s22] =	ssyncadd.s32 $0xFFFFD8F0  }
0x43: {  	[bflag:$0x0] =	sbarrier.arrive $0xFFFF  }
0x44: {  	s21 =	smov.u32 s7;
	s7 =	rddreg [dreg:$0x5]  }
0x45: {  	[tilespmem:s23], [sflag:$0x1] =	stream.linear.gather [hbm4b:s7+s3], $0x28, $0x38;
	[tilespmem:$0x1CE00] =	vst v63  }
0x46: {  	_ = 	snop  }
0x47: {  	[tilespmem:s25], [sflag:$0x1] =	stream.indirect.gather [hbm4b:s4+s24], $0x80, s3, s24, $0xb8;
	[tilespmem:$0x1CE00] =	vst v63  }
0x48: {  	s9 =	simm.s32 $0x2800;
	s8 =	rddreg [dreg:$0x6]  }
0x49: {  	[tilespmem:s9], [sflag:$0x2] =	stream.linear.gather [hbm4b:s8+s3], $0x28, $0x38;
	[tilespmem:$0x1CE00] =	vst v63  }
0x4a: {  	s10 =	simm.s32 $0x3E00  }
0x4b: {  	[tilespmem:s10], [sflag:$0x2] =	stream.indirect.gather [hbm4b:s4+s24], $0x80, s24, s24, $0xb8;
	[tilespmem:$0x1CE00] =	vst v63  }
0x4c: {  	s11 =	rddreg [dreg:$0x7]  }
0x4d: {  	[tilespmem:s29], [sflag:$0x3] =	stream.linear.gather [hbm4b:s11+s3], $0x28, $0x38;
	[tilespmem:$0x1CE00] =	vst v63  }
0x4e: {  	s14 =	simm.s32 $0x50;
	s15 =	rddreg [dreg:$0x8]  }
0x4f: {  	[tilespmem:s31], [sflag:$0x3] =	stream.indirect.gather [hbm4b:s4+s24], $0x80, s14, s24, $0xb8;
	[tilespmem:$0x1CE00] =	vst v63  }
0x50: {  	s16 =	simm.s32 $0x2900;
	s19 =	rddreg [dreg:$0x9]  }
0x51: {  	[tilespmem:s16], [sflag:$0x4] =	stream.linear.gather [hbm4b:s15+s3], $0x28, $0x38;
	[tilespmem:$0x1CE00] =	vst v63  }
0x52: {  	s17 =	simm.s32 $0x78;
	s18 =	simm.s32 $0x6600;
	s9 =	rddreg [dreg:$0xc]  }
0x53: {  	[tilespmem:s18], [sflag:$0x4] =	stream.indirect.gather [hbm4b:s4+s24], $0x80, s17, s24, $0xb8;
	[tilespmem:$0x1CE00] =	vst v63  }
0x54: {  	s18 =	rddreg [dreg:$0xe]  }
0x55: {  	s17 =	rddreg [dreg:$0xd]  }
0x56: {  	[tilespmem:s28], [sflag:$0x5] =	stream.linear.gather [hbm4b:s19+s3], $0x28, $0x38;
	[tilespmem:$0x1CE00] =	vst v63  }
0x57: {  	s20 =	simm.s32 $0xA0;
	s19 =	rddreg [dreg:$0xf]  }
0x58: {  	[tilespmem:s1], [sflag:$0x5] =	stream.indirect.gather [hbm4b:s4+s24], $0x80, s20, s24, $0xb8;
	[tilespmem:$0x1CE00] =	vst v63  }
0x59: {  	s16 =	simm.s32 $0x0;
	s20 =	rddreg [dreg:$0x10]  }
.LBB2_2:
0x5a: {  	_ =	swait.ge [sflag:s0], $0x28  }
0x5b: {  	[sflag:s0] =	ssyncset.done $0x0  }
0x5c: {  	[sflag:s0] =	ssyncadd.s32 $0xFFFFFFD8  }
0x5d: {  	_ =	swait.ge [sflag:s0], $0x1400  }
0x5e: {  	p0 =	seq.s32 s16, $0x9920;
	[sflag:s0] =	ssyncset.done $0x0  }
0x5f: {  	s14 =	simm.s32 @p0 $0x2;
	[sflag:s0] =	ssyncadd.s32 $0xFFFFEC00  }
0x60: {  	[spmem:s2] =	stream.indirect.scatter.add.f32 [tilespmem:s25], [sflag:$0x6], $0x80, s23, s24, $0xb8;
	[tilespmem:$0x1CE00] =	vst v63  }
0x61: {  	_ =	swait.ge @p0 [sflag:s14], $0x28  }
0x62: {  	[sflag:s14] =	ssyncset.done @p0 $0x0  }
0x63: {  	[sflag:s14] =	ssyncadd.s32 @p0 $0xFFFFFFD8  }
0x64: {  	_ =	swait.ge @p0 [sflag:s14], $0x1400  }
0x65: {  	s6 =	simm.s32 @p0 $0x28;
	[sflag:s14] =	ssyncset.done @p0 $0x0  }
0x66: {  	s15 =	simm.s32 @p0 $0x3E00;
	[sflag:s14] =	ssyncadd.s32 @p0 $0xFFFFEC00;
	s14 =	simm.s32 @p0 $0x2800  }
0x67: {  	[spmem:s2] =	stream.indirect.scatter.add.f32 @p0 [tilespmem:s15], [sflag:$0x7], $0x80, s14, s6, $0xb8;
	[tilespmem:$0x1CE00] =	vst v63  }
0x68: {  	s14 =	simm.s32 @!p0 $0x6  }
0x69: {  	_ =	swait.ge @!p0 [sflag:s14], $0x1400  }
0x6a: {  	[sflag:s14] =	ssyncset.done @!p0 $0x0  }
0x6b: {  	[sflag:s14] =	ssyncadd.s32 @!p0 $0xFFFFEC00;
	s14 =	sshrl.u32 @!p0 s20, $0x3  }
0x6c: {  	s8 =	simm.s32 @!p0 $0x2780;
	s15 =	simm.s32 @!p0 $0x0;
	s14 =	sadd.s32 @!p0 s5, s14  }
0x6d: {  	[tilespmem:s8], [sflag:$0x1] =	stream.linear.gather @!p0 [hbm4b:s14+s15], $0x28, $0x38;
	[tilespmem:$0x1CE00] =	vst v63  }
0x6e: {  	s14 =	sshra.s32 @!p0 s16, $0x2  }
0x6f: {  	s10 =	simm.s32 @!p0 $0x28;
	s11 =	simm.s32 @!p0 $0x2A00;
	s8 =	sadd.s32 @!p0 $0xC8, s14  }
0x70: {  	[tilespmem:s11], [sflag:$0x1] =	stream.indirect.gather @!p0 [hbm4b:s4+s10], $0x80, s8, s10, $0xb8;
	[tilespmem:$0x1CE00] =	vst v63  }
0x71: {  	s8 =	simm.s32 @!p0 $0x2  }
0x72: {  	_ =	swait.ge @!p0 [sflag:s8], $0x28  }
0x73: {  	[sflag:s8] =	ssyncset.done @!p0 $0x0  }
0x74: {  	[sflag:s8] =	ssyncadd.s32 @!p0 $0xFFFFFFD8  }
0x75: {  	_ =	swait.ge @!p0 [sflag:s8], $0x1400  }
0x76: {  	s7 =	simm.s32 @!p0 $0x7;
	[sflag:s8] =	ssyncset.done @!p0 $0x0  }
0x77: {  	s11 =	simm.s32 @!p0 $0x3E00;
	[sflag:s8] =	ssyncadd.s32 @!p0 $0xFFFFEC00;
	s8 =	simm.s32 @!p0 $0x2800  }
0x78: {  	[spmem:s2] =	stream.indirect.scatter.add.f32 @!p0 [tilespmem:s11], [sflag:$0x7], $0x80, s8, s10, $0xb8;
	[tilespmem:$0x1CE00] =	vst v63  }
0x79: {  	_ =	swait.ge @!p0 [sflag:s7], $0x1400  }
0x7a: {  	[sflag:s7] =	ssyncset.done @!p0 $0x0  }
0x7b: {  	[sflag:s7] =	ssyncadd.s32 @!p0 $0xFFFFEC00  }
0x7c: {  	[tilespmem:s8], [sflag:$0x2] =	stream.linear.gather @!p0 [hbm4b:s19+s15], $0x28, $0x38;
	[tilespmem:$0x1CE00] =	vst v63  }
0x7d: {  	s7 =	sadd.s32 @!p0 $0xF0, s14  }
0x7e: {  	[tilespmem:s11], [sflag:$0x2] =	stream.indirect.gather @!p0 [hbm4b:s4+s10], $0x80, s7, s10, $0xb8;
	[tilespmem:$0x1CE00] =	vst v63  }
0x7f: {  	_ =	swait.ge [sflag:s26], $0x28  }
0x80: {  	[sflag:s26] =	ssyncset.done $0x0  }
0x81: {  	[sflag:s26] =	ssyncadd.s32 $0xFFFFFFD8  }
0x82: {  	_ =	swait.ge [sflag:s26], $0x1400  }
0x83: {  	[sflag:s26] =	ssyncset.done $0x0  }
0x84: {  	s7 =	simm.s32 @p0 $0x4;
	[sflag:s26] =	ssyncadd.s32 $0xFFFFEC00  }
0x85: {  	[spmem:s2] =	stream.indirect.scatter.add.f32 [tilespmem:s31], [sflag:$0x8], $0x80, s29, s24, $0xb8;
	[tilespmem:$0x1CE00] =	vst v63  }
0x86: {  	_ =	swait.ge @p0 [sflag:s7], $0x28  }
0x87: {  	[sflag:s7] =	ssyncset.done @p0 $0x0  }
0x88: {  	[sflag:s7] =	ssyncadd.s32 @p0 $0xFFFFFFD8  }
0x89: {  	_ =	swait.ge @p0 [sflag:s7], $0x1400  }
0x8a: {  	[sflag:s7] =	ssyncset.done @p0 $0x0  }
0x8b: {  	s8 =	simm.s32 @p0 $0x6600;
	[sflag:s7] =	ssyncadd.s32 @p0 $0xFFFFEC00;
	s7 =	simm.s32 @p0 $0x2900  }
0x8c: {  	[spmem:s2] =	stream.indirect.scatter.add.f32 @p0 [tilespmem:s8], [sflag:$0x9], $0x80, s7, s6, $0xb8;
	[tilespmem:$0x1CE00] =	vst v63  }
0x8d: {  	s6 =	simm.s32 @!p0 $0x8  }
0x8e: {  	_ =	swait.ge @!p0 [sflag:s6], $0x1400  }
0x8f: {  	[sflag:s6] =	ssyncset.done @!p0 $0x0  }
0x90: {  	[sflag:s6] =	ssyncadd.s32 @!p0 $0xFFFFEC00;
	s6 =	simm.s32 @!p0 $0x2880  }
0x91: {  	[tilespmem:s6], [sflag:$0x3] =	stream.linear.gather @!p0 [hbm4b:s18+s15], $0x28, $0x38;
	[tilespmem:$0x1CE00] =	vst v63  }
0x92: {  	s7 =	simm.s32 @!p0 $0x5200;
	s6 =	sadd.s32 @!p0 $0x118, s14  }
0x93: {  	[tilespmem:s7], [sflag:$0x3] =	stream.indirect.gather @!p0 [hbm4b:s4+s10], $0x80, s6, s10, $0xb8;
	[tilespmem:$0x1CE00] =	vst v63  }
0x94: {  	s6 =	simm.s32 @!p0 $0x4  }
0x95: {  	_ =	swait.ge @!p0 [sflag:s6], $0x28  }
0x96: {  	[sflag:s6] =	ssyncset.done @!p0 $0x0  }
0x97: {  	[sflag:s6] =	ssyncadd.s32 @!p0 $0xFFFFFFD8  }
0x98: {  	_ =	swait.ge @!p0 [sflag:s6], $0x1400  }
0x99: {  	s8 =	simm.s32 @!p0 $0x9;
	[sflag:s6] =	ssyncset.done @!p0 $0x0  }
0x9a: {  	s7 =	simm.s32 @!p0 $0x6600;
	[sflag:s6] =	ssyncadd.s32 @!p0 $0xFFFFEC00;
	s6 =	simm.s32 @!p0 $0x2900  }
0x9b: {  	[spmem:s2] =	stream.indirect.scatter.add.f32 @!p0 [tilespmem:s7], [sflag:$0x9], $0x80, s6, s10, $0xb8;
	[tilespmem:$0x1CE00] =	vst v63  }
0x9c: {  	_ =	swait.ge @!p0 [sflag:s8], $0x1400  }
0x9d: {  	[sflag:s8] =	ssyncset.done @!p0 $0x0  }
0x9e: {  	[sflag:s8] =	ssyncadd.s32 @!p0 $0xFFFFEC00  }
0x9f: {  	[tilespmem:s6], [sflag:$0x4] =	stream.linear.gather @!p0 [hbm4b:s17+s15], $0x28, $0x38;
	[tilespmem:$0x1CE00] =	vst v63  }
0xa0: {  	s6 =	sadd.s32 @!p0 $0x140, s14  }
0xa1: {  	[tilespmem:s7], [sflag:$0x4] =	stream.indirect.gather @!p0 [hbm4b:s4+s10], $0x80, s6, s10, $0xb8;
	[tilespmem:$0x1CE00] =	vst v63  }
0xa2: {  	_ =	swait.ge [sflag:s30], $0x28  }
0xa3: {  	[sflag:s30] =	ssyncset.done $0x0  }
.Ltmp2:
0xa4: {  	[sflag:s30] =	ssyncadd.s32 $0xFFFFFFD8;
	(pc) =	sbr.rel @p0 .LBB2_4-.Ltmp2, $4  }
0xa5: {  	_ =	swait.ge [sflag:s30], $0x1400  }
0xa6: {  	[sflag:s30] =	ssyncset.done $0x0  }
0xa7: {  	[sflag:s30] =	ssyncadd.s32 $0xFFFFEC00  }
0xa8: {  	[spmem:s2] =	stream.indirect.scatter.add.f32 [tilespmem:s1], [sflag:$0xA], $0x80, s28, s24, $0xb8;
	[tilespmem:$0x1CE00] =	vst v63  }
0xa9: {  	_ =	swait.ge [sflag:s12], $0x1400;
	s6 =	sshra.s32 s16, $0x2;
	s16 =	sadd.s32 $0x320, s16  }
.Ltmp3:
0xaa: {  	s17 =	sadd.s32 $0x19, s17;
	[sflag:s12] =	ssyncset.done $0x0;
	(pc) =	sbr.rel .LBB2_2-.Ltmp3, $4  }
0xab: {  	s18 =	sadd.s32 $0x19, s18;
	s19 =	sadd.s32 $0x19, s19;
	[sflag:s12] =	ssyncadd.s32 $0xFFFFEC00  }
0xac: {  	[tilespmem:s28], [sflag:$0x5] =	stream.linear.gather [hbm4b:s9+s3], $0x28, $0x38;
	[tilespmem:$0x1CE00] =	vst v63  }
0xad: {  	s20 =	sadd.s32 $0xC8, s20;
	s6 =	sadd.s32 $0x168, s6;
	s9 =	sadd.s32 $0x19, s9  }
0xae: {  	[tilespmem:s1], [sflag:$0x5] =	stream.indirect.gather [hbm4b:s4+s24], $0x80, s6, s24, $0xb8;
	[tilespmem:$0x1CE00] =	vst v63  }
.LBB2_5:
0xaf: {  	_ =	sfence.sel $0x180000  }
0xb0: {  	[bflag:$0x0] =	sbarrier.arrive $0xFFFF  }
0xb1: {  	_ =	strace $0x9000004A  }
0xb2: {  	s0 =	stileid.u32;
	[bflag:$0x2] =	sbarrier.arrive $0xFFFF  }
0xb3: {  	p0 =	sne.s32 s0, $0x0;
	s0 =	rddreg [dreg:$0x2]  }
0xb4: {  	s0 =	sadd.s32 @!p0 $0x100000, s0  }
0xb5: {  	[sflag:s0] =	ssyncadd.tile.s32 @!p0 $0x1;
	_ =	shalt  }
.Lfunc_end2:
_tile_overlayer_lowered:
.L_overlay_start_2:
0xb6: {  	(tag) =	ssettag $0x2  }
0xb7: {  	s0 =	rddreg [dreg:$0x0];
	s2 =	stileid.u32  }
0xb8: {  	s1 =	rddreg [dreg:$0x1];
	p0 =	sne.s32 s2, $0x0  }
0xb9: {  	s3 =	rddreg [dreg:$0x2];
	[bflag:$0x3] =	sbarrier.arrive $0xFFFF;
	s2 =	simm.s32 @!p0 $0x1C0B  }
0xba: {  	[timem:s3], [sflag:s2] =	dma.local @!p0 [hbm:s0], s1  }
0xbb: {  	s0 =	simm.s32 @!p0 $0xB  }
0xbc: {  	_ =	swait.ge @!p0 [sflag:s0], s1  }
0xbd: {  	s1 =	ssub.s32 @!p0 $0x0, s1;
	[sflag:s0] =	ssyncset.done @!p0 $0x0  }
0xbe: {  	[sflag:s0] =	ssyncadd.s32 @!p0 s1  }
0xbf: {  	[bflag:$0x3] =	sbarrier.arrive $0xFFFF  }
0xc0: {  	_ =	shalt  }

</sc_bundles>
